<compile_context>
chip_gen: v7x
topology: tpu7x:2x2x1
jax: 0.10.2.dev20260603
libtpu: 0.0.44.dev20260713+nightly
codegen_flags: <defaults>
</compile_context>

<pallas_src>
import jax
import jax.numpy as jnp
from jax import lax
from jax.experimental import pallas as pl
from jax.experimental.pallas import tpu as pltpu
from jax.experimental.pallas import tpu_sc as plsc

VOCAB = 1000000
D_MODEL = 64
BATCH = 4096
SEQ = 200

CHUNK = 128
NBUF = 10
N_TOKENS = BATCH * SEQ
_info = plsc.get_sparse_core_info()
NC, NS = _info.num_cores, _info.num_subcores
NW = NC * NS
CHUNKS_PER_W = N_TOKENS // (NW * CHUNK)
ROWS_PER_W = CHUNKS_PER_W * CHUNK
NGROUPS = CHUNKS_PER_W // NBUF


def _gather_kernel(w_hbm, idx_hbm, out_hbm, idx_v, rows_v, gsem, ssem):
    wid = lax.axis_index("s") * NC + lax.axis_index("c")
    pltpu.sync_copy(idx_hbm.at[pl.ds(wid * CHUNKS_PER_W, CHUNKS_PER_W)], idx_v)
    base = wid * ROWS_PER_W

    def start_gather(j, b):
        pltpu.async_copy(w_hbm.at[idx_v.at[j]], rows_v.at[b], gsem.at[b])

    def wait_gather(b):
        pltpu.make_async_copy(
            w_hbm.at[idx_v.at[0]], rows_v.at[b], gsem.at[b]).wait()

    def start_store(j, b):
        pltpu.async_copy(
            rows_v.at[b], out_hbm.at[pl.ds(base + j * CHUNK, CHUNK)],
            ssem.at[b])

    def wait_store(b):
        pltpu.make_async_copy(
            rows_v.at[b], out_hbm.at[pl.ds(base, CHUNK)], ssem.at[b]).wait()

    for b in range(NBUF):
        start_gather(b, b)

    def group(g, carry):
        for b in range(NBUF):
            wait_gather(b)
            start_store(g * NBUF + b, b)
        for b in range(NBUF):
            wait_store(b)
            start_gather((g + 1) * NBUF + b, b)
        return carry

    lax.fori_loop(0, NGROUPS - 1, group, 0)

    for b in range(NBUF):
        wait_gather(b)
        start_store((NGROUPS - 1) * NBUF + b, b)
    for b in range(NBUF):
        wait_store(b)


@jax.jit
def _embed(token_ids, weight):
    idx2d = token_ids.reshape(NW * CHUNKS_PER_W, CHUNK)
    mesh = plsc.VectorSubcoreMesh(core_axis_name="c", subcore_axis_name="s")
    out = pl.kernel(
        _gather_kernel,
        mesh=mesh,
        out_type=jax.ShapeDtypeStruct((N_TOKENS, D_MODEL), jnp.float32),
        scratch_types=[
            pltpu.VMEM((CHUNKS_PER_W, CHUNK), jnp.int32),
            pltpu.VMEM((NBUF, CHUNK, D_MODEL), jnp.float32),
            pltpu.SemaphoreType.DMA((NBUF,)),
            pltpu.SemaphoreType.DMA((NBUF,)),
        ],
        compiler_params=pltpu.CompilerParams(use_tc_tiling_on_sc=False),
    )(weight, idx2d)
    return out.reshape(BATCH, SEQ, D_MODEL)


def kernel(token_ids, weight):
    return _embed(token_ids, weight)

# --- scband reference (transcript-rebuilt; emitter-appended) ---
"""Pipeline reference for scband-embedding-1589137899892 (READ-ONLY COPY).

The authoritative reference and input builder live on the scoring server;
editing this copy changes nothing except your own understanding.
"""

import jax, jax.numpy as jnp
import numpy as np

VOCAB = 1000000
D_MODEL = 64
BATCH = 4096
SEQ = 200

def setup_inputs(seed: int = 0) -> dict:
    key = jax.random.key(seed)
    k_idx, k_w = jax.random.split(key)
    token_ids = jax.random.randint(k_idx, (BATCH, SEQ), 0, VOCAB, dtype=jnp.int64 if jax.config.jax_enable_x64 else jnp.int32)
    # trunc_normal_(std=1, a=-3, b=3) approximated via truncated normal
    weight = jax.random.truncated_normal(k_w, -3.0, 3.0, (VOCAB, D_MODEL), dtype=jnp.float32)
    return {"token_ids": token_ids, "weight": weight}

def reference(token_ids, weight):
    # Faithful translation of: return self.weight[token_ids]
    return jnp.take(weight, token_ids, axis=0)

if __name__ == "__main__":
    import jax
    _d = setup_inputs()
    print(jax.jit(kernel)(*tuple(_d.values())))

</pallas_src>

<mosaic_0001>
#map = affine_map<(d0, d1) -> (0, 0)>
module attributes {stable_mosaic.version = 14 : i64} {
  func.func @_gather_kernel(%arg0: i32, %arg1: i32, %arg2: memref<1000000x64xf32, #tpu.memory_space<hbm>>, %arg3: memref<6400x128xi32, #tpu.memory_space<hbm>>, %arg4: memref<819200x64xf32, #tpu.memory_space<hbm>>, %arg5: memref<200x128xi32, #tpu.memory_space<vmem>>, %arg6: memref<10x128x64xf32, #tpu.memory_space<vmem>>, %arg7: memref<10x!tpu.dma_semaphore, #tpu.memory_space<semaphore_mem>>, %arg8: memref<10x!tpu.dma_semaphore, #tpu.memory_space<semaphore_mem>>) attributes {dimension_semantics = [#tpu.dimension_semantics<core_parallel>, #tpu.dimension_semantics<subcore_parallel>], iteration_bounds = array<i64: 2, 16>, scalar_prefetch = 0 : i64, scratch_operands = 4 : i64, tpu.core_type = #tpu.core_type<sc_vector_subcore>, window_params = [{transform_indices = #map}, {transform_indices = #map}, {transform_indices = #map}]} {
    %mul3A = arith.constant 2 : i32
    %mul3A_0 = arith.muli %arg1, %mul3A : i32
    %add3A = arith.addi %mul3A_0, %arg0 : i32
    %mul3A_1 = arith.constant 200 : i32
    %mul3A_2 = arith.muli %add3A, %mul3A_1 : i32
    "tpu.region"() ({
      %run_scoped3A = tpu.sem_alloc : memref<!tpu.dma_semaphore, #tpu.memory_space<semaphore_mem>>
      %dma_start3A_648 = arith.constant 0 : i32
      %dma_start3A_649 = tpu.memref_slice %arg3[%mul3A_2, %dma_start3A_648] : memref<6400x128xi32, #tpu.memory_space<hbm>> -> memref<200x128xi32, #tpu.memory_space<hbm>>
      %dma_start3A_650 = arith.constant 0 : i32
      %dma_start3A_651 = tpu.memref_slice %arg3[%mul3A_2, %dma_start3A_650] : memref<6400x128xi32, #tpu.memory_space<hbm>> -> memref<200x128xi32, #tpu.memory_space<hbm>>
      tpu.enqueue_dma source(%dma_start3A_651 : memref<200x128xi32, #tpu.memory_space<hbm>>) target(%arg5 : memref<200x128xi32, #tpu.memory_space<vmem>>) target_semaphore(%run_scoped3A : memref<!tpu.dma_semaphore, #tpu.memory_space<semaphore_mem>>)
      %dma_wait3A_652 = arith.constant 0 : i32
      %dma_wait3A_653 = tpu.memref_slice %arg3[%mul3A_2, %dma_wait3A_652] : memref<6400x128xi32, #tpu.memory_space<hbm>> -> memref<200x128xi32, #tpu.memory_space<hbm>>
      %dma_wait3A_654 = arith.constant 0 : i32
      %dma_wait3A_655 = tpu.memref_slice %arg3[%mul3A_2, %dma_wait3A_654] : memref<6400x128xi32, #tpu.memory_space<hbm>> -> memref<200x128xi32, #tpu.memory_space<hbm>>
      tpu.wait_dma2 semaphore(%run_scoped3A : memref<!tpu.dma_semaphore, #tpu.memory_space<semaphore_mem>>) src(%dma_wait3A_655 : memref<200x128xi32, #tpu.memory_space<hbm>>) dst(%arg5 : memref<200x128xi32, #tpu.memory_space<vmem>>)
      tpu.yield
    }) : () -> ()
    %mul3A_3 = arith.constant 25600 : i32
    %mul3A_4 = arith.muli %add3A, %mul3A_3 : i32
    %dma_start3A = arith.constant 0 : i32
    %dma_start3A_5 = arith.constant 0 : i32
    %dma_start3A_6 = arith.constant 0 : i32
    %dma_start3A_7 = arith.constant 0 : i32
    %dma_start3A_8 = arith.constant 0 : i32
    %dma_start3A_9 = tpu.memref_slice %arg6[%dma_start3A_5, %dma_start3A_7, %dma_start3A_8] : memref<10x128x64xf32, #tpu.memory_space<vmem>> -> memref<1x128x64xf32, #tpu.memory_space<vmem>>
    %dma_start3A_10 = tpu.memref_squeeze %dma_start3A_9 : memref<1x128x64xf32, #tpu.memory_space<vmem>> -> memref<128x64xf32, #tpu.memory_space<vmem>>
    %dma_start3A_11 = arith.constant 0 : i32
    %dma_start3A_12 = tpu.memref_slice %arg5[%dma_start3A, %dma_start3A_11] : memref<200x128xi32, #tpu.memory_space<vmem>> -> memref<1x128xi32, #tpu.memory_space<vmem>>
    %dma_start3A_13 = tpu.memref_squeeze %dma_start3A_12 : memref<1x128xi32, #tpu.memory_space<vmem>> -> memref<128xi32, #tpu.memory_space<vmem>>
    %dma_start3A_14 = arith.constant 0 : i32
    %dma_start3A_15 = arith.constant 0 : i32
    %dma_start3A_16 = tpu.memref_slice %arg2[%dma_start3A_14, %dma_start3A_15] : memref<1000000x64xf32, #tpu.memory_space<hbm>> -> memref<1000000x64xf32, #tpu.memory_space<hbm>>
    %dma_start3A_17 = tpu.memref_slice %arg7[%dma_start3A_6] : memref<10x!tpu.dma_semaphore, #tpu.memory_space<semaphore_mem>> -> memref<1x!tpu.dma_semaphore, #tpu.memory_space<semaphore_mem>>
    %dma_start3A_18 = tpu.memref_squeeze %dma_start3A_17 : memref<1x!tpu.dma_semaphore, #tpu.memory_space<semaphore_mem>> -> memref<!tpu.dma_semaphore, #tpu.memory_space<semaphore_mem>>
    tpu.enqueue_indirect_dma source(%dma_start3A_16 : memref<1000000x64xf32, #tpu.memory_space<hbm>>) target(%dma_start3A_10 : memref<128x64xf32, #tpu.memory_space<vmem>>) offsets(%dma_start3A_13 : memref<128xi32, #tpu.memory_space<vmem>>) semaphore(%dma_start3A_18 : memref<!tpu.dma_semaphore, #tpu.memory_space<semaphore_mem>>)
    %dma_start3A_19 = arith.constant 1 : i32
    %dma_start3A_20 = arith.constant 1 : i32
    %dma_start3A_21 = arith.constant 1 : i32
    %dma_start3A_22 = arith.constant 0 : i32
    %dma_start3A_23 = arith.constant 0 : i32
    %dma_start3A_24 = tpu.memref_slice %arg6[%dma_start3A_20, %dma_start3A_22, %dma_start3A_23] : memref<10x128x64xf32, #tpu.memory_space<vmem>> -> memref<1x128x64xf32, #tpu.memory_space<vmem>>
    %dma_start3A_25 = tpu.memref_squeeze %dma_start3A_24 : memref<1x128x64xf32, #tpu.memory_space<vmem>> -> memref<128x64xf32, #tpu.memory_space<vmem>>
    %dma_start3A_26 = arith.constant 0 : i32
    %dma_start3A_27 = tpu.memref_slice %arg5[%dma_start3A_19, %dma_start3A_26] : memref<200x128xi32, #tpu.memory_space<vmem>> -> memref<1x128xi32, #tpu.memory_space<vmem>>
    %dma_start3A_28 = tpu.memref_squeeze %dma_start3A_27 : memref<1x128xi32, #tpu.memory_space<vmem>> -> memref<128xi32, #tpu.memory_space<vmem>>
    %dma_start3A_29 = arith.constant 0 : i32
    %dma_start3A_30 = arith.constant 0 : i32
    %dma_start3A_31 = tpu.memref_slice %arg2[%dma_start3A_29, %dma_start3A_30] : memref<1000000x64xf32, #tpu.memory_space<hbm>> -> memref<1000000x64xf32, #tpu.memory_space<hbm>>
    %dma_start3A_32 = tpu.memref_slice %arg7[%dma_start3A_21] : memref<10x!tpu.dma_semaphore, #tpu.memory_space<semaphore_mem>> -> memref<1x!tpu.dma_semaphore, #tpu.memory_space<semaphore_mem>>
    %dma_start3A_33 = tpu.memref_squeeze %dma_start3A_32 : memref<1x!tpu.dma_semaphore, #tpu.memory_space<semaphore_mem>> -> memref<!tpu.dma_semaphore, #tpu.memory_space<semaphore_mem>>
    tpu.enqueue_indirect_dma source(%dma_start3A_31 : memref<1000000x64xf32, #tpu.memory_space<hbm>>) target(%dma_start3A_25 : memref<128x64xf32, #tpu.memory_space<vmem>>) offsets(%dma_start3A_28 : memref<128xi32, #tpu.memory_space<vmem>>) semaphore(%dma_start3A_33 : memref<!tpu.dma_semaphore, #tpu.memory_space<semaphore_mem>>)
    %dma_start3A_34 = arith.constant 2 : i32
    %dma_start3A_35 = arith.constant 2 : i32
    %dma_start3A_36 = arith.constant 2 : i32
    %dma_start3A_37 = arith.constant 0 : i32
    %dma_start3A_38 = arith.constant 0 : i32
    %dma_start3A_39 = tpu.memref_slice %arg6[%dma_start3A_35, %dma_start3A_37, %dma_start3A_38] : memref<10x128x64xf32, #tpu.memory_space<vmem>> -> memref<1x128x64xf32, #tpu.memory_space<vmem>>
    %dma_start3A_40 = tpu.memref_squeeze %dma_start3A_39 : memref<1x128x64xf32, #tpu.memory_space<vmem>> -> memref<128x64xf32, #tpu.memory_space<vmem>>
    %dma_start3A_41 = arith.constant 0 : i32
    %dma_start3A_42 = tpu.memref_slice %arg5[%dma_start3A_34, %dma_start3A_41] : memref<200x128xi32, #tpu.memory_space<vmem>> -> memref<1x128xi32, #tpu.memory_space<vmem>>
    %dma_start3A_43 = tpu.memref_squeeze %dma_start3A_42 : memref<1x128xi32, #tpu.memory_space<vmem>> -> memref<128xi32, #tpu.memory_space<vmem>>
    %dma_start3A_44 = arith.constant 0 : i32
    %dma_start3A_45 = arith.constant 0 : i32
    %dma_start3A_46 = tpu.memref_slice %arg2[%dma_start3A_44, %dma_start3A_45] : memref<1000000x64xf32, #tpu.memory_space<hbm>> -> memref<1000000x64xf32, #tpu.memory_space<hbm>>
    %dma_start3A_47 = tpu.memref_slice %arg7[%dma_start3A_36] : memref<10x!tpu.dma_semaphore, #tpu.memory_space<semaphore_mem>> -> memref<1x!tpu.dma_semaphore, #tpu.memory_space<semaphore_mem>>
    %dma_start3A_48 = tpu.memref_squeeze %dma_start3A_47 : memref<1x!tpu.dma_semaphore, #tpu.memory_space<semaphore_mem>> -> memref<!tpu.dma_semaphore, #tpu.memory_space<semaphore_mem>>
    tpu.enqueue_indirect_dma source(%dma_start3A_46 : memref<1000000x64xf32, #tpu.memory_space<hbm>>) target(%dma_start3A_40 : memref<128x64xf32, #tpu.memory_space<vmem>>) offsets(%dma_start3A_43 : memref<128xi32, #tpu.memory_space<vmem>>) semaphore(%dma_start3A_48 : memref<!tpu.dma_semaphore, #tpu.memory_space<semaphore_mem>>)
    %dma_start3A_49 = arith.constant 3 : i32
    %dma_start3A_50 = arith.constant 3 : i32
    %dma_start3A_51 = arith.constant 3 : i32
    %dma_start3A_52 = arith.constant 0 : i32
    %dma_start3A_53 = arith.constant 0 : i32
    %dma_start3A_54 = tpu.memref_slice %arg6[%dma_start3A_50, %dma_start3A_52, %dma_start3A_53] : memref<10x128x64xf32, #tpu.memory_space<vmem>> -> memref<1x128x64xf32, #tpu.memory_space<vmem>>
    %dma_start3A_55 = tpu.memref_squeeze %dma_start3A_54 : memref<1x128x64xf32, #tpu.memory_space<vmem>> -> memref<128x64xf32, #tpu.memory_space<vmem>>
    %dma_start3A_56 = arith.constant 0 : i32
    %dma_start3A_57 = tpu.memref_slice %arg5[%dma_start3A_49, %dma_start3A_56] : memref<200x128xi32, #tpu.memory_space<vmem>> -> memref<1x128xi32, #tpu.memory_space<vmem>>
    %dma_start3A_58 = tpu.memref_squeeze %dma_start3A_57 : memref<1x128xi32, #tpu.memory_space<vmem>> -> memref<128xi32, #tpu.memory_space<vmem>>
    %dma_start3A_59 = arith.constant 0 : i32
    %dma_start3A_60 = arith.constant 0 : i32
    %dma_start3A_61 = tpu.memref_slice %arg2[%dma_start3A_59, %dma_start3A_60] : memref<1000000x64xf32, #tpu.memory_space<hbm>> -> memref<1000000x64xf32, #tpu.memory_space<hbm>>
    %dma_start3A_62 = tpu.memref_slice %arg7[%dma_start3A_51] : memref<10x!tpu.dma_semaphore, #tpu.memory_space<semaphore_mem>> -> memref<1x!tpu.dma_semaphore, #tpu.memory_space<semaphore_mem>>
    %dma_start3A_63 = tpu.memref_squeeze %dma_start3A_62 : memref<1x!tpu.dma_semaphore, #tpu.memory_space<semaphore_mem>> -> memref<!tpu.dma_semaphore, #tpu.memory_space<semaphore_mem>>
    tpu.enqueue_indirect_dma source(%dma_start3A_61 : memref<1000000x64xf32, #tpu.memory_space<hbm>>) target(%dma_start3A_55 : memref<128x64xf32, #tpu.memory_space<vmem>>) offsets(%dma_start3A_58 : memref<128xi32, #tpu.memory_space<vmem>>) semaphore(%dma_start3A_63 : memref<!tpu.dma_semaphore, #tpu.memory_space<semaphore_mem>>)
    %dma_start3A_64 = arith.constant 4 : i32
    %dma_start3A_65 = arith.constant 4 : i32
    %dma_start3A_66 = arith.constant 4 : i32
    %dma_start3A_67 = arith.constant 0 : i32
    %dma_start3A_68 = arith.constant 0 : i32
    %dma_start3A_69 = tpu.memref_slice %arg6[%dma_start3A_65, %dma_start3A_67, %dma_start3A_68] : memref<10x128x64xf32, #tpu.memory_space<vmem>> -> memref<1x128x64xf32, #tpu.memory_space<vmem>>
    %dma_start3A_70 = tpu.memref_squeeze %dma_start3A_69 : memref<1x128x64xf32, #tpu.memory_space<vmem>> -> memref<128x64xf32, #tpu.memory_space<vmem>>
    %dma_start3A_71 = arith.constant 0 : i32
    %dma_start3A_72 = tpu.memref_slice %arg5[%dma_start3A_64, %dma_start3A_71] : memref<200x128xi32, #tpu.memory_space<vmem>> -> memref<1x128xi32, #tpu.memory_space<vmem>>
    %dma_start3A_73 = tpu.memref_squeeze %dma_start3A_72 : memref<1x128xi32, #tpu.memory_space<vmem>> -> memref<128xi32, #tpu.memory_space<vmem>>
    %dma_start3A_74 = arith.constant 0 : i32
    %dma_start3A_75 = arith.constant 0 : i32
    %dma_start3A_76 = tpu.memref_slice %arg2[%dma_start3A_74, %dma_start3A_75] : memref<1000000x64xf32, #tpu.memory_space<hbm>> -> memref<1000000x64xf32, #tpu.memory_space<hbm>>
    %dma_start3A_77 = tpu.memref_slice %arg7[%dma_start3A_66] : memref<10x!tpu.dma_semaphore, #tpu.memory_space<semaphore_mem>> -> memref<1x!tpu.dma_semaphore, #tpu.memory_space<semaphore_mem>>
    %dma_start3A_78 = tpu.memref_squeeze %dma_start3A_77 : memref<1x!tpu.dma_semaphore, #tpu.memory_space<semaphore_mem>> -> memref<!tpu.dma_semaphore, #tpu.memory_space<semaphore_mem>>
    tpu.enqueue_indirect_dma source(%dma_start3A_76 : memref<1000000x64xf32, #tpu.memory_space<hbm>>) target(%dma_start3A_70 : memref<128x64xf32, #tpu.memory_space<vmem>>) offsets(%dma_start3A_73 : memref<128xi32, #tpu.memory_space<vmem>>) semaphore(%dma_start3A_78 : memref<!tpu.dma_semaphore, #tpu.memory_space<semaphore_mem>>)
    %dma_start3A_79 = arith.constant 5 : i32
    %dma_start3A_80 = arith.constant 5 : i32
    %dma_start3A_81 = arith.constant 5 : i32
    %dma_start3A_82 = arith.constant 0 : i32
    %dma_start3A_83 = arith.constant 0 : i32
    %dma_start3A_84 = tpu.memref_slice %arg6[%dma_start3A_80, %dma_start3A_82, %dma_start3A_83] : memref<10x128x64xf32, #tpu.memory_space<vmem>> -> memref<1x128x64xf32, #tpu.memory_space<vmem>>
    %dma_start3A_85 = tpu.memref_squeeze %dma_start3A_84 : memref<1x128x64xf32, #tpu.memory_space<vmem>> -> memref<128x64xf32, #tpu.memory_space<vmem>>
    %dma_start3A_86 = arith.constant 0 : i32
    %dma_start3A_87 = tpu.memref_slice %arg5[%dma_start3A_79, %dma_start3A_86] : memref<200x128xi32, #tpu.memory_space<vmem>> -> memref<1x128xi32, #tpu.memory_space<vmem>>
    %dma_start3A_88 = tpu.memref_squeeze %dma_start3A_87 : memref<1x128xi32, #tpu.memory_space<vmem>> -> memref<128xi32, #tpu.memory_space<vmem>>
    %dma_start3A_89 = arith.constant 0 : i32
    %dma_start3A_90 = arith.constant 0 : i32
    %dma_start3A_91 = tpu.memref_slice %arg2[%dma_start3A_89, %dma_start3A_90] : memref<1000000x64xf32, #tpu.memory_space<hbm>> -> memref<1000000x64xf32, #tpu.memory_space<hbm>>
    %dma_start3A_92 = tpu.memref_slice %arg7[%dma_start3A_81] : memref<10x!tpu.dma_semaphore, #tpu.memory_space<semaphore_mem>> -> memref<1x!tpu.dma_semaphore, #tpu.memory_space<semaphore_mem>>
    %dma_start3A_93 = tpu.memref_squeeze %dma_start3A_92 : memref<1x!tpu.dma_semaphore, #tpu.memory_space<semaphore_mem>> -> memref<!tpu.dma_semaphore, #tpu.memory_space<semaphore_mem>>
    tpu.enqueue_indirect_dma source(%dma_start3A_91 : memref<1000000x64xf32, #tpu.memory_space<hbm>>) target(%dma_start3A_85 : memref<128x64xf32, #tpu.memory_space<vmem>>) offsets(%dma_start3A_88 : memref<128xi32, #tpu.memory_space<vmem>>) semaphore(%dma_start3A_93 : memref<!tpu.dma_semaphore, #tpu.memory_space<semaphore_mem>>)
    %dma_start3A_94 = arith.constant 6 : i32
    %dma_start3A_95 = arith.constant 6 : i32
    %dma_start3A_96 = arith.constant 6 : i32
    %dma_start3A_97 = arith.constant 0 : i32
    %dma_start3A_98 = arith.constant 0 : i32
    %dma_start3A_99 = tpu.memref_slice %arg6[%dma_start3A_95, %dma_start3A_97, %dma_start3A_98] : memref<10x128x64xf32, #tpu.memory_space<vmem>> -> memref<1x128x64xf32, #tpu.memory_space<vmem>>
    %dma_start3A_100 = tpu.memref_squeeze %dma_start3A_99 : memref<1x128x64xf32, #tpu.memory_space<vmem>> -> memref<128x64xf32, #tpu.memory_space<vmem>>
    %dma_start3A_101 = arith.constant 0 : i32
    %dma_start3A_102 = tpu.memref_slice %arg5[%dma_start3A_94, %dma_start3A_101] : memref<200x128xi32, #tpu.memory_space<vmem>> -> memref<1x128xi32, #tpu.memory_space<vmem>>
    %dma_start3A_103 = tpu.memref_squeeze %dma_start3A_102 : memref<1x128xi32, #tpu.memory_space<vmem>> -> memref<128xi32, #tpu.memory_space<vmem>>
    %dma_start3A_104 = arith.constant 0 : i32
    %dma_start3A_105 = arith.constant 0 : i32
    %dma_start3A_106 = tpu.memref_slice %arg2[%dma_start3A_104, %dma_start3A_105] : memref<1000000x64xf32, #tpu.memory_space<hbm>> -> memref<1000000x64xf32, #tpu.memory_space<hbm>>
    %dma_start3A_107 = tpu.memref_slice %arg7[%dma_start3A_96] : memref<10x!tpu.dma_semaphore, #tpu.memory_space<semaphore_mem>> -> memref<1x!tpu.dma_semaphore, #tpu.memory_space<semaphore_mem>>
    %dma_start3A_108 = tpu.memref_squeeze %dma_start3A_107 : memref<1x!tpu.dma_semaphore, #tpu.memory_space<semaphore_mem>> -> memref<!tpu.dma_semaphore, #tpu.memory_space<semaphore_mem>>
    tpu.enqueue_indirect_dma source(%dma_start3A_106 : memref<1000000x64xf32, #tpu.memory_space<hbm>>) target(%dma_start3A_100 : memref<128x64xf32, #tpu.memory_space<vmem>>) offsets(%dma_start3A_103 : memref<128xi32, #tpu.memory_space<vmem>>) semaphore(%dma_start3A_108 : memref<!tpu.dma_semaphore, #tpu.memory_space<semaphore_mem>>)
    %dma_start3A_109 = arith.constant 7 : i32
    %dma_start3A_110 = arith.constant 7 : i32
    %dma_start3A_111 = arith.constant 7 : i32
    %dma_start3A_112 = arith.constant 0 : i32
    %dma_start3A_113 = arith.constant 0 : i32
    %dma_start3A_114 = tpu.memref_slice %arg6[%dma_start3A_110, %dma_start3A_112, %dma_start3A_113] : memref<10x128x64xf32, #tpu.memory_space<vmem>> -> memref<1x128x64xf32, #tpu.memory_space<vmem>>
    %dma_start3A_115 = tpu.memref_squeeze %dma_start3A_114 : memref<1x128x64xf32, #tpu.memory_space<vmem>> -> memref<128x64xf32, #tpu.memory_space<vmem>>
    %dma_start3A_116 = arith.constant 0 : i32
    %dma_start3A_117 = tpu.memref_slice %arg5[%dma_start3A_109, %dma_start3A_116] : memref<200x128xi32, #tpu.memory_space<vmem>> -> memref<1x128xi32, #tpu.memory_space<vmem>>
    %dma_start3A_118 = tpu.memref_squeeze %dma_start3A_117 : memref<1x128xi32, #tpu.memory_space<vmem>> -> memref<128xi32, #tpu.memory_space<vmem>>
    %dma_start3A_119 = arith.constant 0 : i32
    %dma_start3A_120 = arith.constant 0 : i32
    %dma_start3A_121 = tpu.memref_slice %arg2[%dma_start3A_119, %dma_start3A_120] : memref<1000000x64xf32, #tpu.memory_space<hbm>> -> memref<1000000x64xf32, #tpu.memory_space<hbm>>
    %dma_start3A_122 = tpu.memref_slice %arg7[%dma_start3A_111] : memref<10x!tpu.dma_semaphore, #tpu.memory_space<semaphore_mem>> -> memref<1x!tpu.dma_semaphore, #tpu.memory_space<semaphore_mem>>
    %dma_start3A_123 = tpu.memref_squeeze %dma_start3A_122 : memref<1x!tpu.dma_semaphore, #tpu.memory_space<semaphore_mem>> -> memref<!tpu.dma_semaphore, #tpu.memory_space<semaphore_mem>>
    tpu.enqueue_indirect_dma source(%dma_start3A_121 : memref<1000000x64xf32, #tpu.memory_space<hbm>>) target(%dma_start3A_115 : memref<128x64xf32, #tpu.memory_space<vmem>>) offsets(%dma_start3A_118 : memref<128xi32, #tpu.memory_space<vmem>>) semaphore(%dma_start3A_123 : memref<!tpu.dma_semaphore, #tpu.memory_space<semaphore_mem>>)
    %dma_start3A_124 = arith.constant 8 : i32
    %dma_start3A_125 = arith.constant 8 : i32
    %dma_start3A_126 = arith.constant 8 : i32
    %dma_start3A_127 = arith.constant 0 : i32
    %dma_start3A_128 = arith.constant 0 : i32
    %dma_start3A_129 = tpu.memref_slice %arg6[%dma_start3A_125, %dma_start3A_127, %dma_start3A_128] : memref<10x128x64xf32, #tpu.memory_space<vmem>> -> memref<1x128x64xf32, #tpu.memory_space<vmem>>
    %dma_start3A_130 = tpu.memref_squeeze %dma_start3A_129 : memref<1x128x64xf32, #tpu.memory_space<vmem>> -> memref<128x64xf32, #tpu.memory_space<vmem>>
    %dma_start3A_131 = arith.constant 0 : i32
    %dma_start3A_132 = tpu.memref_slice %arg5[%dma_start3A_124, %dma_start3A_131] : memref<200x128xi32, #tpu.memory_space<vmem>> -> memref<1x128xi32, #tpu.memory_space<vmem>>
    %dma_start3A_133 = tpu.memref_squeeze %dma_start3A_132 : memref<1x128xi32, #tpu.memory_space<vmem>> -> memref<128xi32, #tpu.memory_space<vmem>>
    %dma_start3A_134 = arith.constant 0 : i32
    %dma_start3A_135 = arith.constant 0 : i32
    %dma_start3A_136 = tpu.memref_slice %arg2[%dma_start3A_134, %dma_start3A_135] : memref<1000000x64xf32, #tpu.memory_space<hbm>> -> memref<1000000x64xf32, #tpu.memory_space<hbm>>
    %dma_start3A_137 = tpu.memref_slice %arg7[%dma_start3A_126] : memref<10x!tpu.dma_semaphore, #tpu.memory_space<semaphore_mem>> -> memref<1x!tpu.dma_semaphore, #tpu.memory_space<semaphore_mem>>
    %dma_start3A_138 = tpu.memref_squeeze %dma_start3A_137 : memref<1x!tpu.dma_semaphore, #tpu.memory_space<semaphore_mem>> -> memref<!tpu.dma_semaphore, #tpu.memory_space<semaphore_mem>>
    tpu.enqueue_indirect_dma source(%dma_start3A_136 : memref<1000000x64xf32, #tpu.memory_space<hbm>>) target(%dma_start3A_130 : memref<128x64xf32, #tpu.memory_space<vmem>>) offsets(%dma_start3A_133 : memref<128xi32, #tpu.memory_space<vmem>>) semaphore(%dma_start3A_138 : memref<!tpu.dma_semaphore, #tpu.memory_space<semaphore_mem>>)
    %dma_start3A_139 = arith.constant 9 : i32
    %dma_start3A_140 = arith.constant 9 : i32
    %dma_start3A_141 = arith.constant 9 : i32
    %dma_start3A_142 = arith.constant 0 : i32
    %dma_start3A_143 = arith.constant 0 : i32
    %dma_start3A_144 = tpu.memref_slice %arg6[%dma_start3A_140, %dma_start3A_142, %dma_start3A_143] : memref<10x128x64xf32, #tpu.memory_space<vmem>> -> memref<1x128x64xf32, #tpu.memory_space<vmem>>
    %dma_start3A_145 = tpu.memref_squeeze %dma_start3A_144 : memref<1x128x64xf32, #tpu.memory_space<vmem>> -> memref<128x64xf32, #tpu.memory_space<vmem>>
    %dma_start3A_146 = arith.constant 0 : i32
    %dma_start3A_147 = tpu.memref_slice %arg5[%dma_start3A_139, %dma_start3A_146] : memref<200x128xi32, #tpu.memory_space<vmem>> -> memref<1x128xi32, #tpu.memory_space<vmem>>
    %dma_start3A_148 = tpu.memref_squeeze %dma_start3A_147 : memref<1x128xi32, #tpu.memory_space<vmem>> -> memref<128xi32, #tpu.memory_space<vmem>>
    %dma_start3A_149 = arith.constant 0 : i32
    %dma_start3A_150 = arith.constant 0 : i32
    %dma_start3A_151 = tpu.memref_slice %arg2[%dma_start3A_149, %dma_start3A_150] : memref<1000000x64xf32, #tpu.memory_space<hbm>> -> memref<1000000x64xf32, #tpu.memory_space<hbm>>
    %dma_start3A_152 = tpu.memref_slice %arg7[%dma_start3A_141] : memref<10x!tpu.dma_semaphore, #tpu.memory_space<semaphore_mem>> -> memref<1x!tpu.dma_semaphore, #tpu.memory_space<semaphore_mem>>
    %dma_start3A_153 = tpu.memref_squeeze %dma_start3A_152 : memref<1x!tpu.dma_semaphore, #tpu.memory_space<semaphore_mem>> -> memref<!tpu.dma_semaphore, #tpu.memory_space<semaphore_mem>>
    tpu.enqueue_indirect_dma source(%dma_start3A_151 : memref<1000000x64xf32, #tpu.memory_space<hbm>>) target(%dma_start3A_145 : memref<128x64xf32, #tpu.memory_space<vmem>>) offsets(%dma_start3A_148 : memref<128xi32, #tpu.memory_space<vmem>>) semaphore(%dma_start3A_153 : memref<!tpu.dma_semaphore, #tpu.memory_space<semaphore_mem>>)
    %scan3A = arith.constant 0 : i32
    %scan3A_154 = arith.constant 0 : i32
    %scan3A_155 = arith.constant 19 : i32
    %scan3A_156 = arith.addi %scan3A_154, %scan3A_155 : i32
    %scan3A_157 = arith.constant 1 : i32
    scf.for %scan3A_648 = %scan3A_154 to %scan3A_156 step %scan3A_157  : i32 {
      %dma_wait3A_649 = arith.constant 0 : i32
      %dma_wait3A_650 = arith.constant 0 : i32
      %dma_wait3A_651 = arith.constant 0 : i32
      %dma_wait3A_652 = arith.constant 0 : i32
      %dma_wait3A_653 = arith.constant 0 : i32
      %dma_wait3A_654 = tpu.memref_slice %arg6[%dma_wait3A_650, %dma_wait3A_652, %dma_wait3A_653] : memref<10x128x64xf32, #tpu.memory_space<vmem>> -> memref<1x128x64xf32, #tpu.memory_space<vmem>>
      %dma_wait3A_655 = tpu.memref_squeeze %dma_wait3A_654 : memref<1x128x64xf32, #tpu.memory_space<vmem>> -> memref<128x64xf32, #tpu.memory_space<vmem>>
      %dma_wait3A_656 = arith.constant 0 : i32
      %dma_wait3A_657 = tpu.memref_slice %arg5[%dma_wait3A_649, %dma_wait3A_656] : memref<200x128xi32, #tpu.memory_space<vmem>> -> memref<1x128xi32, #tpu.memory_space<vmem>>
      %dma_wait3A_658 = tpu.memref_squeeze %dma_wait3A_657 : memref<1x128xi32, #tpu.memory_space<vmem>> -> memref<128xi32, #tpu.memory_space<vmem>>
      %dma_wait3A_659 = arith.constant 0 : i32
      %dma_wait3A_660 = arith.constant 0 : i32
      %dma_wait3A_661 = tpu.memref_slice %arg2[%dma_wait3A_659, %dma_wait3A_660] : memref<1000000x64xf32, #tpu.memory_space<hbm>> -> memref<1000000x64xf32, #tpu.memory_space<hbm>>
      %dma_wait3A_662 = tpu.memref_slice %arg7[%dma_wait3A_651] : memref<10x!tpu.dma_semaphore, #tpu.memory_space<semaphore_mem>> -> memref<1x!tpu.dma_semaphore, #tpu.memory_space<semaphore_mem>>
      %dma_wait3A_663 = tpu.memref_squeeze %dma_wait3A_662 : memref<1x!tpu.dma_semaphore, #tpu.memory_space<semaphore_mem>> -> memref<!tpu.dma_semaphore, #tpu.memory_space<semaphore_mem>>
      tpu.wait_indirect_dma semaphore(%dma_wait3A_663 : memref<!tpu.dma_semaphore, #tpu.memory_space<semaphore_mem>>) src(%dma_wait3A_661 : memref<1000000x64xf32, #tpu.memory_space<hbm>>) dst(%dma_wait3A_655 : memref<128x64xf32, #tpu.memory_space<vmem>>)
      %mul3A_664 = arith.constant 10 : i32
      %mul3A_665 = arith.muli %scan3A_648, %mul3A_664 : i32
      %add3A_666 = arith.constant 0 : i32
      %add3A_667 = arith.addi %mul3A_665, %add3A_666 : i32
      %mul3A_668 = arith.constant 128 : i32
      %mul3A_669 = arith.muli %add3A_667, %mul3A_668 : i32
      %add3A_670 = arith.addi %mul3A_4, %mul3A_669 : i32
      %dma_start3A_671 = arith.constant 0 : i32
      %dma_start3A_672 = arith.constant 0 : i32
      %dma_start3A_673 = arith.constant 0 : i32
      %dma_start3A_674 = arith.constant 0 : i32
      %dma_start3A_675 = tpu.memref_slice %arg6[%dma_start3A_671, %dma_start3A_673, %dma_start3A_674] : memref<10x128x64xf32, #tpu.memory_space<vmem>> -> memref<1x128x64xf32, #tpu.memory_space<vmem>>
      %dma_start3A_676 = tpu.memref_squeeze %dma_start3A_675 : memref<1x128x64xf32, #tpu.memory_space<vmem>> -> memref<128x64xf32, #tpu.memory_space<vmem>>
      %dma_start3A_677 = arith.constant 0 : i32
      %dma_start3A_678 = tpu.memref_slice %arg4[%add3A_670, %dma_start3A_677] : memref<819200x64xf32, #tpu.memory_space<hbm>> -> memref<128x64xf32, #tpu.memory_space<hbm>>
      %dma_start3A_679 = tpu.memref_slice %arg8[%dma_start3A_672] : memref<10x!tpu.dma_semaphore, #tpu.memory_space<semaphore_mem>> -> memref<1x!tpu.dma_semaphore, #tpu.memory_space<semaphore_mem>>
      %dma_start3A_680 = tpu.memref_squeeze %dma_start3A_679 : memref<1x!tpu.dma_semaphore, #tpu.memory_space<semaphore_mem>> -> memref<!tpu.dma_semaphore, #tpu.memory_space<semaphore_mem>>
      %dma_start3A_681 = arith.constant 0 : i32
      %dma_start3A_682 = tpu.memref_slice %arg4[%add3A_670, %dma_start3A_681] : memref<819200x64xf32, #tpu.memory_space<hbm>> -> memref<128x64xf32, #tpu.memory_space<hbm>>
      %dma_start3A_683 = arith.constant 0 : i32
      %dma_start3A_684 = arith.constant 0 : i32
      %dma_start3A_685 = tpu.memref_slice %arg6[%dma_start3A_671, %dma_start3A_683, %dma_start3A_684] : memref<10x128x64xf32, #tpu.memory_space<vmem>> -> memref<1x128x64xf32, #tpu.memory_space<vmem>>
      %dma_start3A_686 = tpu.memref_squeeze %dma_start3A_685 : memref<1x128x64xf32, #tpu.memory_space<vmem>> -> memref<128x64xf32, #tpu.memory_space<vmem>>
      tpu.enqueue_dma source(%dma_start3A_686 : memref<128x64xf32, #tpu.memory_space<vmem>>) target(%dma_start3A_682 : memref<128x64xf32, #tpu.memory_space<hbm>>) target_semaphore(%dma_start3A_680 : memref<!tpu.dma_semaphore, #tpu.memory_space<semaphore_mem>>)
      %dma_wait3A_687 = arith.constant 0 : i32
      %dma_wait3A_688 = arith.constant 1 : i32
      %dma_wait3A_689 = arith.constant 1 : i32
      %dma_wait3A_690 = arith.constant 0 : i32
      %dma_wait3A_691 = arith.constant 0 : i32
      %dma_wait3A_692 = tpu.memref_slice %arg6[%dma_wait3A_688, %dma_wait3A_690, %dma_wait3A_691] : memref<10x128x64xf32, #tpu.memory_space<vmem>> -> memref<1x128x64xf32, #tpu.memory_space<vmem>>
      %dma_wait3A_693 = tpu.memref_squeeze %dma_wait3A_692 : memref<1x128x64xf32, #tpu.memory_space<vmem>> -> memref<128x64xf32, #tpu.memory_space<vmem>>
      %dma_wait3A_694 = arith.constant 0 : i32
      %dma_wait3A_695 = tpu.memref_slice %arg5[%dma_wait3A_687, %dma_wait3A_694] : memref<200x128xi32, #tpu.memory_space<vmem>> -> memref<1x128xi32, #tpu.memory_space<vmem>>
      %dma_wait3A_696 = tpu.memref_squeeze %dma_wait3A_695 : memref<1x128xi32, #tpu.memory_space<vmem>> -> memref<128xi32, #tpu.memory_space<vmem>>
      %dma_wait3A_697 = arith.constant 0 : i32
      %dma_wait3A_698 = arith.constant 0 : i32
      %dma_wait3A_699 = tpu.memref_slice %arg2[%dma_wait3A_697, %dma_wait3A_698] : memref<1000000x64xf32, #tpu.memory_space<hbm>> -> memref<1000000x64xf32, #tpu.memory_space<hbm>>
      %dma_wait3A_700 = tpu.memref_slice %arg7[%dma_wait3A_689] : memref<10x!tpu.dma_semaphore, #tpu.memory_space<semaphore_mem>> -> memref<1x!tpu.dma_semaphore, #tpu.memory_space<semaphore_mem>>
      %dma_wait3A_701 = tpu.memref_squeeze %dma_wait3A_700 : memref<1x!tpu.dma_semaphore, #tpu.memory_space<semaphore_mem>> -> memref<!tpu.dma_semaphore, #tpu.memory_space<semaphore_mem>>
      tpu.wait_indirect_dma semaphore(%dma_wait3A_701 : memref<!tpu.dma_semaphore, #tpu.memory_space<semaphore_mem>>) src(%dma_wait3A_699 : memref<1000000x64xf32, #tpu.memory_space<hbm>>) dst(%dma_wait3A_693 : memref<128x64xf32, #tpu.memory_space<vmem>>)
      %mul3A_702 = arith.constant 10 : i32
      %mul3A_703 = arith.muli %scan3A_648, %mul3A_702 : i32
      %add3A_704 = arith.constant 1 : i32
      %add3A_705 = arith.addi %mul3A_703, %add3A_704 : i32
      %mul3A_706 = arith.constant 128 : i32
      %mul3A_707 = arith.muli %add3A_705, %mul3A_706 : i32
      %add3A_708 = arith.addi %mul3A_4, %mul3A_707 : i32
      %dma_start3A_709 = arith.constant 1 : i32
      %dma_start3A_710 = arith.constant 1 : i32
      %dma_start3A_711 = arith.constant 0 : i32
      %dma_start3A_712 = arith.constant 0 : i32
      %dma_start3A_713 = tpu.memref_slice %arg6[%dma_start3A_709, %dma_start3A_711, %dma_start3A_712] : memref<10x128x64xf32, #tpu.memory_space<vmem>> -> memref<1x128x64xf32, #tpu.memory_space<vmem>>
      %dma_start3A_714 = tpu.memref_squeeze %dma_start3A_713 : memref<1x128x64xf32, #tpu.memory_space<vmem>> -> memref<128x64xf32, #tpu.memory_space<vmem>>
      %dma_start3A_715 = arith.constant 0 : i32
      %dma_start3A_716 = tpu.memref_slice %arg4[%add3A_708, %dma_start3A_715] : memref<819200x64xf32, #tpu.memory_space<hbm>> -> memref<128x64xf32, #tpu.memory_space<hbm>>
      %dma_start3A_717 = tpu.memref_slice %arg8[%dma_start3A_710] : memref<10x!tpu.dma_semaphore, #tpu.memory_space<semaphore_mem>> -> memref<1x!tpu.dma_semaphore, #tpu.memory_space<semaphore_mem>>
      %dma_start3A_718 = tpu.memref_squeeze %dma_start3A_717 : memref<1x!tpu.dma_semaphore, #tpu.memory_space<semaphore_mem>> -> memref<!tpu.dma_semaphore, #tpu.memory_space<semaphore_mem>>
      %dma_start3A_719 = arith.constant 0 : i32
      %dma_start3A_720 = tpu.memref_slice %arg4[%add3A_708, %dma_start3A_719] : memref<819200x64xf32, #tpu.memory_space<hbm>> -> memref<128x64xf32, #tpu.memory_space<hbm>>
      %dma_start3A_721 = arith.constant 0 : i32
      %dma_start3A_722 = arith.constant 0 : i32
      %dma_start3A_723 = tpu.memref_slice %arg6[%dma_start3A_709, %dma_start3A_721, %dma_start3A_722] : memref<10x128x64xf32, #tpu.memory_space<vmem>> -> memref<1x128x64xf32, #tpu.memory_space<vmem>>
      %dma_start3A_724 = tpu.memref_squeeze %dma_start3A_723 : memref<1x128x64xf32, #tpu.memory_space<vmem>> -> memref<128x64xf32, #tpu.memory_space<vmem>>
      tpu.enqueue_dma source(%dma_start3A_724 : memref<128x64xf32, #tpu.memory_space<vmem>>) target(%dma_start3A_720 : memref<128x64xf32, #tpu.memory_space<hbm>>) target_semaphore(%dma_start3A_718 : memref<!tpu.dma_semaphore, #tpu.memory_space<semaphore_mem>>)
      %dma_wait3A_725 = arith.constant 0 : i32
      %dma_wait3A_726 = arith.constant 2 : i32
      %dma_wait3A_727 = arith.constant 2 : i32
      %dma_wait3A_728 = arith.constant 0 : i32
      %dma_wait3A_729 = arith.constant 0 : i32
      %dma_wait3A_730 = tpu.memref_slice %arg6[%dma_wait3A_726, %dma_wait3A_728, %dma_wait3A_729] : memref<10x128x64xf32, #tpu.memory_space<vmem>> -> memref<1x128x64xf32, #tpu.memory_space<vmem>>
      %dma_wait3A_731 = tpu.memref_squeeze %dma_wait3A_730 : memref<1x128x64xf32, #tpu.memory_space<vmem>> -> memref<128x64xf32, #tpu.memory_space<vmem>>
      %dma_wait3A_732 = arith.constant 0 : i32
      %dma_wait3A_733 = tpu.memref_slice %arg5[%dma_wait3A_725, %dma_wait3A_732] : memref<200x128xi32, #tpu.memory_space<vmem>> -> memref<1x128xi32, #tpu.memory_space<vmem>>
      %dma_wait3A_734 = tpu.memref_squeeze %dma_wait3A_733 : memref<1x128xi32, #tpu.memory_space<vmem>> -> memref<128xi32, #tpu.memory_space<vmem>>
      %dma_wait3A_735 = arith.constant 0 : i32
      %dma_wait3A_736 = arith.constant 0 : i32
      %dma_wait3A_737 = tpu.memref_slice %arg2[%dma_wait3A_735, %dma_wait3A_736] : memref<1000000x64xf32, #tpu.memory_space<hbm>> -> memref<1000000x64xf32, #tpu.memory_space<hbm>>
      %dma_wait3A_738 = tpu.memref_slice %arg7[%dma_wait3A_727] : memref<10x!tpu.dma_semaphore, #tpu.memory_space<semaphore_mem>> -> memref<1x!tpu.dma_semaphore, #tpu.memory_space<semaphore_mem>>
      %dma_wait3A_739 = tpu.memref_squeeze %dma_wait3A_738 : memref<1x!tpu.dma_semaphore, #tpu.memory_space<semaphore_mem>> -> memref<!tpu.dma_semaphore, #tpu.memory_space<semaphore_mem>>
      tpu.wait_indirect_dma semaphore(%dma_wait3A_739 : memref<!tpu.dma_semaphore, #tpu.memory_space<semaphore_mem>>) src(%dma_wait3A_737 : memref<1000000x64xf32, #tpu.memory_space<hbm>>) dst(%dma_wait3A_731 : memref<128x64xf32, #tpu.memory_space<vmem>>)
      %mul3A_740 = arith.constant 10 : i32
      %mul3A_741 = arith.muli %scan3A_648, %mul3A_740 : i32
      %add3A_742 = arith.constant 2 : i32
      %add3A_743 = arith.addi %mul3A_741, %add3A_742 : i32
      %mul3A_744 = arith.constant 128 : i32
      %mul3A_745 = arith.muli %add3A_743, %mul3A_744 : i32
      %add3A_746 = arith.addi %mul3A_4, %mul3A_745 : i32
      %dma_start3A_747 = arith.constant 2 : i32
      %dma_start3A_748 = arith.constant 2 : i32
      %dma_start3A_749 = arith.constant 0 : i32
      %dma_start3A_750 = arith.constant 0 : i32
      %dma_start3A_751 = tpu.memref_slice %arg6[%dma_start3A_747, %dma_start3A_749, %dma_start3A_750] : memref<10x128x64xf32, #tpu.memory_space<vmem>> -> memref<1x128x64xf32, #tpu.memory_space<vmem>>
      %dma_start3A_752 = tpu.memref_squeeze %dma_start3A_751 : memref<1x128x64xf32, #tpu.memory_space<vmem>> -> memref<128x64xf32, #tpu.memory_space<vmem>>
      %dma_start3A_753 = arith.constant 0 : i32
      %dma_start3A_754 = tpu.memref_slice %arg4[%add3A_746, %dma_start3A_753] : memref<819200x64xf32, #tpu.memory_space<hbm>> -> memref<128x64xf32, #tpu.memory_space<hbm>>
      %dma_start3A_755 = tpu.memref_slice %arg8[%dma_start3A_748] : memref<10x!tpu.dma_semaphore, #tpu.memory_space<semaphore_mem>> -> memref<1x!tpu.dma_semaphore, #tpu.memory_space<semaphore_mem>>
      %dma_start3A_756 = tpu.memref_squeeze %dma_start3A_755 : memref<1x!tpu.dma_semaphore, #tpu.memory_space<semaphore_mem>> -> memref<!tpu.dma_semaphore, #tpu.memory_space<semaphore_mem>>
      %dma_start3A_757 = arith.constant 0 : i32
      %dma_start3A_758 = tpu.memref_slice %arg4[%add3A_746, %dma_start3A_757] : memref<819200x64xf32, #tpu.memory_space<hbm>> -> memref<128x64xf32, #tpu.memory_space<hbm>>
      %dma_start3A_759 = arith.constant 0 : i32
      %dma_start3A_760 = arith.constant 0 : i32
      %dma_start3A_761 = tpu.memref_slice %arg6[%dma_start3A_747, %dma_start3A_759, %dma_start3A_760] : memref<10x128x64xf32, #tpu.memory_space<vmem>> -> memref<1x128x64xf32, #tpu.memory_space<vmem>>
      %dma_start3A_762 = tpu.memref_squeeze %dma_start3A_761 : memref<1x128x64xf32, #tpu.memory_space<vmem>> -> memref<128x64xf32, #tpu.memory_space<vmem>>
      tpu.enqueue_dma source(%dma_start3A_762 : memref<128x64xf32, #tpu.memory_space<vmem>>) target(%dma_start3A_758 : memref<128x64xf32, #tpu.memory_space<hbm>>) target_semaphore(%dma_start3A_756 : memref<!tpu.dma_semaphore, #tpu.memory_space<semaphore_mem>>)
      %dma_wait3A_763 = arith.constant 0 : i32
      %dma_wait3A_764 = arith.constant 3 : i32
      %dma_wait3A_765 = arith.constant 3 : i32
      %dma_wait3A_766 = arith.constant 0 : i32
      %dma_wait3A_767 = arith.constant 0 : i32
      %dma_wait3A_768 = tpu.memref_slice %arg6[%dma_wait3A_764, %dma_wait3A_766, %dma_wait3A_767] : memref<10x128x64xf32, #tpu.memory_space<vmem>> -> memref<1x128x64xf32, #tpu.memory_space<vmem>>
      %dma_wait3A_769 = tpu.memref_squeeze %dma_wait3A_768 : memref<1x128x64xf32, #tpu.memory_space<vmem>> -> memref<128x64xf32, #tpu.memory_space<vmem>>
      %dma_wait3A_770 = arith.constant 0 : i32
      %dma_wait3A_771 = tpu.memref_slice %arg5[%dma_wait3A_763, %dma_wait3A_770] : memref<200x128xi32, #tpu.memory_space<vmem>> -> memref<1x128xi32, #tpu.memory_space<vmem>>
      %dma_wait3A_772 = tpu.memref_squeeze %dma_wait3A_771 : memref<1x128xi32, #tpu.memory_space<vmem>> -> memref<128xi32, #tpu.memory_space<vmem>>
      %dma_wait3A_773 = arith.constant 0 : i32
      %dma_wait3A_774 = arith.constant 0 : i32
      %dma_wait3A_775 = tpu.memref_slice %arg2[%dma_wait3A_773, %dma_wait3A_774] : memref<1000000x64xf32, #tpu.memory_space<hbm>> -> memref<1000000x64xf32, #tpu.memory_space<hbm>>
      %dma_wait3A_776 = tpu.memref_slice %arg7[%dma_wait3A_765] : memref<10x!tpu.dma_semaphore, #tpu.memory_space<semaphore_mem>> -> memref<1x!tpu.dma_semaphore, #tpu.memory_space<semaphore_mem>>
      %dma_wait3A_777 = tpu.memref_squeeze %dma_wait3A_776 : memref<1x!tpu.dma_semaphore, #tpu.memory_space<semaphore_mem>> -> memref<!tpu.dma_semaphore, #tpu.memory_space<semaphore_mem>>
      tpu.wait_indirect_dma semaphore(%dma_wait3A_777 : memref<!tpu.dma_semaphore, #tpu.memory_space<semaphore_mem>>) src(%dma_wait3A_775 : memref<1000000x64xf32, #tpu.memory_space<hbm>>) dst(%dma_wait3A_769 : memref<128x64xf32, #tpu.memory_space<vmem>>)
      %mul3A_778 = arith.constant 10 : i32
      %mul3A_779 = arith.muli %scan3A_648, %mul3A_778 : i32
      %add3A_780 = arith.constant 3 : i32
      %add3A_781 = arith.addi %mul3A_779, %add3A_780 : i32
      %mul3A_782 = arith.constant 128 : i32
      %mul3A_783 = arith.muli %add3A_781, %mul3A_782 : i32
      %add3A_784 = arith.addi %mul3A_4, %mul3A_783 : i32
      %dma_start3A_785 = arith.constant 3 : i32
      %dma_start3A_786 = arith.constant 3 : i32
      %dma_start3A_787 = arith.constant 0 : i32
      %dma_start3A_788 = arith.constant 0 : i32
      %dma_start3A_789 = tpu.memref_slice %arg6[%dma_start3A_785, %dma_start3A_787, %dma_start3A_788] : memref<10x128x64xf32, #tpu.memory_space<vmem>> -> memref<1x128x64xf32, #tpu.memory_space<vmem>>
      %dma_start3A_790 = tpu.memref_squeeze %dma_start3A_789 : memref<1x128x64xf32, #tpu.memory_space<vmem>> -> memref<128x64xf32, #tpu.memory_space<vmem>>
      %dma_start3A_791 = arith.constant 0 : i32
      %dma_start3A_792 = tpu.memref_slice %arg4[%add3A_784, %dma_start3A_791] : memref<819200x64xf32, #tpu.memory_space<hbm>> -> memref<128x64xf32, #tpu.memory_space<hbm>>
      %dma_start3A_793 = tpu.memref_slice %arg8[%dma_start3A_786] : memref<10x!tpu.dma_semaphore, #tpu.memory_space<semaphore_mem>> -> memref<1x!tpu.dma_semaphore, #tpu.memory_space<semaphore_mem>>
      %dma_start3A_794 = tpu.memref_squeeze %dma_start3A_793 : memref<1x!tpu.dma_semaphore, #tpu.memory_space<semaphore_mem>> -> memref<!tpu.dma_semaphore, #tpu.memory_space<semaphore_mem>>
      %dma_start3A_795 = arith.constant 0 : i32
      %dma_start3A_796 = tpu.memref_slice %arg4[%add3A_784, %dma_start3A_795] : memref<819200x64xf32, #tpu.memory_space<hbm>> -> memref<128x64xf32, #tpu.memory_space<hbm>>
      %dma_start3A_797 = arith.constant 0 : i32
      %dma_start3A_798 = arith.constant 0 : i32
      %dma_start3A_799 = tpu.memref_slice %arg6[%dma_start3A_785, %dma_start3A_797, %dma_start3A_798] : memref<10x128x64xf32, #tpu.memory_space<vmem>> -> memref<1x128x64xf32, #tpu.memory_space<vmem>>
      %dma_start3A_800 = tpu.memref_squeeze %dma_start3A_799 : memref<1x128x64xf32, #tpu.memory_space<vmem>> -> memref<128x64xf32, #tpu.memory_space<vmem>>
      tpu.enqueue_dma source(%dma_start3A_800 : memref<128x64xf32, #tpu.memory_space<vmem>>) target(%dma_start3A_796 : memref<128x64xf32, #tpu.memory_space<hbm>>) target_semaphore(%dma_start3A_794 : memref<!tpu.dma_semaphore, #tpu.memory_space<semaphore_mem>>)
      %dma_wait3A_801 = arith.constant 0 : i32
      %dma_wait3A_802 = arith.constant 4 : i32
      %dma_wait3A_803 = arith.constant 4 : i32
      %dma_wait3A_804 = arith.constant 0 : i32
      %dma_wait3A_805 = arith.constant 0 : i32
      %dma_wait3A_806 = tpu.memref_slice %arg6[%dma_wait3A_802, %dma_wait3A_804, %dma_wait3A_805] : memref<10x128x64xf32, #tpu.memory_space<vmem>> -> memref<1x128x64xf32, #tpu.memory_space<vmem>>
      %dma_wait3A_807 = tpu.memref_squeeze %dma_wait3A_806 : memref<1x128x64xf32, #tpu.memory_space<vmem>> -> memref<128x64xf32, #tpu.memory_space<vmem>>
      %dma_wait3A_808 = arith.constant 0 : i32
      %dma_wait3A_809 = tpu.memref_slice %arg5[%dma_wait3A_801, %dma_wait3A_808] : memref<200x128xi32, #tpu.memory_space<vmem>> -> memref<1x128xi32, #tpu.memory_space<vmem>>
      %dma_wait3A_810 = tpu.memref_squeeze %dma_wait3A_809 : memref<1x128xi32, #tpu.memory_space<vmem>> -> memref<128xi32, #tpu.memory_space<vmem>>
      %dma_wait3A_811 = arith.constant 0 : i32
      %dma_wait3A_812 = arith.constant 0 : i32
      %dma_wait3A_813 = tpu.memref_slice %arg2[%dma_wait3A_811, %dma_wait3A_812] : memref<1000000x64xf32, #tpu.memory_space<hbm>> -> memref<1000000x64xf32, #tpu.memory_space<hbm>>
      %dma_wait3A_814 = tpu.memref_slice %arg7[%dma_wait3A_803] : memref<10x!tpu.dma_semaphore, #tpu.memory_space<semaphore_mem>> -> memref<1x!tpu.dma_semaphore, #tpu.memory_space<semaphore_mem>>
      %dma_wait3A_815 = tpu.memref_squeeze %dma_wait3A_814 : memref<1x!tpu.dma_semaphore, #tpu.memory_space<semaphore_mem>> -> memref<!tpu.dma_semaphore, #tpu.memory_space<semaphore_mem>>
      tpu.wait_indirect_dma semaphore(%dma_wait3A_815 : memref<!tpu.dma_semaphore, #tpu.memory_space<semaphore_mem>>) src(%dma_wait3A_813 : memref<1000000x64xf32, #tpu.memory_space<hbm>>) dst(%dma_wait3A_807 : memref<128x64xf32, #tpu.memory_space<vmem>>)
      %mul3A_816 = arith.constant 10 : i32
      %mul3A_817 = arith.muli %scan3A_648, %mul3A_816 : i32
      %add3A_818 = arith.constant 4 : i32
      %add3A_819 = arith.addi %mul3A_817, %add3A_818 : i32
      %mul3A_820 = arith.constant 128 : i32
      %mul3A_821 = arith.muli %add3A_819, %mul3A_820 : i32
      %add3A_822 = arith.addi %mul3A_4, %mul3A_821 : i32
      %dma_start3A_823 = arith.constant 4 : i32
      %dma_start3A_824 = arith.constant 4 : i32
      %dma_start3A_825 = arith.constant 0 : i32
      %dma_start3A_826 = arith.constant 0 : i32
      %dma_start3A_827 = tpu.memref_slice %arg6[%dma_start3A_823, %dma_start3A_825, %dma_start3A_826] : memref<10x128x64xf32, #tpu.memory_space<vmem>> -> memref<1x128x64xf32, #tpu.memory_space<vmem>>
      %dma_start3A_828 = tpu.memref_squeeze %dma_start3A_827 : memref<1x128x64xf32, #tpu.memory_space<vmem>> -> memref<128x64xf32, #tpu.memory_space<vmem>>
      %dma_start3A_829 = arith.constant 0 : i32
      %dma_start3A_830 = tpu.memref_slice %arg4[%add3A_822, %dma_start3A_829] : memref<819200x64xf32, #tpu.memory_space<hbm>> -> memref<128x64xf32, #tpu.memory_space<hbm>>
      %dma_start3A_831 = tpu.memref_slice %arg8[%dma_start3A_824] : memref<10x!tpu.dma_semaphore, #tpu.memory_space<semaphore_mem>> -> memref<1x!tpu.dma_semaphore, #tpu.memory_space<semaphore_mem>>
      %dma_start3A_832 = tpu.memref_squeeze %dma_start3A_831 : memref<1x!tpu.dma_semaphore, #tpu.memory_space<semaphore_mem>> -> memref<!tpu.dma_semaphore, #tpu.memory_space<semaphore_mem>>
      %dma_start3A_833 = arith.constant 0 : i32
      %dma_start3A_834 = tpu.memref_slice %arg4[%add3A_822, %dma_start3A_833] : memref<819200x64xf32, #tpu.memory_space<hbm>> -> memref<128x64xf32, #tpu.memory_space<hbm>>
      %dma_start3A_835 = arith.constant 0 : i32
      %dma_start3A_836 = arith.constant 0 : i32
      %dma_start3A_837 = tpu.memref_slice %arg6[%dma_start3A_823, %dma_start3A_835, %dma_start3A_836] : memref<10x128x64xf32, #tpu.memory_space<vmem>> -> memref<1x128x64xf32, #tpu.memory_space<vmem>>
      %dma_start3A_838 = tpu.memref_squeeze %dma_start3A_837 : memref<1x128x64xf32, #tpu.memory_space<vmem>> -> memref<128x64xf32, #tpu.memory_space<vmem>>
      tpu.enqueue_dma source(%dma_start3A_838 : memref<128x64xf32, #tpu.memory_space<vmem>>) target(%dma_start3A_834 : memref<128x64xf32, #tpu.memory_space<hbm>>) target_semaphore(%dma_start3A_832 : memref<!tpu.dma_semaphore, #tpu.memory_space<semaphore_mem>>)
      %dma_wait3A_839 = arith.constant 0 : i32
      %dma_wait3A_840 = arith.constant 5 : i32
      %dma_wait3A_841 = arith.constant 5 : i32
      %dma_wait3A_842 = arith.constant 0 : i32
      %dma_wait3A_843 = arith.constant 0 : i32
      %dma_wait3A_844 = tpu.memref_slice %arg6[%dma_wait3A_840, %dma_wait3A_842, %dma_wait3A_843] : memref<10x128x64xf32, #tpu.memory_space<vmem>> -> memref<1x128x64xf32, #tpu.memory_space<vmem>>
      %dma_wait3A_845 = tpu.memref_squeeze %dma_wait3A_844 : memref<1x128x64xf32, #tpu.memory_space<vmem>> -> memref<128x64xf32, #tpu.memory_space<vmem>>
      %dma_wait3A_846 = arith.constant 0 : i32
      %dma_wait3A_847 = tpu.memref_slice %arg5[%dma_wait3A_839, %dma_wait3A_846] : memref<200x128xi32, #tpu.memory_space<vmem>> -> memref<1x128xi32, #tpu.memory_space<vmem>>
      %dma_wait3A_848 = tpu.memref_squeeze %dma_wait3A_847 : memref<1x128xi32, #tpu.memory_space<vmem>> -> memref<128xi32, #tpu.memory_space<vmem>>
      %dma_wait3A_849 = arith.constant 0 : i32
      %dma_wait3A_850 = arith.constant 0 : i32
      %dma_wait3A_851 = tpu.memref_slice %arg2[%dma_wait3A_849, %dma_wait3A_850] : memref<1000000x64xf32, #tpu.memory_space<hbm>> -> memref<1000000x64xf32, #tpu.memory_space<hbm>>
      %dma_wait3A_852 = tpu.memref_slice %arg7[%dma_wait3A_841] : memref<10x!tpu.dma_semaphore, #tpu.memory_space<semaphore_mem>> -> memref<1x!tpu.dma_semaphore, #tpu.memory_space<semaphore_mem>>
      %dma_wait3A_853 = tpu.memref_squeeze %dma_wait3A_852 : memref<1x!tpu.dma_semaphore, #tpu.memory_space<semaphore_mem>> -> memref<!tpu.dma_semaphore, #tpu.memory_space<semaphore_mem>>
      tpu.wait_indirect_dma semaphore(%dma_wait3A_853 : memref<!tpu.dma_semaphore, #tpu.memory_space<semaphore_mem>>) src(%dma_wait3A_851 : memref<1000000x64xf32, #tpu.memory_space<hbm>>) dst(%dma_wait3A_845 : memref<128x64xf32, #tpu.memory_space<vmem>>)
      %mul3A_854 = arith.constant 10 : i32
      %mul3A_855 = arith.muli %scan3A_648, %mul3A_854 : i32
      %add3A_856 = arith.constant 5 : i32
      %add3A_857 = arith.addi %mul3A_855, %add3A_856 : i32
      %mul3A_858 = arith.constant 128 : i32
      %mul3A_859 = arith.muli %add3A_857, %mul3A_858 : i32
      %add3A_860 = arith.addi %mul3A_4, %mul3A_859 : i32
      %dma_start3A_861 = arith.constant 5 : i32
      %dma_start3A_862 = arith.constant 5 : i32
      %dma_start3A_863 = arith.constant 0 : i32
      %dma_start3A_864 = arith.constant 0 : i32
      %dma_start3A_865 = tpu.memref_slice %arg6[%dma_start3A_861, %dma_start3A_863, %dma_start3A_864] : memref<10x128x64xf32, #tpu.memory_space<vmem>> -> memref<1x128x64xf32, #tpu.memory_space<vmem>>
      %dma_start3A_866 = tpu.memref_squeeze %dma_start3A_865 : memref<1x128x64xf32, #tpu.memory_space<vmem>> -> memref<128x64xf32, #tpu.memory_space<vmem>>
      %dma_start3A_867 = arith.constant 0 : i32
      %dma_start3A_868 = tpu.memref_slice %arg4[%add3A_860, %dma_start3A_867] : memref<819200x64xf32, #tpu.memory_space<hbm>> -> memref<128x64xf32, #tpu.memory_space<hbm>>
      %dma_start3A_869 = tpu.memref_slice %arg8[%dma_start3A_862] : memref<10x!tpu.dma_semaphore, #tpu.memory_space<semaphore_mem>> -> memref<1x!tpu.dma_semaphore, #tpu.memory_space<semaphore_mem>>
      %dma_start3A_870 = tpu.memref_squeeze %dma_start3A_869 : memref<1x!tpu.dma_semaphore, #tpu.memory_space<semaphore_mem>> -> memref<!tpu.dma_semaphore, #tpu.memory_space<semaphore_mem>>
      %dma_start3A_871 = arith.constant 0 : i32
      %dma_start3A_872 = tpu.memref_slice %arg4[%add3A_860, %dma_start3A_871] : memref<819200x64xf32, #tpu.memory_space<hbm>> -> memref<128x64xf32, #tpu.memory_space<hbm>>
      %dma_start3A_873 = arith.constant 0 : i32
      %dma_start3A_874 = arith.constant 0 : i32
      %dma_start3A_875 = tpu.memref_slice %arg6[%dma_start3A_861, %dma_start3A_873, %dma_start3A_874] : memref<10x128x64xf32, #tpu.memory_space<vmem>> -> memref<1x128x64xf32, #tpu.memory_space<vmem>>
      %dma_start3A_876 = tpu.memref_squeeze %dma_start3A_875 : memref<1x128x64xf32, #tpu.memory_space<vmem>> -> memref<128x64xf32, #tpu.memory_space<vmem>>
      tpu.enqueue_dma source(%dma_start3A_876 : memref<128x64xf32, #tpu.memory_space<vmem>>) target(%dma_start3A_872 : memref<128x64xf32, #tpu.memory_space<hbm>>) target_semaphore(%dma_start3A_870 : memref<!tpu.dma_semaphore, #tpu.memory_space<semaphore_mem>>)
      %dma_wait3A_877 = arith.constant 0 : i32
      %dma_wait3A_878 = arith.constant 6 : i32
      %dma_wait3A_879 = arith.constant 6 : i32
      %dma_wait3A_880 = arith.constant 0 : i32
      %dma_wait3A_881 = arith.constant 0 : i32
      %dma_wait3A_882 = tpu.memref_slice %arg6[%dma_wait3A_878, %dma_wait3A_880, %dma_wait3A_881] : memref<10x128x64xf32, #tpu.memory_space<vmem>> -> memref<1x128x64xf32, #tpu.memory_space<vmem>>
      %dma_wait3A_883 = tpu.memref_squeeze %dma_wait3A_882 : memref<1x128x64xf32, #tpu.memory_space<vmem>> -> memref<128x64xf32, #tpu.memory_space<vmem>>
      %dma_wait3A_884 = arith.constant 0 : i32
      %dma_wait3A_885 = tpu.memref_slice %arg5[%dma_wait3A_877, %dma_wait3A_884] : memref<200x128xi32, #tpu.memory_space<vmem>> -> memref<1x128xi32, #tpu.memory_space<vmem>>
      %dma_wait3A_886 = tpu.memref_squeeze %dma_wait3A_885 : memref<1x128xi32, #tpu.memory_space<vmem>> -> memref<128xi32, #tpu.memory_space<vmem>>
      %dma_wait3A_887 = arith.constant 0 : i32
      %dma_wait3A_888 = arith.constant 0 : i32
      %dma_wait3A_889 = tpu.memref_slice %arg2[%dma_wait3A_887, %dma_wait3A_888] : memref<1000000x64xf32, #tpu.memory_space<hbm>> -> memref<1000000x64xf32, #tpu.memory_space<hbm>>
      %dma_wait3A_890 = tpu.memref_slice %arg7[%dma_wait3A_879] : memref<10x!tpu.dma_semaphore, #tpu.memory_space<semaphore_mem>> -> memref<1x!tpu.dma_semaphore, #tpu.memory_space<semaphore_mem>>
      %dma_wait3A_891 = tpu.memref_squeeze %dma_wait3A_890 : memref<1x!tpu.dma_semaphore, #tpu.memory_space<semaphore_mem>> -> memref<!tpu.dma_semaphore, #tpu.memory_space<semaphore_mem>>
      tpu.wait_indirect_dma semaphore(%dma_wait3A_891 : memref<!tpu.dma_semaphore, #tpu.memory_space<semaphore_mem>>) src(%dma_wait3A_889 : memref<1000000x64xf32, #tpu.memory_space<hbm>>) dst(%dma_wait3A_883 : memref<128x64xf32, #tpu.memory_space<vmem>>)
      %mul3A_892 = arith.constant 10 : i32
      %mul3A_893 = arith.muli %scan3A_648, %mul3A_892 : i32
      %add3A_894 = arith.constant 6 : i32
      %add3A_895 = arith.addi %mul3A_893, %add3A_894 : i32
      %mul3A_896 = arith.constant 128 : i32
      %mul3A_897 = arith.muli %add3A_895, %mul3A_896 : i32
      %add3A_898 = arith.addi %mul3A_4, %mul3A_897 : i32
      %dma_start3A_899 = arith.constant 6 : i32
      %dma_start3A_900 = arith.constant 6 : i32
      %dma_start3A_901 = arith.constant 0 : i32
      %dma_start3A_902 = arith.constant 0 : i32
      %dma_start3A_903 = tpu.memref_slice %arg6[%dma_start3A_899, %dma_start3A_901, %dma_start3A_902] : memref<10x128x64xf32, #tpu.memory_space<vmem>> -> memref<1x128x64xf32, #tpu.memory_space<vmem>>
      %dma_start3A_904 = tpu.memref_squeeze %dma_start3A_903 : memref<1x128x64xf32, #tpu.memory_space<vmem>> -> memref<128x64xf32, #tpu.memory_space<vmem>>
      %dma_start3A_905 = arith.constant 0 : i32
      %dma_start3A_906 = tpu.memref_slice %arg4[%add3A_898, %dma_start3A_905] : memref<819200x64xf32, #tpu.memory_space<hbm>> -> memref<128x64xf32, #tpu.memory_space<hbm>>
      %dma_start3A_907 = tpu.memref_slice %arg8[%dma_start3A_900] : memref<10x!tpu.dma_semaphore, #tpu.memory_space<semaphore_mem>> -> memref<1x!tpu.dma_semaphore, #tpu.memory_space<semaphore_mem>>
      %dma_start3A_908 = tpu.memref_squeeze %dma_start3A_907 : memref<1x!tpu.dma_semaphore, #tpu.memory_space<semaphore_mem>> -> memref<!tpu.dma_semaphore, #tpu.memory_space<semaphore_mem>>
      %dma_start3A_909 = arith.constant 0 : i32
      %dma_start3A_910 = tpu.memref_slice %arg4[%add3A_898, %dma_start3A_909] : memref<819200x64xf32, #tpu.memory_space<hbm>> -> memref<128x64xf32, #tpu.memory_space<hbm>>
      %dma_start3A_911 = arith.constant 0 : i32
      %dma_start3A_912 = arith.constant 0 : i32
      %dma_start3A_913 = tpu.memref_slice %arg6[%dma_start3A_899, %dma_start3A_911, %dma_start3A_912] : memref<10x128x64xf32, #tpu.memory_space<vmem>> -> memref<1x128x64xf32, #tpu.memory_space<vmem>>
      %dma_start3A_914 = tpu.memref_squeeze %dma_start3A_913 : memref<1x128x64xf32, #tpu.memory_space<vmem>> -> memref<128x64xf32, #tpu.memory_space<vmem>>
      tpu.enqueue_dma source(%dma_start3A_914 : memref<128x64xf32, #tpu.memory_space<vmem>>) target(%dma_start3A_910 : memref<128x64xf32, #tpu.memory_space<hbm>>) target_semaphore(%dma_start3A_908 : memref<!tpu.dma_semaphore, #tpu.memory_space<semaphore_mem>>)
      %dma_wait3A_915 = arith.constant 0 : i32
      %dma_wait3A_916 = arith.constant 7 : i32
      %dma_wait3A_917 = arith.constant 7 : i32
      %dma_wait3A_918 = arith.constant 0 : i32
      %dma_wait3A_919 = arith.constant 0 : i32
      %dma_wait3A_920 = tpu.memref_slice %arg6[%dma_wait3A_916, %dma_wait3A_918, %dma_wait3A_919] : memref<10x128x64xf32, #tpu.memory_space<vmem>> -> memref<1x128x64xf32, #tpu.memory_space<vmem>>
      %dma_wait3A_921 = tpu.memref_squeeze %dma_wait3A_920 : memref<1x128x64xf32, #tpu.memory_space<vmem>> -> memref<128x64xf32, #tpu.memory_space<vmem>>
      %dma_wait3A_922 = arith.constant 0 : i32
      %dma_wait3A_923 = tpu.memref_slice %arg5[%dma_wait3A_915, %dma_wait3A_922] : memref<200x128xi32, #tpu.memory_space<vmem>> -> memref<1x128xi32, #tpu.memory_space<vmem>>
      %dma_wait3A_924 = tpu.memref_squeeze %dma_wait3A_923 : memref<1x128xi32, #tpu.memory_space<vmem>> -> memref<128xi32, #tpu.memory_space<vmem>>
      %dma_wait3A_925 = arith.constant 0 : i32
      %dma_wait3A_926 = arith.constant 0 : i32
      %dma_wait3A_927 = tpu.memref_slice %arg2[%dma_wait3A_925, %dma_wait3A_926] : memref<1000000x64xf32, #tpu.memory_space<hbm>> -> memref<1000000x64xf32, #tpu.memory_space<hbm>>
      %dma_wait3A_928 = tpu.memref_slice %arg7[%dma_wait3A_917] : memref<10x!tpu.dma_semaphore, #tpu.memory_space<semaphore_mem>> -> memref<1x!tpu.dma_semaphore, #tpu.memory_space<semaphore_mem>>
      %dma_wait3A_929 = tpu.memref_squeeze %dma_wait3A_928 : memref<1x!tpu.dma_semaphore, #tpu.memory_space<semaphore_mem>> -> memref<!tpu.dma_semaphore, #tpu.memory_space<semaphore_mem>>
      tpu.wait_indirect_dma semaphore(%dma_wait3A_929 : memref<!tpu.dma_semaphore, #tpu.memory_space<semaphore_mem>>) src(%dma_wait3A_927 : memref<1000000x64xf32, #tpu.memory_space<hbm>>) dst(%dma_wait3A_921 : memref<128x64xf32, #tpu.memory_space<vmem>>)
      %mul3A_930 = arith.constant 10 : i32
      %mul3A_931 = arith.muli %scan3A_648, %mul3A_930 : i32
      %add3A_932 = arith.constant 7 : i32
      %add3A_933 = arith.addi %mul3A_931, %add3A_932 : i32
      %mul3A_934 = arith.constant 128 : i32
      %mul3A_935 = arith.muli %add3A_933, %mul3A_934 : i32
      %add3A_936 = arith.addi %mul3A_4, %mul3A_935 : i32
      %dma_start3A_937 = arith.constant 7 : i32
      %dma_start3A_938 = arith.constant 7 : i32
      %dma_start3A_939 = arith.constant 0 : i32
      %dma_start3A_940 = arith.constant 0 : i32
      %dma_start3A_941 = tpu.memref_slice %arg6[%dma_start3A_937, %dma_start3A_939, %dma_start3A_940] : memref<10x128x64xf32, #tpu.memory_space<vmem>> -> memref<1x128x64xf32, #tpu.memory_space<vmem>>
      %dma_start3A_942 = tpu.memref_squeeze %dma_start3A_941 : memref<1x128x64xf32, #tpu.memory_space<vmem>> -> memref<128x64xf32, #tpu.memory_space<vmem>>
      %dma_start3A_943 = arith.constant 0 : i32
      %dma_start3A_944 = tpu.memref_slice %arg4[%add3A_936, %dma_start3A_943] : memref<819200x64xf32, #tpu.memory_space<hbm>> -> memref<128x64xf32, #tpu.memory_space<hbm>>
      %dma_start3A_945 = tpu.memref_slice %arg8[%dma_start3A_938] : memref<10x!tpu.dma_semaphore, #tpu.memory_space<semaphore_mem>> -> memref<1x!tpu.dma_semaphore, #tpu.memory_space<semaphore_mem>>
      %dma_start3A_946 = tpu.memref_squeeze %dma_start3A_945 : memref<1x!tpu.dma_semaphore, #tpu.memory_space<semaphore_mem>> -> memref<!tpu.dma_semaphore, #tpu.memory_space<semaphore_mem>>
      %dma_start3A_947 = arith.constant 0 : i32
      %dma_start3A_948 = tpu.memref_slice %arg4[%add3A_936, %dma_start3A_947] : memref<819200x64xf32, #tpu.memory_space<hbm>> -> memref<128x64xf32, #tpu.memory_space<hbm>>
      %dma_start3A_949 = arith.constant 0 : i32
      %dma_start3A_950 = arith.constant 0 : i32
      %dma_start3A_951 = tpu.memref_slice %arg6[%dma_start3A_937, %dma_start3A_949, %dma_start3A_950] : memref<10x128x64xf32, #tpu.memory_space<vmem>> -> memref<1x128x64xf32, #tpu.memory_space<vmem>>
      %dma_start3A_952 = tpu.memref_squeeze %dma_start3A_951 : memref<1x128x64xf32, #tpu.memory_space<vmem>> -> memref<128x64xf32, #tpu.memory_space<vmem>>
      tpu.enqueue_dma source(%dma_start3A_952 : memref<128x64xf32, #tpu.memory_space<vmem>>) target(%dma_start3A_948 : memref<128x64xf32, #tpu.memory_space<hbm>>) target_semaphore(%dma_start3A_946 : memref<!tpu.dma_semaphore, #tpu.memory_space<semaphore_mem>>)
      %dma_wait3A_953 = arith.constant 0 : i32
      %dma_wait3A_954 = arith.constant 8 : i32
      %dma_wait3A_955 = arith.constant 8 : i32
      %dma_wait3A_956 = arith.constant 0 : i32
      %dma_wait3A_957 = arith.constant 0 : i32
      %dma_wait3A_958 = tpu.memref_slice %arg6[%dma_wait3A_954, %dma_wait3A_956, %dma_wait3A_957] : memref<10x128x64xf32, #tpu.memory_space<vmem>> -> memref<1x128x64xf32, #tpu.memory_space<vmem>>
      %dma_wait3A_959 = tpu.memref_squeeze %dma_wait3A_958 : memref<1x128x64xf32, #tpu.memory_space<vmem>> -> memref<128x64xf32, #tpu.memory_space<vmem>>
      %dma_wait3A_960 = arith.constant 0 : i32
      %dma_wait3A_961 = tpu.memref_slice %arg5[%dma_wait3A_953, %dma_wait3A_960] : memref<200x128xi32, #tpu.memory_space<vmem>> -> memref<1x128xi32, #tpu.memory_space<vmem>>
      %dma_wait3A_962 = tpu.memref_squeeze %dma_wait3A_961 : memref<1x128xi32, #tpu.memory_space<vmem>> -> memref<128xi32, #tpu.memory_space<vmem>>
      %dma_wait3A_963 = arith.constant 0 : i32
      %dma_wait3A_964 = arith.constant 0 : i32
      %dma_wait3A_965 = tpu.memref_slice %arg2[%dma_wait3A_963, %dma_wait3A_964] : memref<1000000x64xf32, #tpu.memory_space<hbm>> -> memref<1000000x64xf32, #tpu.memory_space<hbm>>
      %dma_wait3A_966 = tpu.memref_slice %arg7[%dma_wait3A_955] : memref<10x!tpu.dma_semaphore, #tpu.memory_space<semaphore_mem>> -> memref<1x!tpu.dma_semaphore, #tpu.memory_space<semaphore_mem>>
      %dma_wait3A_967 = tpu.memref_squeeze %dma_wait3A_966 : memref<1x!tpu.dma_semaphore, #tpu.memory_space<semaphore_mem>> -> memref<!tpu.dma_semaphore, #tpu.memory_space<semaphore_mem>>
      tpu.wait_indirect_dma semaphore(%dma_wait3A_967 : memref<!tpu.dma_semaphore, #tpu.memory_space<semaphore_mem>>) src(%dma_wait3A_965 : memref<1000000x64xf32, #tpu.memory_space<hbm>>) dst(%dma_wait3A_959 : memref<128x64xf32, #tpu.memory_space<vmem>>)
      %mul3A_968 = arith.constant 10 : i32
      %mul3A_969 = arith.muli %scan3A_648, %mul3A_968 : i32
      %add3A_970 = arith.constant 8 : i32
      %add3A_971 = arith.addi %mul3A_969, %add3A_970 : i32
      %mul3A_972 = arith.constant 128 : i32
      %mul3A_973 = arith.muli %add3A_971, %mul3A_972 : i32
      %add3A_974 = arith.addi %mul3A_4, %mul3A_973 : i32
      %dma_start3A_975 = arith.constant 8 : i32
      %dma_start3A_976 = arith.constant 8 : i32
      %dma_start3A_977 = arith.constant 0 : i32
      %dma_start3A_978 = arith.constant 0 : i32
      %dma_start3A_979 = tpu.memref_slice %arg6[%dma_start3A_975, %dma_start3A_977, %dma_start3A_978] : memref<10x128x64xf32, #tpu.memory_space<vmem>> -> memref<1x128x64xf32, #tpu.memory_space<vmem>>
      %dma_start3A_980 = tpu.memref_squeeze %dma_start3A_979 : memref<1x128x64xf32, #tpu.memory_space<vmem>> -> memref<128x64xf32, #tpu.memory_space<vmem>>
      %dma_start3A_981 = arith.constant 0 : i32
      %dma_start3A_982 = tpu.memref_slice %arg4[%add3A_974, %dma_start3A_981] : memref<819200x64xf32, #tpu.memory_space<hbm>> -> memref<128x64xf32, #tpu.memory_space<hbm>>
      %dma_start3A_983 = tpu.memref_slice %arg8[%dma_start3A_976] : memref<10x!tpu.dma_semaphore, #tpu.memory_space<semaphore_mem>> -> memref<1x!tpu.dma_semaphore, #tpu.memory_space<semaphore_mem>>
      %dma_start3A_984 = tpu.memref_squeeze %dma_start3A_983 : memref<1x!tpu.dma_semaphore, #tpu.memory_space<semaphore_mem>> -> memref<!tpu.dma_semaphore, #tpu.memory_space<semaphore_mem>>
      %dma_start3A_985 = arith.constant 0 : i32
      %dma_start3A_986 = tpu.memref_slice %arg4[%add3A_974, %dma_start3A_985] : memref<819200x64xf32, #tpu.memory_space<hbm>> -> memref<128x64xf32, #tpu.memory_space<hbm>>
      %dma_start3A_987 = arith.constant 0 : i32
      %dma_start3A_988 = arith.constant 0 : i32
      %dma_start3A_989 = tpu.memref_slice %arg6[%dma_start3A_975, %dma_start3A_987, %dma_start3A_988] : memref<10x128x64xf32, #tpu.memory_space<vmem>> -> memref<1x128x64xf32, #tpu.memory_space<vmem>>
      %dma_start3A_990 = tpu.memref_squeeze %dma_start3A_989 : memref<1x128x64xf32, #tpu.memory_space<vmem>> -> memref<128x64xf32, #tpu.memory_space<vmem>>
      tpu.enqueue_dma source(%dma_start3A_990 : memref<128x64xf32, #tpu.memory_space<vmem>>) target(%dma_start3A_986 : memref<128x64xf32, #tpu.memory_space<hbm>>) target_semaphore(%dma_start3A_984 : memref<!tpu.dma_semaphore, #tpu.memory_space<semaphore_mem>>)
      %dma_wait3A_991 = arith.constant 0 : i32
      %dma_wait3A_992 = arith.constant 9 : i32
      %dma_wait3A_993 = arith.constant 9 : i32
      %dma_wait3A_994 = arith.constant 0 : i32
      %dma_wait3A_995 = arith.constant 0 : i32
      %dma_wait3A_996 = tpu.memref_slice %arg6[%dma_wait3A_992, %dma_wait3A_994, %dma_wait3A_995] : memref<10x128x64xf32, #tpu.memory_space<vmem>> -> memref<1x128x64xf32, #tpu.memory_space<vmem>>
      %dma_wait3A_997 = tpu.memref_squeeze %dma_wait3A_996 : memref<1x128x64xf32, #tpu.memory_space<vmem>> -> memref<128x64xf32, #tpu.memory_space<vmem>>
      %dma_wait3A_998 = arith.constant 0 : i32
      %dma_wait3A_999 = tpu.memref_slice %arg5[%dma_wait3A_991, %dma_wait3A_998] : memref<200x128xi32, #tpu.memory_space<vmem>> -> memref<1x128xi32, #tpu.memory_space<vmem>>
      %dma_wait3A_1000 = tpu.memref_squeeze %dma_wait3A_999 : memref<1x128xi32, #tpu.memory_space<vmem>> -> memref<128xi32, #tpu.memory_space<vmem>>
      %dma_wait3A_1001 = arith.constant 0 : i32
      %dma_wait3A_1002 = arith.constant 0 : i32
      %dma_wait3A_1003 = tpu.memref_slice %arg2[%dma_wait3A_1001, %dma_wait3A_1002] : memref<1000000x64xf32, #tpu.memory_space<hbm>> -> memref<1000000x64xf32, #tpu.memory_space<hbm>>
      %dma_wait3A_1004 = tpu.memref_slice %arg7[%dma_wait3A_993] : memref<10x!tpu.dma_semaphore, #tpu.memory_space<semaphore_mem>> -> memref<1x!tpu.dma_semaphore, #tpu.memory_space<semaphore_mem>>
      %dma_wait3A_1005 = tpu.memref_squeeze %dma_wait3A_1004 : memref<1x!tpu.dma_semaphore, #tpu.memory_space<semaphore_mem>> -> memref<!tpu.dma_semaphore, #tpu.memory_space<semaphore_mem>>
      tpu.wait_indirect_dma semaphore(%dma_wait3A_1005 : memref<!tpu.dma_semaphore, #tpu.memory_space<semaphore_mem>>) src(%dma_wait3A_1003 : memref<1000000x64xf32, #tpu.memory_space<hbm>>) dst(%dma_wait3A_997 : memref<128x64xf32, #tpu.memory_space<vmem>>)
      %mul3A_1006 = arith.constant 10 : i32
      %mul3A_1007 = arith.muli %scan3A_648, %mul3A_1006 : i32
      %add3A_1008 = arith.constant 9 : i32
      %add3A_1009 = arith.addi %mul3A_1007, %add3A_1008 : i32
      %mul3A_1010 = arith.constant 128 : i32
      %mul3A_1011 = arith.muli %add3A_1009, %mul3A_1010 : i32
      %add3A_1012 = arith.addi %mul3A_4, %mul3A_1011 : i32
      %dma_start3A_1013 = arith.constant 9 : i32
      %dma_start3A_1014 = arith.constant 9 : i32
      %dma_start3A_1015 = arith.constant 0 : i32
      %dma_start3A_1016 = arith.constant 0 : i32
      %dma_start3A_1017 = tpu.memref_slice %arg6[%dma_start3A_1013, %dma_start3A_1015, %dma_start3A_1016] : memref<10x128x64xf32, #tpu.memory_space<vmem>> -> memref<1x128x64xf32, #tpu.memory_space<vmem>>
      %dma_start3A_1018 = tpu.memref_squeeze %dma_start3A_1017 : memref<1x128x64xf32, #tpu.memory_space<vmem>> -> memref<128x64xf32, #tpu.memory_space<vmem>>
      %dma_start3A_1019 = arith.constant 0 : i32
      %dma_start3A_1020 = tpu.memref_slice %arg4[%add3A_1012, %dma_start3A_1019] : memref<819200x64xf32, #tpu.memory_space<hbm>> -> memref<128x64xf32, #tpu.memory_space<hbm>>
      %dma_start3A_1021 = tpu.memref_slice %arg8[%dma_start3A_1014] : memref<10x!tpu.dma_semaphore, #tpu.memory_space<semaphore_mem>> -> memref<1x!tpu.dma_semaphore, #tpu.memory_space<semaphore_mem>>
      %dma_start3A_1022 = tpu.memref_squeeze %dma_start3A_1021 : memref<1x!tpu.dma_semaphore, #tpu.memory_space<semaphore_mem>> -> memref<!tpu.dma_semaphore, #tpu.memory_space<semaphore_mem>>
      %dma_start3A_1023 = arith.constant 0 : i32
      %dma_start3A_1024 = tpu.memref_slice %arg4[%add3A_1012, %dma_start3A_1023] : memref<819200x64xf32, #tpu.memory_space<hbm>> -> memref<128x64xf32, #tpu.memory_space<hbm>>
      %dma_start3A_1025 = arith.constant 0 : i32
      %dma_start3A_1026 = arith.constant 0 : i32
      %dma_start3A_1027 = tpu.memref_slice %arg6[%dma_start3A_1013, %dma_start3A_1025, %dma_start3A_1026] : memref<10x128x64xf32, #tpu.memory_space<vmem>> -> memref<1x128x64xf32, #tpu.memory_space<vmem>>
      %dma_start3A_1028 = tpu.memref_squeeze %dma_start3A_1027 : memref<1x128x64xf32, #tpu.memory_space<vmem>> -> memref<128x64xf32, #tpu.memory_space<vmem>>
      tpu.enqueue_dma source(%dma_start3A_1028 : memref<128x64xf32, #tpu.memory_space<vmem>>) target(%dma_start3A_1024 : memref<128x64xf32, #tpu.memory_space<hbm>>) target_semaphore(%dma_start3A_1022 : memref<!tpu.dma_semaphore, #tpu.memory_space<semaphore_mem>>)
      %dma_wait3A_1029 = arith.constant 0 : i32
      %dma_wait3A_1030 = arith.constant 0 : i32
      %dma_wait3A_1031 = arith.constant 0 : i32
      %dma_wait3A_1032 = arith.constant 0 : i32
      %dma_wait3A_1033 = tpu.memref_slice %arg6[%dma_wait3A_1029, %dma_wait3A_1031, %dma_wait3A_1032] : memref<10x128x64xf32, #tpu.memory_space<vmem>> -> memref<1x128x64xf32, #tpu.memory_space<vmem>>
      %dma_wait3A_1034 = tpu.memref_squeeze %dma_wait3A_1033 : memref<1x128x64xf32, #tpu.memory_space<vmem>> -> memref<128x64xf32, #tpu.memory_space<vmem>>
      %dma_wait3A_1035 = arith.constant 0 : i32
      %dma_wait3A_1036 = tpu.memref_slice %arg4[%mul3A_4, %dma_wait3A_1035] : memref<819200x64xf32, #tpu.memory_space<hbm>> -> memref<128x64xf32, #tpu.memory_space<hbm>>
      %dma_wait3A_1037 = tpu.memref_slice %arg8[%dma_wait3A_1030] : memref<10x!tpu.dma_semaphore, #tpu.memory_space<semaphore_mem>> -> memref<1x!tpu.dma_semaphore, #tpu.memory_space<semaphore_mem>>
      %dma_wait3A_1038 = tpu.memref_squeeze %dma_wait3A_1037 : memref<1x!tpu.dma_semaphore, #tpu.memory_space<semaphore_mem>> -> memref<!tpu.dma_semaphore, #tpu.memory_space<semaphore_mem>>
      %dma_wait3A_1039 = arith.constant 0 : i32
      %dma_wait3A_1040 = tpu.memref_slice %arg4[%mul3A_4, %dma_wait3A_1039] : memref<819200x64xf32, #tpu.memory_space<hbm>> -> memref<128x64xf32, #tpu.memory_space<hbm>>
      %dma_wait3A_1041 = arith.constant 0 : i32
      %dma_wait3A_1042 = arith.constant 0 : i32
      %dma_wait3A_1043 = tpu.memref_slice %arg6[%dma_wait3A_1029, %dma_wait3A_1041, %dma_wait3A_1042] : memref<10x128x64xf32, #tpu.memory_space<vmem>> -> memref<1x128x64xf32, #tpu.memory_space<vmem>>
      %dma_wait3A_1044 = tpu.memref_squeeze %dma_wait3A_1043 : memref<1x128x64xf32, #tpu.memory_space<vmem>> -> memref<128x64xf32, #tpu.memory_space<vmem>>
      tpu.wait_dma2 semaphore(%dma_wait3A_1038 : memref<!tpu.dma_semaphore, #tpu.memory_space<semaphore_mem>>) src(%dma_wait3A_1044 : memref<128x64xf32, #tpu.memory_space<vmem>>) dst(%dma_wait3A_1040 : memref<128x64xf32, #tpu.memory_space<hbm>>)
      %add3A_1045 = arith.constant 1 : i32
      %add3A_1046 = arith.addi %scan3A_648, %add3A_1045 : i32
      %mul3A_1047 = arith.constant 10 : i32
      %mul3A_1048 = arith.muli %add3A_1046, %mul3A_1047 : i32
      %add3A_1049 = arith.constant 0 : i32
      %add3A_1050 = arith.addi %mul3A_1048, %add3A_1049 : i32
      %dma_start3A_1051 = arith.constant 0 : i32
      %dma_start3A_1052 = arith.constant 0 : i32
      %dma_start3A_1053 = arith.constant 0 : i32
      %dma_start3A_1054 = arith.constant 0 : i32
      %dma_start3A_1055 = tpu.memref_slice %arg6[%dma_start3A_1051, %dma_start3A_1053, %dma_start3A_1054] : memref<10x128x64xf32, #tpu.memory_space<vmem>> -> memref<1x128x64xf32, #tpu.memory_space<vmem>>
      %dma_start3A_1056 = tpu.memref_squeeze %dma_start3A_1055 : memref<1x128x64xf32, #tpu.memory_space<vmem>> -> memref<128x64xf32, #tpu.memory_space<vmem>>
      %dma_start3A_1057 = arith.constant 0 : i32
      %dma_start3A_1058 = tpu.memref_slice %arg5[%add3A_1050, %dma_start3A_1057] : memref<200x128xi32, #tpu.memory_space<vmem>> -> memref<1x128xi32, #tpu.memory_space<vmem>>
      %dma_start3A_1059 = tpu.memref_squeeze %dma_start3A_1058 : memref<1x128xi32, #tpu.memory_space<vmem>> -> memref<128xi32, #tpu.memory_space<vmem>>
      %dma_start3A_1060 = arith.constant 0 : i32
      %dma_start3A_1061 = arith.constant 0 : i32
      %dma_start3A_1062 = tpu.memref_slice %arg2[%dma_start3A_1060, %dma_start3A_1061] : memref<1000000x64xf32, #tpu.memory_space<hbm>> -> memref<1000000x64xf32, #tpu.memory_space<hbm>>
      %dma_start3A_1063 = tpu.memref_slice %arg7[%dma_start3A_1052] : memref<10x!tpu.dma_semaphore, #tpu.memory_space<semaphore_mem>> -> memref<1x!tpu.dma_semaphore, #tpu.memory_space<semaphore_mem>>
      %dma_start3A_1064 = tpu.memref_squeeze %dma_start3A_1063 : memref<1x!tpu.dma_semaphore, #tpu.memory_space<semaphore_mem>> -> memref<!tpu.dma_semaphore, #tpu.memory_space<semaphore_mem>>
      tpu.enqueue_indirect_dma source(%dma_start3A_1062 : memref<1000000x64xf32, #tpu.memory_space<hbm>>) target(%dma_start3A_1056 : memref<128x64xf32, #tpu.memory_space<vmem>>) offsets(%dma_start3A_1059 : memref<128xi32, #tpu.memory_space<vmem>>) semaphore(%dma_start3A_1064 : memref<!tpu.dma_semaphore, #tpu.memory_space<semaphore_mem>>)
      %dma_wait3A_1065 = arith.constant 1 : i32
      %dma_wait3A_1066 = arith.constant 1 : i32
      %dma_wait3A_1067 = arith.constant 0 : i32
      %dma_wait3A_1068 = arith.constant 0 : i32
      %dma_wait3A_1069 = tpu.memref_slice %arg6[%dma_wait3A_1065, %dma_wait3A_1067, %dma_wait3A_1068] : memref<10x128x64xf32, #tpu.memory_space<vmem>> -> memref<1x128x64xf32, #tpu.memory_space<vmem>>
      %dma_wait3A_1070 = tpu.memref_squeeze %dma_wait3A_1069 : memref<1x128x64xf32, #tpu.memory_space<vmem>> -> memref<128x64xf32, #tpu.memory_space<vmem>>
      %dma_wait3A_1071 = arith.constant 0 : i32
      %dma_wait3A_1072 = tpu.memref_slice %arg4[%mul3A_4, %dma_wait3A_1071] : memref<819200x64xf32, #tpu.memory_space<hbm>> -> memref<128x64xf32, #tpu.memory_space<hbm>>
      %dma_wait3A_1073 = tpu.memref_slice %arg8[%dma_wait3A_1066] : memref<10x!tpu.dma_semaphore, #tpu.memory_space<semaphore_mem>> -> memref<1x!tpu.dma_semaphore, #tpu.memory_space<semaphore_mem>>
      %dma_wait3A_1074 = tpu.memref_squeeze %dma_wait3A_1073 : memref<1x!tpu.dma_semaphore, #tpu.memory_space<semaphore_mem>> -> memref<!tpu.dma_semaphore, #tpu.memory_space<semaphore_mem>>
      %dma_wait3A_1075 = arith.constant 0 : i32
      %dma_wait3A_1076 = tpu.memref_slice %arg4[%mul3A_4, %dma_wait3A_1075] : memref<819200x64xf32, #tpu.memory_space<hbm>> -> memref<128x64xf32, #tpu.memory_space<hbm>>
      %dma_wait3A_1077 = arith.constant 0 : i32
      %dma_wait3A_1078 = arith.constant 0 : i32
      %dma_wait3A_1079 = tpu.memref_slice %arg6[%dma_wait3A_1065, %dma_wait3A_1077, %dma_wait3A_1078] : memref<10x128x64xf32, #tpu.memory_space<vmem>> -> memref<1x128x64xf32, #tpu.memory_space<vmem>>
      %dma_wait3A_1080 = tpu.memref_squeeze %dma_wait3A_1079 : memref<1x128x64xf32, #tpu.memory_space<vmem>> -> memref<128x64xf32, #tpu.memory_space<vmem>>
      tpu.wait_dma2 semaphore(%dma_wait3A_1074 : memref<!tpu.dma_semaphore, #tpu.memory_space<semaphore_mem>>) src(%dma_wait3A_1080 : memref<128x64xf32, #tpu.memory_space<vmem>>) dst(%dma_wait3A_1076 : memref<128x64xf32, #tpu.memory_space<hbm>>)
      %add3A_1081 = arith.constant 1 : i32
      %add3A_1082 = arith.addi %scan3A_648, %add3A_1081 : i32
      %mul3A_1083 = arith.constant 10 : i32
      %mul3A_1084 = arith.muli %add3A_1082, %mul3A_1083 : i32
      %add3A_1085 = arith.constant 1 : i32
      %add3A_1086 = arith.addi %mul3A_1084, %add3A_1085 : i32
      %dma_start3A_1087 = arith.constant 1 : i32
      %dma_start3A_1088 = arith.constant 1 : i32
      %dma_start3A_1089 = arith.constant 0 : i32
      %dma_start3A_1090 = arith.constant 0 : i32
      %dma_start3A_1091 = tpu.memref_slice %arg6[%dma_start3A_1087, %dma_start3A_1089, %dma_start3A_1090] : memref<10x128x64xf32, #tpu.memory_space<vmem>> -> memref<1x128x64xf32, #tpu.memory_space<vmem>>
      %dma_start3A_1092 = tpu.memref_squeeze %dma_start3A_1091 : memref<1x128x64xf32, #tpu.memory_space<vmem>> -> memref<128x64xf32, #tpu.memory_space<vmem>>
      %dma_start3A_1093 = arith.constant 0 : i32
      %dma_start3A_1094 = tpu.memref_slice %arg5[%add3A_1086, %dma_start3A_1093] : memref<200x128xi32, #tpu.memory_space<vmem>> -> memref<1x128xi32, #tpu.memory_space<vmem>>
      %dma_start3A_1095 = tpu.memref_squeeze %dma_start3A_1094 : memref<1x128xi32, #tpu.memory_space<vmem>> -> memref<128xi32, #tpu.memory_space<vmem>>
      %dma_start3A_1096 = arith.constant 0 : i32
      %dma_start3A_1097 = arith.constant 0 : i32
      %dma_start3A_1098 = tpu.memref_slice %arg2[%dma_start3A_1096, %dma_start3A_1097] : memref<1000000x64xf32, #tpu.memory_space<hbm>> -> memref<1000000x64xf32, #tpu.memory_space<hbm>>
      %dma_start3A_1099 = tpu.memref_slice %arg7[%dma_start3A_1088] : memref<10x!tpu.dma_semaphore, #tpu.memory_space<semaphore_mem>> -> memref<1x!tpu.dma_semaphore, #tpu.memory_space<semaphore_mem>>
      %dma_start3A_1100 = tpu.memref_squeeze %dma_start3A_1099 : memref<1x!tpu.dma_semaphore, #tpu.memory_space<semaphore_mem>> -> memref<!tpu.dma_semaphore, #tpu.memory_space<semaphore_mem>>
      tpu.enqueue_indirect_dma source(%dma_start3A_1098 : memref<1000000x64xf32, #tpu.memory_space<hbm>>) target(%dma_start3A_1092 : memref<128x64xf32, #tpu.memory_space<vmem>>) offsets(%dma_start3A_1095 : memref<128xi32, #tpu.memory_space<vmem>>) semaphore(%dma_start3A_1100 : memref<!tpu.dma_semaphore, #tpu.memory_space<semaphore_mem>>)
      %dma_wait3A_1101 = arith.constant 2 : i32
      %dma_wait3A_1102 = arith.constant 2 : i32
      %dma_wait3A_1103 = arith.constant 0 : i32
      %dma_wait3A_1104 = arith.constant 0 : i32
      %dma_wait3A_1105 = tpu.memref_slice %arg6[%dma_wait3A_1101, %dma_wait3A_1103, %dma_wait3A_1104] : memref<10x128x64xf32, #tpu.memory_space<vmem>> -> memref<1x128x64xf32, #tpu.memory_space<vmem>>
      %dma_wait3A_1106 = tpu.memref_squeeze %dma_wait3A_1105 : memref<1x128x64xf32, #tpu.memory_space<vmem>> -> memref<128x64xf32, #tpu.memory_space<vmem>>
      %dma_wait3A_1107 = arith.constant 0 : i32
      %dma_wait3A_1108 = tpu.memref_slice %arg4[%mul3A_4, %dma_wait3A_1107] : memref<819200x64xf32, #tpu.memory_space<hbm>> -> memref<128x64xf32, #tpu.memory_space<hbm>>
      %dma_wait3A_1109 = tpu.memref_slice %arg8[%dma_wait3A_1102] : memref<10x!tpu.dma_semaphore, #tpu.memory_space<semaphore_mem>> -> memref<1x!tpu.dma_semaphore, #tpu.memory_space<semaphore_mem>>
      %dma_wait3A_1110 = tpu.memref_squeeze %dma_wait3A_1109 : memref<1x!tpu.dma_semaphore, #tpu.memory_space<semaphore_mem>> -> memref<!tpu.dma_semaphore, #tpu.memory_space<semaphore_mem>>
      %dma_wait3A_1111 = arith.constant 0 : i32
      %dma_wait3A_1112 = tpu.memref_slice %arg4[%mul3A_4, %dma_wait3A_1111] : memref<819200x64xf32, #tpu.memory_space<hbm>> -> memref<128x64xf32, #tpu.memory_space<hbm>>
      %dma_wait3A_1113 = arith.constant 0 : i32
      %dma_wait3A_1114 = arith.constant 0 : i32
      %dma_wait3A_1115 = tpu.memref_slice %arg6[%dma_wait3A_1101, %dma_wait3A_1113, %dma_wait3A_1114] : memref<10x128x64xf32, #tpu.memory_space<vmem>> -> memref<1x128x64xf32, #tpu.memory_space<vmem>>
      %dma_wait3A_1116 = tpu.memref_squeeze %dma_wait3A_1115 : memref<1x128x64xf32, #tpu.memory_space<vmem>> -> memref<128x64xf32, #tpu.memory_space<vmem>>
      tpu.wait_dma2 semaphore(%dma_wait3A_1110 : memref<!tpu.dma_semaphore, #tpu.memory_space<semaphore_mem>>) src(%dma_wait3A_1116 : memref<128x64xf32, #tpu.memory_space<vmem>>) dst(%dma_wait3A_1112 : memref<128x64xf32, #tpu.memory_space<hbm>>)
      %add3A_1117 = arith.constant 1 : i32
      %add3A_1118 = arith.addi %scan3A_648, %add3A_1117 : i32
      %mul3A_1119 = arith.constant 10 : i32
      %mul3A_1120 = arith.muli %add3A_1118, %mul3A_1119 : i32
      %add3A_1121 = arith.constant 2 : i32
      %add3A_1122 = arith.addi %mul3A_1120, %add3A_1121 : i32
      %dma_start3A_1123 = arith.constant 2 : i32
      %dma_start3A_1124 = arith.constant 2 : i32
      %dma_start3A_1125 = arith.constant 0 : i32
      %dma_start3A_1126 = arith.constant 0 : i32
      %dma_start3A_1127 = tpu.memref_slice %arg6[%dma_start3A_1123, %dma_start3A_1125, %dma_start3A_1126] : memref<10x128x64xf32, #tpu.memory_space<vmem>> -> memref<1x128x64xf32, #tpu.memory_space<vmem>>
      %dma_start3A_1128 = tpu.memref_squeeze %dma_start3A_1127 : memref<1x128x64xf32, #tpu.memory_space<vmem>> -> memref<128x64xf32, #tpu.memory_space<vmem>>
      %dma_start3A_1129 = arith.constant 0 : i32
      %dma_start3A_1130 = tpu.memref_slice %arg5[%add3A_1122, %dma_start3A_1129] : memref<200x128xi32, #tpu.memory_space<vmem>> -> memref<1x128xi32, #tpu.memory_space<vmem>>
      %dma_start3A_1131 = tpu.memref_squeeze %dma_start3A_1130 : memref<1x128xi32, #tpu.memory_space<vmem>> -> memref<128xi32, #tpu.memory_space<vmem>>
      %dma_start3A_1132 = arith.constant 0 : i32
      %dma_start3A_1133 = arith.constant 0 : i32
      %dma_start3A_1134 = tpu.memref_slice %arg2[%dma_start3A_1132, %dma_start3A_1133] : memref<1000000x64xf32, #tpu.memory_space<hbm>> -> memref<1000000x64xf32, #tpu.memory_space<hbm>>
      %dma_start3A_1135 = tpu.memref_slice %arg7[%dma_start3A_1124] : memref<10x!tpu.dma_semaphore, #tpu.memory_space<semaphore_mem>> -> memref<1x!tpu.dma_semaphore, #tpu.memory_space<semaphore_mem>>
      %dma_start3A_1136 = tpu.memref_squeeze %dma_start3A_1135 : memref<1x!tpu.dma_semaphore, #tpu.memory_space<semaphore_mem>> -> memref<!tpu.dma_semaphore, #tpu.memory_space<semaphore_mem>>
      tpu.enqueue_indirect_dma source(%dma_start3A_1134 : memref<1000000x64xf32, #tpu.memory_space<hbm>>) target(%dma_start3A_1128 : memref<128x64xf32, #tpu.memory_space<vmem>>) offsets(%dma_start3A_1131 : memref<128xi32, #tpu.memory_space<vmem>>) semaphore(%dma_start3A_1136 : memref<!tpu.dma_semaphore, #tpu.memory_space<semaphore_mem>>)
      %dma_wait3A_1137 = arith.constant 3 : i32
      %dma_wait3A_1138 = arith.constant 3 : i32
      %dma_wait3A_1139 = arith.constant 0 : i32
      %dma_wait3A_1140 = arith.constant 0 : i32
      %dma_wait3A_1141 = tpu.memref_slice %arg6[%dma_wait3A_1137, %dma_wait3A_1139, %dma_wait3A_1140] : memref<10x128x64xf32, #tpu.memory_space<vmem>> -> memref<1x128x64xf32, #tpu.memory_space<vmem>>
      %dma_wait3A_1142 = tpu.memref_squeeze %dma_wait3A_1141 : memref<1x128x64xf32, #tpu.memory_space<vmem>> -> memref<128x64xf32, #tpu.memory_space<vmem>>
      %dma_wait3A_1143 = arith.constant 0 : i32
      %dma_wait3A_1144 = tpu.memref_slice %arg4[%mul3A_4, %dma_wait3A_1143] : memref<819200x64xf32, #tpu.memory_space<hbm>> -> memref<128x64xf32, #tpu.memory_space<hbm>>
      %dma_wait3A_1145 = tpu.memref_slice %arg8[%dma_wait3A_1138] : memref<10x!tpu.dma_semaphore, #tpu.memory_space<semaphore_mem>> -> memref<1x!tpu.dma_semaphore, #tpu.memory_space<semaphore_mem>>
      %dma_wait3A_1146 = tpu.memref_squeeze %dma_wait3A_1145 : memref<1x!tpu.dma_semaphore, #tpu.memory_space<semaphore_mem>> -> memref<!tpu.dma_semaphore, #tpu.memory_space<semaphore_mem>>
      %dma_wait3A_1147 = arith.constant 0 : i32
      %dma_wait3A_1148 = tpu.memref_slice %arg4[%mul3A_4, %dma_wait3A_1147] : memref<819200x64xf32, #tpu.memory_space<hbm>> -> memref<128x64xf32, #tpu.memory_space<hbm>>
      %dma_wait3A_1149 = arith.constant 0 : i32
      %dma_wait3A_1150 = arith.constant 0 : i32
      %dma_wait3A_1151 = tpu.memref_slice %arg6[%dma_wait3A_1137, %dma_wait3A_1149, %dma_wait3A_1150] : memref<10x128x64xf32, #tpu.memory_space<vmem>> -> memref<1x128x64xf32, #tpu.memory_space<vmem>>
      %dma_wait3A_1152 = tpu.memref_squeeze %dma_wait3A_1151 : memref<1x128x64xf32, #tpu.memory_space<vmem>> -> memref<128x64xf32, #tpu.memory_space<vmem>>
      tpu.wait_dma2 semaphore(%dma_wait3A_1146 : memref<!tpu.dma_semaphore, #tpu.memory_space<semaphore_mem>>) src(%dma_wait3A_1152 : memref<128x64xf32, #tpu.memory_space<vmem>>) dst(%dma_wait3A_1148 : memref<128x64xf32, #tpu.memory_space<hbm>>)
      %add3A_1153 = arith.constant 1 : i32
      %add3A_1154 = arith.addi %scan3A_648, %add3A_1153 : i32
      %mul3A_1155 = arith.constant 10 : i32
      %mul3A_1156 = arith.muli %add3A_1154, %mul3A_1155 : i32
      %add3A_1157 = arith.constant 3 : i32
      %add3A_1158 = arith.addi %mul3A_1156, %add3A_1157 : i32
      %dma_start3A_1159 = arith.constant 3 : i32
      %dma_start3A_1160 = arith.constant 3 : i32
      %dma_start3A_1161 = arith.constant 0 : i32
      %dma_start3A_1162 = arith.constant 0 : i32
      %dma_start3A_1163 = tpu.memref_slice %arg6[%dma_start3A_1159, %dma_start3A_1161, %dma_start3A_1162] : memref<10x128x64xf32, #tpu.memory_space<vmem>> -> memref<1x128x64xf32, #tpu.memory_space<vmem>>
      %dma_start3A_1164 = tpu.memref_squeeze %dma_start3A_1163 : memref<1x128x64xf32, #tpu.memory_space<vmem>> -> memref<128x64xf32, #tpu.memory_space<vmem>>
      %dma_start3A_1165 = arith.constant 0 : i32
      %dma_start3A_1166 = tpu.memref_slice %arg5[%add3A_1158, %dma_start3A_1165] : memref<200x128xi32, #tpu.memory_space<vmem>> -> memref<1x128xi32, #tpu.memory_space<vmem>>
      %dma_start3A_1167 = tpu.memref_squeeze %dma_start3A_1166 : memref<1x128xi32, #tpu.memory_space<vmem>> -> memref<128xi32, #tpu.memory_space<vmem>>
      %dma_start3A_1168 = arith.constant 0 : i32
      %dma_start3A_1169 = arith.constant 0 : i32
      %dma_start3A_1170 = tpu.memref_slice %arg2[%dma_start3A_1168, %dma_start3A_1169] : memref<1000000x64xf32, #tpu.memory_space<hbm>> -> memref<1000000x64xf32, #tpu.memory_space<hbm>>
      %dma_start3A_1171 = tpu.memref_slice %arg7[%dma_start3A_1160] : memref<10x!tpu.dma_semaphore, #tpu.memory_space<semaphore_mem>> -> memref<1x!tpu.dma_semaphore, #tpu.memory_space<semaphore_mem>>
      %dma_start3A_1172 = tpu.memref_squeeze %dma_start3A_1171 : memref<1x!tpu.dma_semaphore, #tpu.memory_space<semaphore_mem>> -> memref<!tpu.dma_semaphore, #tpu.memory_space<semaphore_mem>>
      tpu.enqueue_indirect_dma source(%dma_start3A_1170 : memref<1000000x64xf32, #tpu.memory_space<hbm>>) target(%dma_start3A_1164 : memref<128x64xf32, #tpu.memory_space<vmem>>) offsets(%dma_start3A_1167 : memref<128xi32, #tpu.memory_space<vmem>>) semaphore(%dma_start3A_1172 : memref<!tpu.dma_semaphore, #tpu.memory_space<semaphore_mem>>)
      %dma_wait3A_1173 = arith.constant 4 : i32
      %dma_wait3A_1174 = arith.constant 4 : i32
      %dma_wait3A_1175 = arith.constant 0 : i32
      %dma_wait3A_1176 = arith.constant 0 : i32
      %dma_wait3A_1177 = tpu.memref_slice %arg6[%dma_wait3A_1173, %dma_wait3A_1175, %dma_wait3A_1176] : memref<10x128x64xf32, #tpu.memory_space<vmem>> -> memref<1x128x64xf32, #tpu.memory_space<vmem>>
      %dma_wait3A_1178 = tpu.memref_squeeze %dma_wait3A_1177 : memref<1x128x64xf32, #tpu.memory_space<vmem>> -> memref<128x64xf32, #tpu.memory_space<vmem>>
      %dma_wait3A_1179 = arith.constant 0 : i32
      %dma_wait3A_1180 = tpu.memref_slice %arg4[%mul3A_4, %dma_wait3A_1179] : memref<819200x64xf32, #tpu.memory_space<hbm>> -> memref<128x64xf32, #tpu.memory_space<hbm>>
      %dma_wait3A_1181 = tpu.memref_slice %arg8[%dma_wait3A_1174] : memref<10x!tpu.dma_semaphore, #tpu.memory_space<semaphore_mem>> -> memref<1x!tpu.dma_semaphore, #tpu.memory_space<semaphore_mem>>
      %dma_wait3A_1182 = tpu.memref_squeeze %dma_wait3A_1181 : memref<1x!tpu.dma_semaphore, #tpu.memory_space<semaphore_mem>> -> memref<!tpu.dma_semaphore, #tpu.memory_space<semaphore_mem>>
      %dma_wait3A_1183 = arith.constant 0 : i32
      %dma_wait3A_1184 = tpu.memref_slice %arg4[%mul3A_4, %dma_wait3A_1183] : memref<819200x64xf32, #tpu.memory_space<hbm>> -> memref<128x64xf32, #tpu.memory_space<hbm>>
      %dma_wait3A_1185 = arith.constant 0 : i32
      %dma_wait3A_1186 = arith.constant 0 : i32
      %dma_wait3A_1187 = tpu.memref_slice %arg6[%dma_wait3A_1173, %dma_wait3A_1185, %dma_wait3A_1186] : memref<10x128x64xf32, #tpu.memory_space<vmem>> -> memref<1x128x64xf32, #tpu.memory_space<vmem>>
      %dma_wait3A_1188 = tpu.memref_squeeze %dma_wait3A_1187 : memref<1x128x64xf32, #tpu.memory_space<vmem>> -> memref<128x64xf32, #tpu.memory_space<vmem>>
      tpu.wait_dma2 semaphore(%dma_wait3A_1182 : memref<!tpu.dma_semaphore, #tpu.memory_space<semaphore_mem>>) src(%dma_wait3A_1188 : memref<128x64xf32, #tpu.memory_space<vmem>>) dst(%dma_wait3A_1184 : memref<128x64xf32, #tpu.memory_space<hbm>>)
      %add3A_1189 = arith.constant 1 : i32
      %add3A_1190 = arith.addi %scan3A_648, %add3A_1189 : i32
      %mul3A_1191 = arith.constant 10 : i32
      %mul3A_1192 = arith.muli %add3A_1190, %mul3A_1191 : i32
      %add3A_1193 = arith.constant 4 : i32
      %add3A_1194 = arith.addi %mul3A_1192, %add3A_1193 : i32
      %dma_start3A_1195 = arith.constant 4 : i32
      %dma_start3A_1196 = arith.constant 4 : i32
      %dma_start3A_1197 = arith.constant 0 : i32
      %dma_start3A_1198 = arith.constant 0 : i32
      %dma_start3A_1199 = tpu.memref_slice %arg6[%dma_start3A_1195, %dma_start3A_1197, %dma_start3A_1198] : memref<10x128x64xf32, #tpu.memory_space<vmem>> -> memref<1x128x64xf32, #tpu.memory_space<vmem>>
      %dma_start3A_1200 = tpu.memref_squeeze %dma_start3A_1199 : memref<1x128x64xf32, #tpu.memory_space<vmem>> -> memref<128x64xf32, #tpu.memory_space<vmem>>
      %dma_start3A_1201 = arith.constant 0 : i32
      %dma_start3A_1202 = tpu.memref_slice %arg5[%add3A_1194, %dma_start3A_1201] : memref<200x128xi32, #tpu.memory_space<vmem>> -> memref<1x128xi32, #tpu.memory_space<vmem>>
      %dma_start3A_1203 = tpu.memref_squeeze %dma_start3A_1202 : memref<1x128xi32, #tpu.memory_space<vmem>> -> memref<128xi32, #tpu.memory_space<vmem>>
      %dma_start3A_1204 = arith.constant 0 : i32
      %dma_start3A_1205 = arith.constant 0 : i32
      %dma_start3A_1206 = tpu.memref_slice %arg2[%dma_start3A_1204, %dma_start3A_1205] : memref<1000000x64xf32, #tpu.memory_space<hbm>> -> memref<1000000x64xf32, #tpu.memory_space<hbm>>
      %dma_start3A_1207 = tpu.memref_slice %arg7[%dma_start3A_1196] : memref<10x!tpu.dma_semaphore, #tpu.memory_space<semaphore_mem>> -> memref<1x!tpu.dma_semaphore, #tpu.memory_space<semaphore_mem>>
      %dma_start3A_1208 = tpu.memref_squeeze %dma_start3A_1207 : memref<1x!tpu.dma_semaphore, #tpu.memory_space<semaphore_mem>> -> memref<!tpu.dma_semaphore, #tpu.memory_space<semaphore_mem>>
      tpu.enqueue_indirect_dma source(%dma_start3A_1206 : memref<1000000x64xf32, #tpu.memory_space<hbm>>) target(%dma_start3A_1200 : memref<128x64xf32, #tpu.memory_space<vmem>>) offsets(%dma_start3A_1203 : memref<128xi32, #tpu.memory_space<vmem>>) semaphore(%dma_start3A_1208 : memref<!tpu.dma_semaphore, #tpu.memory_space<semaphore_mem>>)
      %dma_wait3A_1209 = arith.constant 5 : i32
      %dma_wait3A_1210 = arith.constant 5 : i32
      %dma_wait3A_1211 = arith.constant 0 : i32
      %dma_wait3A_1212 = arith.constant 0 : i32
      %dma_wait3A_1213 = tpu.memref_slice %arg6[%dma_wait3A_1209, %dma_wait3A_1211, %dma_wait3A_1212] : memref<10x128x64xf32, #tpu.memory_space<vmem>> -> memref<1x128x64xf32, #tpu.memory_space<vmem>>
      %dma_wait3A_1214 = tpu.memref_squeeze %dma_wait3A_1213 : memref<1x128x64xf32, #tpu.memory_space<vmem>> -> memref<128x64xf32, #tpu.memory_space<vmem>>
      %dma_wait3A_1215 = arith.constant 0 : i32
      %dma_wait3A_1216 = tpu.memref_slice %arg4[%mul3A_4, %dma_wait3A_1215] : memref<819200x64xf32, #tpu.memory_space<hbm>> -> memref<128x64xf32, #tpu.memory_space<hbm>>
      %dma_wait3A_1217 = tpu.memref_slice %arg8[%dma_wait3A_1210] : memref<10x!tpu.dma_semaphore, #tpu.memory_space<semaphore_mem>> -> memref<1x!tpu.dma_semaphore, #tpu.memory_space<semaphore_mem>>
      %dma_wait3A_1218 = tpu.memref_squeeze %dma_wait3A_1217 : memref<1x!tpu.dma_semaphore, #tpu.memory_space<semaphore_mem>> -> memref<!tpu.dma_semaphore, #tpu.memory_space<semaphore_mem>>
      %dma_wait3A_1219 = arith.constant 0 : i32
      %dma_wait3A_1220 = tpu.memref_slice %arg4[%mul3A_4, %dma_wait3A_1219] : memref<819200x64xf32, #tpu.memory_space<hbm>> -> memref<128x64xf32, #tpu.memory_space<hbm>>
      %dma_wait3A_1221 = arith.constant 0 : i32
      %dma_wait3A_1222 = arith.constant 0 : i32
      %dma_wait3A_1223 = tpu.memref_slice %arg6[%dma_wait3A_1209, %dma_wait3A_1221, %dma_wait3A_1222] : memref<10x128x64xf32, #tpu.memory_space<vmem>> -> memref<1x128x64xf32, #tpu.memory_space<vmem>>
      %dma_wait3A_1224 = tpu.memref_squeeze %dma_wait3A_1223 : memref<1x128x64xf32, #tpu.memory_space<vmem>> -> memref<128x64xf32, #tpu.memory_space<vmem>>
      tpu.wait_dma2 semaphore(%dma_wait3A_1218 : memref<!tpu.dma_semaphore, #tpu.memory_space<semaphore_mem>>) src(%dma_wait3A_1224 : memref<128x64xf32, #tpu.memory_space<vmem>>) dst(%dma_wait3A_1220 : memref<128x64xf32, #tpu.memory_space<hbm>>)
      %add3A_1225 = arith.constant 1 : i32
      %add3A_1226 = arith.addi %scan3A_648, %add3A_1225 : i32
      %mul3A_1227 = arith.constant 10 : i32
      %mul3A_1228 = arith.muli %add3A_1226, %mul3A_1227 : i32
      %add3A_1229 = arith.constant 5 : i32
      %add3A_1230 = arith.addi %mul3A_1228, %add3A_1229 : i32
      %dma_start3A_1231 = arith.constant 5 : i32
      %dma_start3A_1232 = arith.constant 5 : i32
      %dma_start3A_1233 = arith.constant 0 : i32
      %dma_start3A_1234 = arith.constant 0 : i32
      %dma_start3A_1235 = tpu.memref_slice %arg6[%dma_start3A_1231, %dma_start3A_1233, %dma_start3A_1234] : memref<10x128x64xf32, #tpu.memory_space<vmem>> -> memref<1x128x64xf32, #tpu.memory_space<vmem>>
      %dma_start3A_1236 = tpu.memref_squeeze %dma_start3A_1235 : memref<1x128x64xf32, #tpu.memory_space<vmem>> -> memref<128x64xf32, #tpu.memory_space<vmem>>
      %dma_start3A_1237 = arith.constant 0 : i32
      %dma_start3A_1238 = tpu.memref_slice %arg5[%add3A_1230, %dma_start3A_1237] : memref<200x128xi32, #tpu.memory_space<vmem>> -> memref<1x128xi32, #tpu.memory_space<vmem>>
      %dma_start3A_1239 = tpu.memref_squeeze %dma_start3A_1238 : memref<1x128xi32, #tpu.memory_space<vmem>> -> memref<128xi32, #tpu.memory_space<vmem>>
      %dma_start3A_1240 = arith.constant 0 : i32
      %dma_start3A_1241 = arith.constant 0 : i32
      %dma_start3A_1242 = tpu.memref_slice %arg2[%dma_start3A_1240, %dma_start3A_1241] : memref<1000000x64xf32, #tpu.memory_space<hbm>> -> memref<1000000x64xf32, #tpu.memory_space<hbm>>
      %dma_start3A_1243 = tpu.memref_slice %arg7[%dma_start3A_1232] : memref<10x!tpu.dma_semaphore, #tpu.memory_space<semaphore_mem>> -> memref<1x!tpu.dma_semaphore, #tpu.memory_space<semaphore_mem>>
      %dma_start3A_1244 = tpu.memref_squeeze %dma_start3A_1243 : memref<1x!tpu.dma_semaphore, #tpu.memory_space<semaphore_mem>> -> memref<!tpu.dma_semaphore, #tpu.memory_space<semaphore_mem>>
      tpu.enqueue_indirect_dma source(%dma_start3A_1242 : memref<1000000x64xf32, #tpu.memory_space<hbm>>) target(%dma_start3A_1236 : memref<128x64xf32, #tpu.memory_space<vmem>>) offsets(%dma_start3A_1239 : memref<128xi32, #tpu.memory_space<vmem>>) semaphore(%dma_start3A_1244 : memref<!tpu.dma_semaphore, #tpu.memory_space<semaphore_mem>>)
      %dma_wait3A_1245 = arith.constant 6 : i32
      %dma_wait3A_1246 = arith.constant 6 : i32
      %dma_wait3A_1247 = arith.constant 0 : i32
      %dma_wait3A_1248 = arith.constant 0 : i32
      %dma_wait3A_1249 = tpu.memref_slice %arg6[%dma_wait3A_1245, %dma_wait3A_1247, %dma_wait3A_1248] : memref<10x128x64xf32, #tpu.memory_space<vmem>> -> memref<1x128x64xf32, #tpu.memory_space<vmem>>
      %dma_wait3A_1250 = tpu.memref_squeeze %dma_wait3A_1249 : memref<1x128x64xf32, #tpu.memory_space<vmem>> -> memref<128x64xf32, #tpu.memory_space<vmem>>
      %dma_wait3A_1251 = arith.constant 0 : i32
      %dma_wait3A_1252 = tpu.memref_slice %arg4[%mul3A_4, %dma_wait3A_1251] : memref<819200x64xf32, #tpu.memory_space<hbm>> -> memref<128x64xf32, #tpu.memory_space<hbm>>
      %dma_wait3A_1253 = tpu.memref_slice %arg8[%dma_wait3A_1246] : memref<10x!tpu.dma_semaphore, #tpu.memory_space<semaphore_mem>> -> memref<1x!tpu.dma_semaphore, #tpu.memory_space<semaphore_mem>>
      %dma_wait3A_1254 = tpu.memref_squeeze %dma_wait3A_1253 : memref<1x!tpu.dma_semaphore, #tpu.memory_space<semaphore_mem>> -> memref<!tpu.dma_semaphore, #tpu.memory_space<semaphore_mem>>
      %dma_wait3A_1255 = arith.constant 0 : i32
      %dma_wait3A_1256 = tpu.memref_slice %arg4[%mul3A_4, %dma_wait3A_1255] : memref<819200x64xf32, #tpu.memory_space<hbm>> -> memref<128x64xf32, #tpu.memory_space<hbm>>
      %dma_wait3A_1257 = arith.constant 0 : i32
      %dma_wait3A_1258 = arith.constant 0 : i32
      %dma_wait3A_1259 = tpu.memref_slice %arg6[%dma_wait3A_1245, %dma_wait3A_1257, %dma_wait3A_1258] : memref<10x128x64xf32, #tpu.memory_space<vmem>> -> memref<1x128x64xf32, #tpu.memory_space<vmem>>
      %dma_wait3A_1260 = tpu.memref_squeeze %dma_wait3A_1259 : memref<1x128x64xf32, #tpu.memory_space<vmem>> -> memref<128x64xf32, #tpu.memory_space<vmem>>
      tpu.wait_dma2 semaphore(%dma_wait3A_1254 : memref<!tpu.dma_semaphore, #tpu.memory_space<semaphore_mem>>) src(%dma_wait3A_1260 : memref<128x64xf32, #tpu.memory_space<vmem>>) dst(%dma_wait3A_1256 : memref<128x64xf32, #tpu.memory_space<hbm>>)
      %add3A_1261 = arith.constant 1 : i32
      %add3A_1262 = arith.addi %scan3A_648, %add3A_1261 : i32
      %mul3A_1263 = arith.constant 10 : i32
      %mul3A_1264 = arith.muli %add3A_1262, %mul3A_1263 : i32
      %add3A_1265 = arith.constant 6 : i32
      %add3A_1266 = arith.addi %mul3A_1264, %add3A_1265 : i32
      %dma_start3A_1267 = arith.constant 6 : i32
      %dma_start3A_1268 = arith.constant 6 : i32
      %dma_start3A_1269 = arith.constant 0 : i32
      %dma_start3A_1270 = arith.constant 0 : i32
      %dma_start3A_1271 = tpu.memref_slice %arg6[%dma_start3A_1267, %dma_start3A_1269, %dma_start3A_1270] : memref<10x128x64xf32, #tpu.memory_space<vmem>> -> memref<1x128x64xf32, #tpu.memory_space<vmem>>
      %dma_start3A_1272 = tpu.memref_squeeze %dma_start3A_1271 : memref<1x128x64xf32, #tpu.memory_space<vmem>> -> memref<128x64xf32, #tpu.memory_space<vmem>>
      %dma_start3A_1273 = arith.constant 0 : i32
      %dma_start3A_1274 = tpu.memref_slice %arg5[%add3A_1266, %dma_start3A_1273] : memref<200x128xi32, #tpu.memory_space<vmem>> -> memref<1x128xi32, #tpu.memory_space<vmem>>
      %dma_start3A_1275 = tpu.memref_squeeze %dma_start3A_1274 : memref<1x128xi32, #tpu.memory_space<vmem>> -> memref<128xi32, #tpu.memory_space<vmem>>
      %dma_start3A_1276 = arith.constant 0 : i32
      %dma_start3A_1277 = arith.constant 0 : i32
      %dma_start3A_1278 = tpu.memref_slice %arg2[%dma_start3A_1276, %dma_start3A_1277] : memref<1000000x64xf32, #tpu.memory_space<hbm>> -> memref<1000000x64xf32, #tpu.memory_space<hbm>>
      %dma_start3A_1279 = tpu.memref_slice %arg7[%dma_start3A_1268] : memref<10x!tpu.dma_semaphore, #tpu.memory_space<semaphore_mem>> -> memref<1x!tpu.dma_semaphore, #tpu.memory_space<semaphore_mem>>
      %dma_start3A_1280 = tpu.memref_squeeze %dma_start3A_1279 : memref<1x!tpu.dma_semaphore, #tpu.memory_space<semaphore_mem>> -> memref<!tpu.dma_semaphore, #tpu.memory_space<semaphore_mem>>
      tpu.enqueue_indirect_dma source(%dma_start3A_1278 : memref<1000000x64xf32, #tpu.memory_space<hbm>>) target(%dma_start3A_1272 : memref<128x64xf32, #tpu.memory_space<vmem>>) offsets(%dma_start3A_1275 : memref<128xi32, #tpu.memory_space<vmem>>) semaphore(%dma_start3A_1280 : memref<!tpu.dma_semaphore, #tpu.memory_space<semaphore_mem>>)
      %dma_wait3A_1281 = arith.constant 7 : i32
      %dma_wait3A_1282 = arith.constant 7 : i32
      %dma_wait3A_1283 = arith.constant 0 : i32
      %dma_wait3A_1284 = arith.constant 0 : i32
      %dma_wait3A_1285 = tpu.memref_slice %arg6[%dma_wait3A_1281, %dma_wait3A_1283, %dma_wait3A_1284] : memref<10x128x64xf32, #tpu.memory_space<vmem>> -> memref<1x128x64xf32, #tpu.memory_space<vmem>>
      %dma_wait3A_1286 = tpu.memref_squeeze %dma_wait3A_1285 : memref<1x128x64xf32, #tpu.memory_space<vmem>> -> memref<128x64xf32, #tpu.memory_space<vmem>>
      %dma_wait3A_1287 = arith.constant 0 : i32
      %dma_wait3A_1288 = tpu.memref_slice %arg4[%mul3A_4, %dma_wait3A_1287] : memref<819200x64xf32, #tpu.memory_space<hbm>> -> memref<128x64xf32, #tpu.memory_space<hbm>>
      %dma_wait3A_1289 = tpu.memref_slice %arg8[%dma_wait3A_1282] : memref<10x!tpu.dma_semaphore, #tpu.memory_space<semaphore_mem>> -> memref<1x!tpu.dma_semaphore, #tpu.memory_space<semaphore_mem>>
      %dma_wait3A_1290 = tpu.memref_squeeze %dma_wait3A_1289 : memref<1x!tpu.dma_semaphore, #tpu.memory_space<semaphore_mem>> -> memref<!tpu.dma_semaphore, #tpu.memory_space<semaphore_mem>>
      %dma_wait3A_1291 = arith.constant 0 : i32
      %dma_wait3A_1292 = tpu.memref_slice %arg4[%mul3A_4, %dma_wait3A_1291] : memref<819200x64xf32, #tpu.memory_space<hbm>> -> memref<128x64xf32, #tpu.memory_space<hbm>>
      %dma_wait3A_1293 = arith.constant 0 : i32
      %dma_wait3A_1294 = arith.constant 0 : i32
      %dma_wait3A_1295 = tpu.memref_slice %arg6[%dma_wait3A_1281, %dma_wait3A_1293, %dma_wait3A_1294] : memref<10x128x64xf32, #tpu.memory_space<vmem>> -> memref<1x128x64xf32, #tpu.memory_space<vmem>>
      %dma_wait3A_1296 = tpu.memref_squeeze %dma_wait3A_1295 : memref<1x128x64xf32, #tpu.memory_space<vmem>> -> memref<128x64xf32, #tpu.memory_space<vmem>>
      tpu.wait_dma2 semaphore(%dma_wait3A_1290 : memref<!tpu.dma_semaphore, #tpu.memory_space<semaphore_mem>>) src(%dma_wait3A_1296 : memref<128x64xf32, #tpu.memory_space<vmem>>) dst(%dma_wait3A_1292 : memref<128x64xf32, #tpu.memory_space<hbm>>)
      %add3A_1297 = arith.constant 1 : i32
      %add3A_1298 = arith.addi %scan3A_648, %add3A_1297 : i32
      %mul3A_1299 = arith.constant 10 : i32
      %mul3A_1300 = arith.muli %add3A_1298, %mul3A_1299 : i32
      %add3A_1301 = arith.constant 7 : i32
      %add3A_1302 = arith.addi %mul3A_1300, %add3A_1301 : i32
      %dma_start3A_1303 = arith.constant 7 : i32
      %dma_start3A_1304 = arith.constant 7 : i32
      %dma_start3A_1305 = arith.constant 0 : i32
      %dma_start3A_1306 = arith.constant 0 : i32
      %dma_start3A_1307 = tpu.memref_slice %arg6[%dma_start3A_1303, %dma_start3A_1305, %dma_start3A_1306] : memref<10x128x64xf32, #tpu.memory_space<vmem>> -> memref<1x128x64xf32, #tpu.memory_space<vmem>>
      %dma_start3A_1308 = tpu.memref_squeeze %dma_start3A_1307 : memref<1x128x64xf32, #tpu.memory_space<vmem>> -> memref<128x64xf32, #tpu.memory_space<vmem>>
      %dma_start3A_1309 = arith.constant 0 : i32
      %dma_start3A_1310 = tpu.memref_slice %arg5[%add3A_1302, %dma_start3A_1309] : memref<200x128xi32, #tpu.memory_space<vmem>> -> memref<1x128xi32, #tpu.memory_space<vmem>>
      %dma_start3A_1311 = tpu.memref_squeeze %dma_start3A_1310 : memref<1x128xi32, #tpu.memory_space<vmem>> -> memref<128xi32, #tpu.memory_space<vmem>>
      %dma_start3A_1312 = arith.constant 0 : i32
      %dma_start3A_1313 = arith.constant 0 : i32
      %dma_start3A_1314 = tpu.memref_slice %arg2[%dma_start3A_1312, %dma_start3A_1313] : memref<1000000x64xf32, #tpu.memory_space<hbm>> -> memref<1000000x64xf32, #tpu.memory_space<hbm>>
      %dma_start3A_1315 = tpu.memref_slice %arg7[%dma_start3A_1304] : memref<10x!tpu.dma_semaphore, #tpu.memory_space<semaphore_mem>> -> memref<1x!tpu.dma_semaphore, #tpu.memory_space<semaphore_mem>>
      %dma_start3A_1316 = tpu.memref_squeeze %dma_start3A_1315 : memref<1x!tpu.dma_semaphore, #tpu.memory_space<semaphore_mem>> -> memref<!tpu.dma_semaphore, #tpu.memory_space<semaphore_mem>>
      tpu.enqueue_indirect_dma source(%dma_start3A_1314 : memref<1000000x64xf32, #tpu.memory_space<hbm>>) target(%dma_start3A_1308 : memref<128x64xf32, #tpu.memory_space<vmem>>) offsets(%dma_start3A_1311 : memref<128xi32, #tpu.memory_space<vmem>>) semaphore(%dma_start3A_1316 : memref<!tpu.dma_semaphore, #tpu.memory_space<semaphore_mem>>)
      %dma_wait3A_1317 = arith.constant 8 : i32
      %dma_wait3A_1318 = arith.constant 8 : i32
      %dma_wait3A_1319 = arith.constant 0 : i32
      %dma_wait3A_1320 = arith.constant 0 : i32
      %dma_wait3A_1321 = tpu.memref_slice %arg6[%dma_wait3A_1317, %dma_wait3A_1319, %dma_wait3A_1320] : memref<10x128x64xf32, #tpu.memory_space<vmem>> -> memref<1x128x64xf32, #tpu.memory_space<vmem>>
      %dma_wait3A_1322 = tpu.memref_squeeze %dma_wait3A_1321 : memref<1x128x64xf32, #tpu.memory_space<vmem>> -> memref<128x64xf32, #tpu.memory_space<vmem>>
      %dma_wait3A_1323 = arith.constant 0 : i32
      %dma_wait3A_1324 = tpu.memref_slice %arg4[%mul3A_4, %dma_wait3A_1323] : memref<819200x64xf32, #tpu.memory_space<hbm>> -> memref<128x64xf32, #tpu.memory_space<hbm>>
      %dma_wait3A_1325 = tpu.memref_slice %arg8[%dma_wait3A_1318] : memref<10x!tpu.dma_semaphore, #tpu.memory_space<semaphore_mem>> -> memref<1x!tpu.dma_semaphore, #tpu.memory_space<semaphore_mem>>
      %dma_wait3A_1326 = tpu.memref_squeeze %dma_wait3A_1325 : memref<1x!tpu.dma_semaphore, #tpu.memory_space<semaphore_mem>> -> memref<!tpu.dma_semaphore, #tpu.memory_space<semaphore_mem>>
      %dma_wait3A_1327 = arith.constant 0 : i32
      %dma_wait3A_1328 = tpu.memref_slice %arg4[%mul3A_4, %dma_wait3A_1327] : memref<819200x64xf32, #tpu.memory_space<hbm>> -> memref<128x64xf32, #tpu.memory_space<hbm>>
      %dma_wait3A_1329 = arith.constant 0 : i32
      %dma_wait3A_1330 = arith.constant 0 : i32
      %dma_wait3A_1331 = tpu.memref_slice %arg6[%dma_wait3A_1317, %dma_wait3A_1329, %dma_wait3A_1330] : memref<10x128x64xf32, #tpu.memory_space<vmem>> -> memref<1x128x64xf32, #tpu.memory_space<vmem>>
      %dma_wait3A_1332 = tpu.memref_squeeze %dma_wait3A_1331 : memref<1x128x64xf32, #tpu.memory_space<vmem>> -> memref<128x64xf32, #tpu.memory_space<vmem>>
      tpu.wait_dma2 semaphore(%dma_wait3A_1326 : memref<!tpu.dma_semaphore, #tpu.memory_space<semaphore_mem>>) src(%dma_wait3A_1332 : memref<128x64xf32, #tpu.memory_space<vmem>>) dst(%dma_wait3A_1328 : memref<128x64xf32, #tpu.memory_space<hbm>>)
      %add3A_1333 = arith.constant 1 : i32
      %add3A_1334 = arith.addi %scan3A_648, %add3A_1333 : i32
      %mul3A_1335 = arith.constant 10 : i32
      %mul3A_1336 = arith.muli %add3A_1334, %mul3A_1335 : i32
      %add3A_1337 = arith.constant 8 : i32
      %add3A_1338 = arith.addi %mul3A_1336, %add3A_1337 : i32
      %dma_start3A_1339 = arith.constant 8 : i32
      %dma_start3A_1340 = arith.constant 8 : i32
      %dma_start3A_1341 = arith.constant 0 : i32
      %dma_start3A_1342 = arith.constant 0 : i32
      %dma_start3A_1343 = tpu.memref_slice %arg6[%dma_start3A_1339, %dma_start3A_1341, %dma_start3A_1342] : memref<10x128x64xf32, #tpu.memory_space<vmem>> -> memref<1x128x64xf32, #tpu.memory_space<vmem>>
      %dma_start3A_1344 = tpu.memref_squeeze %dma_start3A_1343 : memref<1x128x64xf32, #tpu.memory_space<vmem>> -> memref<128x64xf32, #tpu.memory_space<vmem>>
      %dma_start3A_1345 = arith.constant 0 : i32
      %dma_start3A_1346 = tpu.memref_slice %arg5[%add3A_1338, %dma_start3A_1345] : memref<200x128xi32, #tpu.memory_space<vmem>> -> memref<1x128xi32, #tpu.memory_space<vmem>>
      %dma_start3A_1347 = tpu.memref_squeeze %dma_start3A_1346 : memref<1x128xi32, #tpu.memory_space<vmem>> -> memref<128xi32, #tpu.memory_space<vmem>>
      %dma_start3A_1348 = arith.constant 0 : i32
      %dma_start3A_1349 = arith.constant 0 : i32
      %dma_start3A_1350 = tpu.memref_slice %arg2[%dma_start3A_1348, %dma_start3A_1349] : memref<1000000x64xf32, #tpu.memory_space<hbm>> -> memref<1000000x64xf32, #tpu.memory_space<hbm>>
      %dma_start3A_1351 = tpu.memref_slice %arg7[%dma_start3A_1340] : memref<10x!tpu.dma_semaphore, #tpu.memory_space<semaphore_mem>> -> memref<1x!tpu.dma_semaphore, #tpu.memory_space<semaphore_mem>>
      %dma_start3A_1352 = tpu.memref_squeeze %dma_start3A_1351 : memref<1x!tpu.dma_semaphore, #tpu.memory_space<semaphore_mem>> -> memref<!tpu.dma_semaphore, #tpu.memory_space<semaphore_mem>>
      tpu.enqueue_indirect_dma source(%dma_start3A_1350 : memref<1000000x64xf32, #tpu.memory_space<hbm>>) target(%dma_start3A_1344 : memref<128x64xf32, #tpu.memory_space<vmem>>) offsets(%dma_start3A_1347 : memref<128xi32, #tpu.memory_space<vmem>>) semaphore(%dma_start3A_1352 : memref<!tpu.dma_semaphore, #tpu.memory_space<semaphore_mem>>)
      %dma_wait3A_1353 = arith.constant 9 : i32
      %dma_wait3A_1354 = arith.constant 9 : i32
      %dma_wait3A_1355 = arith.constant 0 : i32
      %dma_wait3A_1356 = arith.constant 0 : i32
      %dma_wait3A_1357 = tpu.memref_slice %arg6[%dma_wait3A_1353, %dma_wait3A_1355, %dma_wait3A_1356] : memref<10x128x64xf32, #tpu.memory_space<vmem>> -> memref<1x128x64xf32, #tpu.memory_space<vmem>>
      %dma_wait3A_1358 = tpu.memref_squeeze %dma_wait3A_1357 : memref<1x128x64xf32, #tpu.memory_space<vmem>> -> memref<128x64xf32, #tpu.memory_space<vmem>>
      %dma_wait3A_1359 = arith.constant 0 : i32
      %dma_wait3A_1360 = tpu.memref_slice %arg4[%mul3A_4, %dma_wait3A_1359] : memref<819200x64xf32, #tpu.memory_space<hbm>> -> memref<128x64xf32, #tpu.memory_space<hbm>>
      %dma_wait3A_1361 = tpu.memref_slice %arg8[%dma_wait3A_1354] : memref<10x!tpu.dma_semaphore, #tpu.memory_space<semaphore_mem>> -> memref<1x!tpu.dma_semaphore, #tpu.memory_space<semaphore_mem>>
      %dma_wait3A_1362 = tpu.memref_squeeze %dma_wait3A_1361 : memref<1x!tpu.dma_semaphore, #tpu.memory_space<semaphore_mem>> -> memref<!tpu.dma_semaphore, #tpu.memory_space<semaphore_mem>>
      %dma_wait3A_1363 = arith.constant 0 : i32
      %dma_wait3A_1364 = tpu.memref_slice %arg4[%mul3A_4, %dma_wait3A_1363] : memref<819200x64xf32, #tpu.memory_space<hbm>> -> memref<128x64xf32, #tpu.memory_space<hbm>>
      %dma_wait3A_1365 = arith.constant 0 : i32
      %dma_wait3A_1366 = arith.constant 0 : i32
      %dma_wait3A_1367 = tpu.memref_slice %arg6[%dma_wait3A_1353, %dma_wait3A_1365, %dma_wait3A_1366] : memref<10x128x64xf32, #tpu.memory_space<vmem>> -> memref<1x128x64xf32, #tpu.memory_space<vmem>>
      %dma_wait3A_1368 = tpu.memref_squeeze %dma_wait3A_1367 : memref<1x128x64xf32, #tpu.memory_space<vmem>> -> memref<128x64xf32, #tpu.memory_space<vmem>>
      tpu.wait_dma2 semaphore(%dma_wait3A_1362 : memref<!tpu.dma_semaphore, #tpu.memory_space<semaphore_mem>>) src(%dma_wait3A_1368 : memref<128x64xf32, #tpu.memory_space<vmem>>) dst(%dma_wait3A_1364 : memref<128x64xf32, #tpu.memory_space<hbm>>)
      %add3A_1369 = arith.constant 1 : i32
      %add3A_1370 = arith.addi %scan3A_648, %add3A_1369 : i32
      %mul3A_1371 = arith.constant 10 : i32
      %mul3A_1372 = arith.muli %add3A_1370, %mul3A_1371 : i32
      %add3A_1373 = arith.constant 9 : i32
      %add3A_1374 = arith.addi %mul3A_1372, %add3A_1373 : i32
      %dma_start3A_1375 = arith.constant 9 : i32
      %dma_start3A_1376 = arith.constant 9 : i32
      %dma_start3A_1377 = arith.constant 0 : i32
      %dma_start3A_1378 = arith.constant 0 : i32
      %dma_start3A_1379 = tpu.memref_slice %arg6[%dma_start3A_1375, %dma_start3A_1377, %dma_start3A_1378] : memref<10x128x64xf32, #tpu.memory_space<vmem>> -> memref<1x128x64xf32, #tpu.memory_space<vmem>>
      %dma_start3A_1380 = tpu.memref_squeeze %dma_start3A_1379 : memref<1x128x64xf32, #tpu.memory_space<vmem>> -> memref<128x64xf32, #tpu.memory_space<vmem>>
      %dma_start3A_1381 = arith.constant 0 : i32
      %dma_start3A_1382 = tpu.memref_slice %arg5[%add3A_1374, %dma_start3A_1381] : memref<200x128xi32, #tpu.memory_space<vmem>> -> memref<1x128xi32, #tpu.memory_space<vmem>>
      %dma_start3A_1383 = tpu.memref_squeeze %dma_start3A_1382 : memref<1x128xi32, #tpu.memory_space<vmem>> -> memref<128xi32, #tpu.memory_space<vmem>>
      %dma_start3A_1384 = arith.constant 0 : i32
      %dma_start3A_1385 = arith.constant 0 : i32
      %dma_start3A_1386 = tpu.memref_slice %arg2[%dma_start3A_1384, %dma_start3A_1385] : memref<1000000x64xf32, #tpu.memory_space<hbm>> -> memref<1000000x64xf32, #tpu.memory_space<hbm>>
      %dma_start3A_1387 = tpu.memref_slice %arg7[%dma_start3A_1376] : memref<10x!tpu.dma_semaphore, #tpu.memory_space<semaphore_mem>> -> memref<1x!tpu.dma_semaphore, #tpu.memory_space<semaphore_mem>>
      %dma_start3A_1388 = tpu.memref_squeeze %dma_start3A_1387 : memref<1x!tpu.dma_semaphore, #tpu.memory_space<semaphore_mem>> -> memref<!tpu.dma_semaphore, #tpu.memory_space<semaphore_mem>>
      tpu.enqueue_indirect_dma source(%dma_start3A_1386 : memref<1000000x64xf32, #tpu.memory_space<hbm>>) target(%dma_start3A_1380 : memref<128x64xf32, #tpu.memory_space<vmem>>) offsets(%dma_start3A_1383 : memref<128xi32, #tpu.memory_space<vmem>>) semaphore(%dma_start3A_1388 : memref<!tpu.dma_semaphore, #tpu.memory_space<semaphore_mem>>)
    }
    %scan3A_158 = arith.constant 19 : i32
    %dma_wait3A = arith.constant 0 : i32
    %dma_wait3A_159 = arith.constant 0 : i32
    %dma_wait3A_160 = arith.constant 0 : i32
    %dma_wait3A_161 = arith.constant 0 : i32
    %dma_wait3A_162 = arith.constant 0 : i32
    %dma_wait3A_163 = tpu.memref_slice %arg6[%dma_wait3A_159, %dma_wait3A_161, %dma_wait3A_162] : memref<10x128x64xf32, #tpu.memory_space<vmem>> -> memref<1x128x64xf32, #tpu.memory_space<vmem>>
    %dma_wait3A_164 = tpu.memref_squeeze %dma_wait3A_163 : memref<1x128x64xf32, #tpu.memory_space<vmem>> -> memref<128x64xf32, #tpu.memory_space<vmem>>
    %dma_wait3A_165 = arith.constant 0 : i32
    %dma_wait3A_166 = tpu.memref_slice %arg5[%dma_wait3A, %dma_wait3A_165] : memref<200x128xi32, #tpu.memory_space<vmem>> -> memref<1x128xi32, #tpu.memory_space<vmem>>
    %dma_wait3A_167 = tpu.memref_squeeze %dma_wait3A_166 : memref<1x128xi32, #tpu.memory_space<vmem>> -> memref<128xi32, #tpu.memory_space<vmem>>
    %dma_wait3A_168 = arith.constant 0 : i32
    %dma_wait3A_169 = arith.constant 0 : i32
    %dma_wait3A_170 = tpu.memref_slice %arg2[%dma_wait3A_168, %dma_wait3A_169] : memref<1000000x64xf32, #tpu.memory_space<hbm>> -> memref<1000000x64xf32, #tpu.memory_space<hbm>>
    %dma_wait3A_171 = tpu.memref_slice %arg7[%dma_wait3A_160] : memref<10x!tpu.dma_semaphore, #tpu.memory_space<semaphore_mem>> -> memref<1x!tpu.dma_semaphore, #tpu.memory_space<semaphore_mem>>
    %dma_wait3A_172 = tpu.memref_squeeze %dma_wait3A_171 : memref<1x!tpu.dma_semaphore, #tpu.memory_space<semaphore_mem>> -> memref<!tpu.dma_semaphore, #tpu.memory_space<semaphore_mem>>
    tpu.wait_indirect_dma semaphore(%dma_wait3A_172 : memref<!tpu.dma_semaphore, #tpu.memory_space<semaphore_mem>>) src(%dma_wait3A_170 : memref<1000000x64xf32, #tpu.memory_space<hbm>>) dst(%dma_wait3A_164 : memref<128x64xf32, #tpu.memory_space<vmem>>)
    %add3A_173 = arith.constant 24320 : i32
    %add3A_174 = arith.addi %mul3A_4, %add3A_173 : i32
    %dma_start3A_175 = arith.constant 0 : i32
    %dma_start3A_176 = arith.constant 0 : i32
    %dma_start3A_177 = arith.constant 0 : i32
    %dma_start3A_178 = arith.constant 0 : i32
    %dma_start3A_179 = tpu.memref_slice %arg6[%dma_start3A_175, %dma_start3A_177, %dma_start3A_178] : memref<10x128x64xf32, #tpu.memory_space<vmem>> -> memref<1x128x64xf32, #tpu.memory_space<vmem>>
    %dma_start3A_180 = tpu.memref_squeeze %dma_start3A_179 : memref<1x128x64xf32, #tpu.memory_space<vmem>> -> memref<128x64xf32, #tpu.memory_space<vmem>>
    %dma_start3A_181 = arith.constant 0 : i32
    %dma_start3A_182 = tpu.memref_slice %arg4[%add3A_174, %dma_start3A_181] : memref<819200x64xf32, #tpu.memory_space<hbm>> -> memref<128x64xf32, #tpu.memory_space<hbm>>
    %dma_start3A_183 = tpu.memref_slice %arg8[%dma_start3A_176] : memref<10x!tpu.dma_semaphore, #tpu.memory_space<semaphore_mem>> -> memref<1x!tpu.dma_semaphore, #tpu.memory_space<semaphore_mem>>
    %dma_start3A_184 = tpu.memref_squeeze %dma_start3A_183 : memref<1x!tpu.dma_semaphore, #tpu.memory_space<semaphore_mem>> -> memref<!tpu.dma_semaphore, #tpu.memory_space<semaphore_mem>>
    %dma_start3A_185 = arith.constant 0 : i32
    %dma_start3A_186 = tpu.memref_slice %arg4[%add3A_174, %dma_start3A_185] : memref<819200x64xf32, #tpu.memory_space<hbm>> -> memref<128x64xf32, #tpu.memory_space<hbm>>
    %dma_start3A_187 = arith.constant 0 : i32
    %dma_start3A_188 = arith.constant 0 : i32
    %dma_start3A_189 = tpu.memref_slice %arg6[%dma_start3A_175, %dma_start3A_187, %dma_start3A_188] : memref<10x128x64xf32, #tpu.memory_space<vmem>> -> memref<1x128x64xf32, #tpu.memory_space<vmem>>
    %dma_start3A_190 = tpu.memref_squeeze %dma_start3A_189 : memref<1x128x64xf32, #tpu.memory_space<vmem>> -> memref<128x64xf32, #tpu.memory_space<vmem>>
    tpu.enqueue_dma source(%dma_start3A_190 : memref<128x64xf32, #tpu.memory_space<vmem>>) target(%dma_start3A_186 : memref<128x64xf32, #tpu.memory_space<hbm>>) target_semaphore(%dma_start3A_184 : memref<!tpu.dma_semaphore, #tpu.memory_space<semaphore_mem>>)
    %dma_wait3A_191 = arith.constant 0 : i32
    %dma_wait3A_192 = arith.constant 1 : i32
    %dma_wait3A_193 = arith.constant 1 : i32
    %dma_wait3A_194 = arith.constant 0 : i32
    %dma_wait3A_195 = arith.constant 0 : i32
    %dma_wait3A_196 = tpu.memref_slice %arg6[%dma_wait3A_192, %dma_wait3A_194, %dma_wait3A_195] : memref<10x128x64xf32, #tpu.memory_space<vmem>> -> memref<1x128x64xf32, #tpu.memory_space<vmem>>
    %dma_wait3A_197 = tpu.memref_squeeze %dma_wait3A_196 : memref<1x128x64xf32, #tpu.memory_space<vmem>> -> memref<128x64xf32, #tpu.memory_space<vmem>>
    %dma_wait3A_198 = arith.constant 0 : i32
    %dma_wait3A_199 = tpu.memref_slice %arg5[%dma_wait3A_191, %dma_wait3A_198] : memref<200x128xi32, #tpu.memory_space<vmem>> -> memref<1x128xi32, #tpu.memory_space<vmem>>
    %dma_wait3A_200 = tpu.memref_squeeze %dma_wait3A_199 : memref<1x128xi32, #tpu.memory_space<vmem>> -> memref<128xi32, #tpu.memory_space<vmem>>
    %dma_wait3A_201 = arith.constant 0 : i32
    %dma_wait3A_202 = arith.constant 0 : i32
    %dma_wait3A_203 = tpu.memref_slice %arg2[%dma_wait3A_201, %dma_wait3A_202] : memref<1000000x64xf32, #tpu.memory_space<hbm>> -> memref<1000000x64xf32, #tpu.memory_space<hbm>>
    %dma_wait3A_204 = tpu.memref_slice %arg7[%dma_wait3A_193] : memref<10x!tpu.dma_semaphore, #tpu.memory_space<semaphore_mem>> -> memref<1x!tpu.dma_semaphore, #tpu.memory_space<semaphore_mem>>
    %dma_wait3A_205 = tpu.memref_squeeze %dma_wait3A_204 : memref<1x!tpu.dma_semaphore, #tpu.memory_space<semaphore_mem>> -> memref<!tpu.dma_semaphore, #tpu.memory_space<semaphore_mem>>
    tpu.wait_indirect_dma semaphore(%dma_wait3A_205 : memref<!tpu.dma_semaphore, #tpu.memory_space<semaphore_mem>>) src(%dma_wait3A_203 : memref<1000000x64xf32, #tpu.memory_space<hbm>>) dst(%dma_wait3A_197 : memref<128x64xf32, #tpu.memory_space<vmem>>)
    %add3A_206 = arith.constant 24448 : i32
    %add3A_207 = arith.addi %mul3A_4, %add3A_206 : i32
    %dma_start3A_208 = arith.constant 1 : i32
    %dma_start3A_209 = arith.constant 1 : i32
    %dma_start3A_210 = arith.constant 0 : i32
    %dma_start3A_211 = arith.constant 0 : i32
    %dma_start3A_212 = tpu.memref_slice %arg6[%dma_start3A_208, %dma_start3A_210, %dma_start3A_211] : memref<10x128x64xf32, #tpu.memory_space<vmem>> -> memref<1x128x64xf32, #tpu.memory_space<vmem>>
    %dma_start3A_213 = tpu.memref_squeeze %dma_start3A_212 : memref<1x128x64xf32, #tpu.memory_space<vmem>> -> memref<128x64xf32, #tpu.memory_space<vmem>>
    %dma_start3A_214 = arith.constant 0 : i32
    %dma_start3A_215 = tpu.memref_slice %arg4[%add3A_207, %dma_start3A_214] : memref<819200x64xf32, #tpu.memory_space<hbm>> -> memref<128x64xf32, #tpu.memory_space<hbm>>
    %dma_start3A_216 = tpu.memref_slice %arg8[%dma_start3A_209] : memref<10x!tpu.dma_semaphore, #tpu.memory_space<semaphore_mem>> -> memref<1x!tpu.dma_semaphore, #tpu.memory_space<semaphore_mem>>
    %dma_start3A_217 = tpu.memref_squeeze %dma_start3A_216 : memref<1x!tpu.dma_semaphore, #tpu.memory_space<semaphore_mem>> -> memref<!tpu.dma_semaphore, #tpu.memory_space<semaphore_mem>>
    %dma_start3A_218 = arith.constant 0 : i32
    %dma_start3A_219 = tpu.memref_slice %arg4[%add3A_207, %dma_start3A_218] : memref<819200x64xf32, #tpu.memory_space<hbm>> -> memref<128x64xf32, #tpu.memory_space<hbm>>
    %dma_start3A_220 = arith.constant 0 : i32
    %dma_start3A_221 = arith.constant 0 : i32
    %dma_start3A_222 = tpu.memref_slice %arg6[%dma_start3A_208, %dma_start3A_220, %dma_start3A_221] : memref<10x128x64xf32, #tpu.memory_space<vmem>> -> memref<1x128x64xf32, #tpu.memory_space<vmem>>
    %dma_start3A_223 = tpu.memref_squeeze %dma_start3A_222 : memref<1x128x64xf32, #tpu.memory_space<vmem>> -> memref<128x64xf32, #tpu.memory_space<vmem>>
    tpu.enqueue_dma source(%dma_start3A_223 : memref<128x64xf32, #tpu.memory_space<vmem>>) target(%dma_start3A_219 : memref<128x64xf32, #tpu.memory_space<hbm>>) target_semaphore(%dma_start3A_217 : memref<!tpu.dma_semaphore, #tpu.memory_space<semaphore_mem>>)
    %dma_wait3A_224 = arith.constant 0 : i32
    %dma_wait3A_225 = arith.constant 2 : i32
    %dma_wait3A_226 = arith.constant 2 : i32
    %dma_wait3A_227 = arith.constant 0 : i32
    %dma_wait3A_228 = arith.constant 0 : i32
    %dma_wait3A_229 = tpu.memref_slice %arg6[%dma_wait3A_225, %dma_wait3A_227, %dma_wait3A_228] : memref<10x128x64xf32, #tpu.memory_space<vmem>> -> memref<1x128x64xf32, #tpu.memory_space<vmem>>
    %dma_wait3A_230 = tpu.memref_squeeze %dma_wait3A_229 : memref<1x128x64xf32, #tpu.memory_space<vmem>> -> memref<128x64xf32, #tpu.memory_space<vmem>>
    %dma_wait3A_231 = arith.constant 0 : i32
    %dma_wait3A_232 = tpu.memref_slice %arg5[%dma_wait3A_224, %dma_wait3A_231] : memref<200x128xi32, #tpu.memory_space<vmem>> -> memref<1x128xi32, #tpu.memory_space<vmem>>
    %dma_wait3A_233 = tpu.memref_squeeze %dma_wait3A_232 : memref<1x128xi32, #tpu.memory_space<vmem>> -> memref<128xi32, #tpu.memory_space<vmem>>
    %dma_wait3A_234 = arith.constant 0 : i32
    %dma_wait3A_235 = arith.constant 0 : i32
    %dma_wait3A_236 = tpu.memref_slice %arg2[%dma_wait3A_234, %dma_wait3A_235] : memref<1000000x64xf32, #tpu.memory_space<hbm>> -> memref<1000000x64xf32, #tpu.memory_space<hbm>>
    %dma_wait3A_237 = tpu.memref_slice %arg7[%dma_wait3A_226] : memref<10x!tpu.dma_semaphore, #tpu.memory_space<semaphore_mem>> -> memref<1x!tpu.dma_semaphore, #tpu.memory_space<semaphore_mem>>
    %dma_wait3A_238 = tpu.memref_squeeze %dma_wait3A_237 : memref<1x!tpu.dma_semaphore, #tpu.memory_space<semaphore_mem>> -> memref<!tpu.dma_semaphore, #tpu.memory_space<semaphore_mem>>
    tpu.wait_indirect_dma semaphore(%dma_wait3A_238 : memref<!tpu.dma_semaphore, #tpu.memory_space<semaphore_mem>>) src(%dma_wait3A_236 : memref<1000000x64xf32, #tpu.memory_space<hbm>>) dst(%dma_wait3A_230 : memref<128x64xf32, #tpu.memory_space<vmem>>)
    %add3A_239 = arith.constant 24576 : i32
    %add3A_240 = arith.addi %mul3A_4, %add3A_239 : i32
    %dma_start3A_241 = arith.constant 2 : i32
    %dma_start3A_242 = arith.constant 2 : i32
    %dma_start3A_243 = arith.constant 0 : i32
    %dma_start3A_244 = arith.constant 0 : i32
    %dma_start3A_245 = tpu.memref_slice %arg6[%dma_start3A_241, %dma_start3A_243, %dma_start3A_244] : memref<10x128x64xf32, #tpu.memory_space<vmem>> -> memref<1x128x64xf32, #tpu.memory_space<vmem>>
    %dma_start3A_246 = tpu.memref_squeeze %dma_start3A_245 : memref<1x128x64xf32, #tpu.memory_space<vmem>> -> memref<128x64xf32, #tpu.memory_space<vmem>>
    %dma_start3A_247 = arith.constant 0 : i32
    %dma_start3A_248 = tpu.memref_slice %arg4[%add3A_240, %dma_start3A_247] : memref<819200x64xf32, #tpu.memory_space<hbm>> -> memref<128x64xf32, #tpu.memory_space<hbm>>
    %dma_start3A_249 = tpu.memref_slice %arg8[%dma_start3A_242] : memref<10x!tpu.dma_semaphore, #tpu.memory_space<semaphore_mem>> -> memref<1x!tpu.dma_semaphore, #tpu.memory_space<semaphore_mem>>
    %dma_start3A_250 = tpu.memref_squeeze %dma_start3A_249 : memref<1x!tpu.dma_semaphore, #tpu.memory_space<semaphore_mem>> -> memref<!tpu.dma_semaphore, #tpu.memory_space<semaphore_mem>>
    %dma_start3A_251 = arith.constant 0 : i32
    %dma_start3A_252 = tpu.memref_slice %arg4[%add3A_240, %dma_start3A_251] : memref<819200x64xf32, #tpu.memory_space<hbm>> -> memref<128x64xf32, #tpu.memory_space<hbm>>
    %dma_start3A_253 = arith.constant 0 : i32
    %dma_start3A_254 = arith.constant 0 : i32
    %dma_start3A_255 = tpu.memref_slice %arg6[%dma_start3A_241, %dma_start3A_253, %dma_start3A_254] : memref<10x128x64xf32, #tpu.memory_space<vmem>> -> memref<1x128x64xf32, #tpu.memory_space<vmem>>
    %dma_start3A_256 = tpu.memref_squeeze %dma_start3A_255 : memref<1x128x64xf32, #tpu.memory_space<vmem>> -> memref<128x64xf32, #tpu.memory_space<vmem>>
    tpu.enqueue_dma source(%dma_start3A_256 : memref<128x64xf32, #tpu.memory_space<vmem>>) target(%dma_start3A_252 : memref<128x64xf32, #tpu.memory_space<hbm>>) target_semaphore(%dma_start3A_250 : memref<!tpu.dma_semaphore, #tpu.memory_space<semaphore_mem>>)
    %dma_wait3A_257 = arith.constant 0 : i32
    %dma_wait3A_258 = arith.constant 3 : i32
    %dma_wait3A_259 = arith.constant 3 : i32
    %dma_wait3A_260 = arith.constant 0 : i32
    %dma_wait3A_261 = arith.constant 0 : i32
    %dma_wait3A_262 = tpu.memref_slice %arg6[%dma_wait3A_258, %dma_wait3A_260, %dma_wait3A_261] : memref<10x128x64xf32, #tpu.memory_space<vmem>> -> memref<1x128x64xf32, #tpu.memory_space<vmem>>
    %dma_wait3A_263 = tpu.memref_squeeze %dma_wait3A_262 : memref<1x128x64xf32, #tpu.memory_space<vmem>> -> memref<128x64xf32, #tpu.memory_space<vmem>>
    %dma_wait3A_264 = arith.constant 0 : i32
    %dma_wait3A_265 = tpu.memref_slice %arg5[%dma_wait3A_257, %dma_wait3A_264] : memref<200x128xi32, #tpu.memory_space<vmem>> -> memref<1x128xi32, #tpu.memory_space<vmem>>
    %dma_wait3A_266 = tpu.memref_squeeze %dma_wait3A_265 : memref<1x128xi32, #tpu.memory_space<vmem>> -> memref<128xi32, #tpu.memory_space<vmem>>
    %dma_wait3A_267 = arith.constant 0 : i32
    %dma_wait3A_268 = arith.constant 0 : i32
    %dma_wait3A_269 = tpu.memref_slice %arg2[%dma_wait3A_267, %dma_wait3A_268] : memref<1000000x64xf32, #tpu.memory_space<hbm>> -> memref<1000000x64xf32, #tpu.memory_space<hbm>>
    %dma_wait3A_270 = tpu.memref_slice %arg7[%dma_wait3A_259] : memref<10x!tpu.dma_semaphore, #tpu.memory_space<semaphore_mem>> -> memref<1x!tpu.dma_semaphore, #tpu.memory_space<semaphore_mem>>
    %dma_wait3A_271 = tpu.memref_squeeze %dma_wait3A_270 : memref<1x!tpu.dma_semaphore, #tpu.memory_space<semaphore_mem>> -> memref<!tpu.dma_semaphore, #tpu.memory_space<semaphore_mem>>
    tpu.wait_indirect_dma semaphore(%dma_wait3A_271 : memref<!tpu.dma_semaphore, #tpu.memory_space<semaphore_mem>>) src(%dma_wait3A_269 : memref<1000000x64xf32, #tpu.memory_space<hbm>>) dst(%dma_wait3A_263 : memref<128x64xf32, #tpu.memory_space<vmem>>)
    %add3A_272 = arith.constant 24704 : i32
    %add3A_273 = arith.addi %mul3A_4, %add3A_272 : i32
    %dma_start3A_274 = arith.constant 3 : i32
    %dma_start3A_275 = arith.constant 3 : i32
    %dma_start3A_276 = arith.constant 0 : i32
    %dma_start3A_277 = arith.constant 0 : i32
    %dma_start3A_278 = tpu.memref_slice %arg6[%dma_start3A_274, %dma_start3A_276, %dma_start3A_277] : memref<10x128x64xf32, #tpu.memory_space<vmem>> -> memref<1x128x64xf32, #tpu.memory_space<vmem>>
    %dma_start3A_279 = tpu.memref_squeeze %dma_start3A_278 : memref<1x128x64xf32, #tpu.memory_space<vmem>> -> memref<128x64xf32, #tpu.memory_space<vmem>>
    %dma_start3A_280 = arith.constant 0 : i32
    %dma_start3A_281 = tpu.memref_slice %arg4[%add3A_273, %dma_start3A_280] : memref<819200x64xf32, #tpu.memory_space<hbm>> -> memref<128x64xf32, #tpu.memory_space<hbm>>
    %dma_start3A_282 = tpu.memref_slice %arg8[%dma_start3A_275] : memref<10x!tpu.dma_semaphore, #tpu.memory_space<semaphore_mem>> -> memref<1x!tpu.dma_semaphore, #tpu.memory_space<semaphore_mem>>
    %dma_start3A_283 = tpu.memref_squeeze %dma_start3A_282 : memref<1x!tpu.dma_semaphore, #tpu.memory_space<semaphore_mem>> -> memref<!tpu.dma_semaphore, #tpu.memory_space<semaphore_mem>>
    %dma_start3A_284 = arith.constant 0 : i32
    %dma_start3A_285 = tpu.memref_slice %arg4[%add3A_273, %dma_start3A_284] : memref<819200x64xf32, #tpu.memory_space<hbm>> -> memref<128x64xf32, #tpu.memory_space<hbm>>
    %dma_start3A_286 = arith.constant 0 : i32
    %dma_start3A_287 = arith.constant 0 : i32
    %dma_start3A_288 = tpu.memref_slice %arg6[%dma_start3A_274, %dma_start3A_286, %dma_start3A_287] : memref<10x128x64xf32, #tpu.memory_space<vmem>> -> memref<1x128x64xf32, #tpu.memory_space<vmem>>
    %dma_start3A_289 = tpu.memref_squeeze %dma_start3A_288 : memref<1x128x64xf32, #tpu.memory_space<vmem>> -> memref<128x64xf32, #tpu.memory_space<vmem>>
    tpu.enqueue_dma source(%dma_start3A_289 : memref<128x64xf32, #tpu.memory_space<vmem>>) target(%dma_start3A_285 : memref<128x64xf32, #tpu.memory_space<hbm>>) target_semaphore(%dma_start3A_283 : memref<!tpu.dma_semaphore, #tpu.memory_space<semaphore_mem>>)
    %dma_wait3A_290 = arith.constant 0 : i32
    %dma_wait3A_291 = arith.constant 4 : i32
    %dma_wait3A_292 = arith.constant 4 : i32
    %dma_wait3A_293 = arith.constant 0 : i32
    %dma_wait3A_294 = arith.constant 0 : i32
    %dma_wait3A_295 = tpu.memref_slice %arg6[%dma_wait3A_291, %dma_wait3A_293, %dma_wait3A_294] : memref<10x128x64xf32, #tpu.memory_space<vmem>> -> memref<1x128x64xf32, #tpu.memory_space<vmem>>
    %dma_wait3A_296 = tpu.memref_squeeze %dma_wait3A_295 : memref<1x128x64xf32, #tpu.memory_space<vmem>> -> memref<128x64xf32, #tpu.memory_space<vmem>>
    %dma_wait3A_297 = arith.constant 0 : i32
    %dma_wait3A_298 = tpu.memref_slice %arg5[%dma_wait3A_290, %dma_wait3A_297] : memref<200x128xi32, #tpu.memory_space<vmem>> -> memref<1x128xi32, #tpu.memory_space<vmem>>
    %dma_wait3A_299 = tpu.memref_squeeze %dma_wait3A_298 : memref<1x128xi32, #tpu.memory_space<vmem>> -> memref<128xi32, #tpu.memory_space<vmem>>
    %dma_wait3A_300 = arith.constant 0 : i32
    %dma_wait3A_301 = arith.constant 0 : i32
    %dma_wait3A_302 = tpu.memref_slice %arg2[%dma_wait3A_300, %dma_wait3A_301] : memref<1000000x64xf32, #tpu.memory_space<hbm>> -> memref<1000000x64xf32, #tpu.memory_space<hbm>>
    %dma_wait3A_303 = tpu.memref_slice %arg7[%dma_wait3A_292] : memref<10x!tpu.dma_semaphore, #tpu.memory_space<semaphore_mem>> -> memref<1x!tpu.dma_semaphore, #tpu.memory_space<semaphore_mem>>
    %dma_wait3A_304 = tpu.memref_squeeze %dma_wait3A_303 : memref<1x!tpu.dma_semaphore, #tpu.memory_space<semaphore_mem>> -> memref<!tpu.dma_semaphore, #tpu.memory_space<semaphore_mem>>
    tpu.wait_indirect_dma semaphore(%dma_wait3A_304 : memref<!tpu.dma_semaphore, #tpu.memory_space<semaphore_mem>>) src(%dma_wait3A_302 : memref<1000000x64xf32, #tpu.memory_space<hbm>>) dst(%dma_wait3A_296 : memref<128x64xf32, #tpu.memory_space<vmem>>)
    %add3A_305 = arith.constant 24832 : i32
    %add3A_306 = arith.addi %mul3A_4, %add3A_305 : i32
    %dma_start3A_307 = arith.constant 4 : i32
    %dma_start3A_308 = arith.constant 4 : i32
    %dma_start3A_309 = arith.constant 0 : i32
    %dma_start3A_310 = arith.constant 0 : i32
    %dma_start3A_311 = tpu.memref_slice %arg6[%dma_start3A_307, %dma_start3A_309, %dma_start3A_310] : memref<10x128x64xf32, #tpu.memory_space<vmem>> -> memref<1x128x64xf32, #tpu.memory_space<vmem>>
    %dma_start3A_312 = tpu.memref_squeeze %dma_start3A_311 : memref<1x128x64xf32, #tpu.memory_space<vmem>> -> memref<128x64xf32, #tpu.memory_space<vmem>>
    %dma_start3A_313 = arith.constant 0 : i32
    %dma_start3A_314 = tpu.memref_slice %arg4[%add3A_306, %dma_start3A_313] : memref<819200x64xf32, #tpu.memory_space<hbm>> -> memref<128x64xf32, #tpu.memory_space<hbm>>
    %dma_start3A_315 = tpu.memref_slice %arg8[%dma_start3A_308] : memref<10x!tpu.dma_semaphore, #tpu.memory_space<semaphore_mem>> -> memref<1x!tpu.dma_semaphore, #tpu.memory_space<semaphore_mem>>
    %dma_start3A_316 = tpu.memref_squeeze %dma_start3A_315 : memref<1x!tpu.dma_semaphore, #tpu.memory_space<semaphore_mem>> -> memref<!tpu.dma_semaphore, #tpu.memory_space<semaphore_mem>>
    %dma_start3A_317 = arith.constant 0 : i32
    %dma_start3A_318 = tpu.memref_slice %arg4[%add3A_306, %dma_start3A_317] : memref<819200x64xf32, #tpu.memory_space<hbm>> -> memref<128x64xf32, #tpu.memory_space<hbm>>
    %dma_start3A_319 = arith.constant 0 : i32
    %dma_start3A_320 = arith.constant 0 : i32
    %dma_start3A_321 = tpu.memref_slice %arg6[%dma_start3A_307, %dma_start3A_319, %dma_start3A_320] : memref<10x128x64xf32, #tpu.memory_space<vmem>> -> memref<1x128x64xf32, #tpu.memory_space<vmem>>
    %dma_start3A_322 = tpu.memref_squeeze %dma_start3A_321 : memref<1x128x64xf32, #tpu.memory_space<vmem>> -> memref<128x64xf32, #tpu.memory_space<vmem>>
    tpu.enqueue_dma source(%dma_start3A_322 : memref<128x64xf32, #tpu.memory_space<vmem>>) target(%dma_start3A_318 : memref<128x64xf32, #tpu.memory_space<hbm>>) target_semaphore(%dma_start3A_316 : memref<!tpu.dma_semaphore, #tpu.memory_space<semaphore_mem>>)
    %dma_wait3A_323 = arith.constant 0 : i32
    %dma_wait3A_324 = arith.constant 5 : i32
    %dma_wait3A_325 = arith.constant 5 : i32
    %dma_wait3A_326 = arith.constant 0 : i32
    %dma_wait3A_327 = arith.constant 0 : i32
    %dma_wait3A_328 = tpu.memref_slice %arg6[%dma_wait3A_324, %dma_wait3A_326, %dma_wait3A_327] : memref<10x128x64xf32, #tpu.memory_space<vmem>> -> memref<1x128x64xf32, #tpu.memory_space<vmem>>
    %dma_wait3A_329 = tpu.memref_squeeze %dma_wait3A_328 : memref<1x128x64xf32, #tpu.memory_space<vmem>> -> memref<128x64xf32, #tpu.memory_space<vmem>>
    %dma_wait3A_330 = arith.constant 0 : i32
    %dma_wait3A_331 = tpu.memref_slice %arg5[%dma_wait3A_323, %dma_wait3A_330] : memref<200x128xi32, #tpu.memory_space<vmem>> -> memref<1x128xi32, #tpu.memory_space<vmem>>
    %dma_wait3A_332 = tpu.memref_squeeze %dma_wait3A_331 : memref<1x128xi32, #tpu.memory_space<vmem>> -> memref<128xi32, #tpu.memory_space<vmem>>
    %dma_wait3A_333 = arith.constant 0 : i32
    %dma_wait3A_334 = arith.constant 0 : i32
    %dma_wait3A_335 = tpu.memref_slice %arg2[%dma_wait3A_333, %dma_wait3A_334] : memref<1000000x64xf32, #tpu.memory_space<hbm>> -> memref<1000000x64xf32, #tpu.memory_space<hbm>>
    %dma_wait3A_336 = tpu.memref_slice %arg7[%dma_wait3A_325] : memref<10x!tpu.dma_semaphore, #tpu.memory_space<semaphore_mem>> -> memref<1x!tpu.dma_semaphore, #tpu.memory_space<semaphore_mem>>
    %dma_wait3A_337 = tpu.memref_squeeze %dma_wait3A_336 : memref<1x!tpu.dma_semaphore, #tpu.memory_space<semaphore_mem>> -> memref<!tpu.dma_semaphore, #tpu.memory_space<semaphore_mem>>
    tpu.wait_indirect_dma semaphore(%dma_wait3A_337 : memref<!tpu.dma_semaphore, #tpu.memory_space<semaphore_mem>>) src(%dma_wait3A_335 : memref<1000000x64xf32, #tpu.memory_space<hbm>>) dst(%dma_wait3A_329 : memref<128x64xf32, #tpu.memory_space<vmem>>)
    %add3A_338 = arith.constant 24960 : i32
    %add3A_339 = arith.addi %mul3A_4, %add3A_338 : i32
    %dma_start3A_340 = arith.constant 5 : i32
    %dma_start3A_341 = arith.constant 5 : i32
    %dma_start3A_342 = arith.constant 0 : i32
    %dma_start3A_343 = arith.constant 0 : i32
    %dma_start3A_344 = tpu.memref_slice %arg6[%dma_start3A_340, %dma_start3A_342, %dma_start3A_343] : memref<10x128x64xf32, #tpu.memory_space<vmem>> -> memref<1x128x64xf32, #tpu.memory_space<vmem>>
    %dma_start3A_345 = tpu.memref_squeeze %dma_start3A_344 : memref<1x128x64xf32, #tpu.memory_space<vmem>> -> memref<128x64xf32, #tpu.memory_space<vmem>>
    %dma_start3A_346 = arith.constant 0 : i32
    %dma_start3A_347 = tpu.memref_slice %arg4[%add3A_339, %dma_start3A_346] : memref<819200x64xf32, #tpu.memory_space<hbm>> -> memref<128x64xf32, #tpu.memory_space<hbm>>
    %dma_start3A_348 = tpu.memref_slice %arg8[%dma_start3A_341] : memref<10x!tpu.dma_semaphore, #tpu.memory_space<semaphore_mem>> -> memref<1x!tpu.dma_semaphore, #tpu.memory_space<semaphore_mem>>
    %dma_start3A_349 = tpu.memref_squeeze %dma_start3A_348 : memref<1x!tpu.dma_semaphore, #tpu.memory_space<semaphore_mem>> -> memref<!tpu.dma_semaphore, #tpu.memory_space<semaphore_mem>>
    %dma_start3A_350 = arith.constant 0 : i32
    %dma_start3A_351 = tpu.memref_slice %arg4[%add3A_339, %dma_start3A_350] : memref<819200x64xf32, #tpu.memory_space<hbm>> -> memref<128x64xf32, #tpu.memory_space<hbm>>
    %dma_start3A_352 = arith.constant 0 : i32
    %dma_start3A_353 = arith.constant 0 : i32
    %dma_start3A_354 = tpu.memref_slice %arg6[%dma_start3A_340, %dma_start3A_352, %dma_start3A_353] : memref<10x128x64xf32, #tpu.memory_space<vmem>> -> memref<1x128x64xf32, #tpu.memory_space<vmem>>
    %dma_start3A_355 = tpu.memref_squeeze %dma_start3A_354 : memref<1x128x64xf32, #tpu.memory_space<vmem>> -> memref<128x64xf32, #tpu.memory_space<vmem>>
    tpu.enqueue_dma source(%dma_start3A_355 : memref<128x64xf32, #tpu.memory_space<vmem>>) target(%dma_start3A_351 : memref<128x64xf32, #tpu.memory_space<hbm>>) target_semaphore(%dma_start3A_349 : memref<!tpu.dma_semaphore, #tpu.memory_space<semaphore_mem>>)
    %dma_wait3A_356 = arith.constant 0 : i32
    %dma_wait3A_357 = arith.constant 6 : i32
    %dma_wait3A_358 = arith.constant 6 : i32
    %dma_wait3A_359 = arith.constant 0 : i32
    %dma_wait3A_360 = arith.constant 0 : i32
    %dma_wait3A_361 = tpu.memref_slice %arg6[%dma_wait3A_357, %dma_wait3A_359, %dma_wait3A_360] : memref<10x128x64xf32, #tpu.memory_space<vmem>> -> memref<1x128x64xf32, #tpu.memory_space<vmem>>
    %dma_wait3A_362 = tpu.memref_squeeze %dma_wait3A_361 : memref<1x128x64xf32, #tpu.memory_space<vmem>> -> memref<128x64xf32, #tpu.memory_space<vmem>>
    %dma_wait3A_363 = arith.constant 0 : i32
    %dma_wait3A_364 = tpu.memref_slice %arg5[%dma_wait3A_356, %dma_wait3A_363] : memref<200x128xi32, #tpu.memory_space<vmem>> -> memref<1x128xi32, #tpu.memory_space<vmem>>
    %dma_wait3A_365 = tpu.memref_squeeze %dma_wait3A_364 : memref<1x128xi32, #tpu.memory_space<vmem>> -> memref<128xi32, #tpu.memory_space<vmem>>
    %dma_wait3A_366 = arith.constant 0 : i32
    %dma_wait3A_367 = arith.constant 0 : i32
    %dma_wait3A_368 = tpu.memref_slice %arg2[%dma_wait3A_366, %dma_wait3A_367] : memref<1000000x64xf32, #tpu.memory_space<hbm>> -> memref<1000000x64xf32, #tpu.memory_space<hbm>>
    %dma_wait3A_369 = tpu.memref_slice %arg7[%dma_wait3A_358] : memref<10x!tpu.dma_semaphore, #tpu.memory_space<semaphore_mem>> -> memref<1x!tpu.dma_semaphore, #tpu.memory_space<semaphore_mem>>
    %dma_wait3A_370 = tpu.memref_squeeze %dma_wait3A_369 : memref<1x!tpu.dma_semaphore, #tpu.memory_space<semaphore_mem>> -> memref<!tpu.dma_semaphore, #tpu.memory_space<semaphore_mem>>
    tpu.wait_indirect_dma semaphore(%dma_wait3A_370 : memref<!tpu.dma_semaphore, #tpu.memory_space<semaphore_mem>>) src(%dma_wait3A_368 : memref<1000000x64xf32, #tpu.memory_space<hbm>>) dst(%dma_wait3A_362 : memref<128x64xf32, #tpu.memory_space<vmem>>)
    %add3A_371 = arith.constant 25088 : i32
    %add3A_372 = arith.addi %mul3A_4, %add3A_371 : i32
    %dma_start3A_373 = arith.constant 6 : i32
    %dma_start3A_374 = arith.constant 6 : i32
    %dma_start3A_375 = arith.constant 0 : i32
    %dma_start3A_376 = arith.constant 0 : i32
    %dma_start3A_377 = tpu.memref_slice %arg6[%dma_start3A_373, %dma_start3A_375, %dma_start3A_376] : memref<10x128x64xf32, #tpu.memory_space<vmem>> -> memref<1x128x64xf32, #tpu.memory_space<vmem>>
    %dma_start3A_378 = tpu.memref_squeeze %dma_start3A_377 : memref<1x128x64xf32, #tpu.memory_space<vmem>> -> memref<128x64xf32, #tpu.memory_space<vmem>>
    %dma_start3A_379 = arith.constant 0 : i32
    %dma_start3A_380 = tpu.memref_slice %arg4[%add3A_372, %dma_start3A_379] : memref<819200x64xf32, #tpu.memory_space<hbm>> -> memref<128x64xf32, #tpu.memory_space<hbm>>
    %dma_start3A_381 = tpu.memref_slice %arg8[%dma_start3A_374] : memref<10x!tpu.dma_semaphore, #tpu.memory_space<semaphore_mem>> -> memref<1x!tpu.dma_semaphore, #tpu.memory_space<semaphore_mem>>
    %dma_start3A_382 = tpu.memref_squeeze %dma_start3A_381 : memref<1x!tpu.dma_semaphore, #tpu.memory_space<semaphore_mem>> -> memref<!tpu.dma_semaphore, #tpu.memory_space<semaphore_mem>>
    %dma_start3A_383 = arith.constant 0 : i32
    %dma_start3A_384 = tpu.memref_slice %arg4[%add3A_372, %dma_start3A_383] : memref<819200x64xf32, #tpu.memory_space<hbm>> -> memref<128x64xf32, #tpu.memory_space<hbm>>
    %dma_start3A_385 = arith.constant 0 : i32
    %dma_start3A_386 = arith.constant 0 : i32
    %dma_start3A_387 = tpu.memref_slice %arg6[%dma_start3A_373, %dma_start3A_385, %dma_start3A_386] : memref<10x128x64xf32, #tpu.memory_space<vmem>> -> memref<1x128x64xf32, #tpu.memory_space<vmem>>
    %dma_start3A_388 = tpu.memref_squeeze %dma_start3A_387 : memref<1x128x64xf32, #tpu.memory_space<vmem>> -> memref<128x64xf32, #tpu.memory_space<vmem>>
    tpu.enqueue_dma source(%dma_start3A_388 : memref<128x64xf32, #tpu.memory_space<vmem>>) target(%dma_start3A_384 : memref<128x64xf32, #tpu.memory_space<hbm>>) target_semaphore(%dma_start3A_382 : memref<!tpu.dma_semaphore, #tpu.memory_space<semaphore_mem>>)
    %dma_wait3A_389 = arith.constant 0 : i32
    %dma_wait3A_390 = arith.constant 7 : i32
    %dma_wait3A_391 = arith.constant 7 : i32
    %dma_wait3A_392 = arith.constant 0 : i32
    %dma_wait3A_393 = arith.constant 0 : i32
    %dma_wait3A_394 = tpu.memref_slice %arg6[%dma_wait3A_390, %dma_wait3A_392, %dma_wait3A_393] : memref<10x128x64xf32, #tpu.memory_space<vmem>> -> memref<1x128x64xf32, #tpu.memory_space<vmem>>
    %dma_wait3A_395 = tpu.memref_squeeze %dma_wait3A_394 : memref<1x128x64xf32, #tpu.memory_space<vmem>> -> memref<128x64xf32, #tpu.memory_space<vmem>>
    %dma_wait3A_396 = arith.constant 0 : i32
    %dma_wait3A_397 = tpu.memref_slice %arg5[%dma_wait3A_389, %dma_wait3A_396] : memref<200x128xi32, #tpu.memory_space<vmem>> -> memref<1x128xi32, #tpu.memory_space<vmem>>
    %dma_wait3A_398 = tpu.memref_squeeze %dma_wait3A_397 : memref<1x128xi32, #tpu.memory_space<vmem>> -> memref<128xi32, #tpu.memory_space<vmem>>
    %dma_wait3A_399 = arith.constant 0 : i32
    %dma_wait3A_400 = arith.constant 0 : i32
    %dma_wait3A_401 = tpu.memref_slice %arg2[%dma_wait3A_399, %dma_wait3A_400] : memref<1000000x64xf32, #tpu.memory_space<hbm>> -> memref<1000000x64xf32, #tpu.memory_space<hbm>>
    %dma_wait3A_402 = tpu.memref_slice %arg7[%dma_wait3A_391] : memref<10x!tpu.dma_semaphore, #tpu.memory_space<semaphore_mem>> -> memref<1x!tpu.dma_semaphore, #tpu.memory_space<semaphore_mem>>
    %dma_wait3A_403 = tpu.memref_squeeze %dma_wait3A_402 : memref<1x!tpu.dma_semaphore, #tpu.memory_space<semaphore_mem>> -> memref<!tpu.dma_semaphore, #tpu.memory_space<semaphore_mem>>
    tpu.wait_indirect_dma semaphore(%dma_wait3A_403 : memref<!tpu.dma_semaphore, #tpu.memory_space<semaphore_mem>>) src(%dma_wait3A_401 : memref<1000000x64xf32, #tpu.memory_space<hbm>>) dst(%dma_wait3A_395 : memref<128x64xf32, #tpu.memory_space<vmem>>)
    %add3A_404 = arith.constant 25216 : i32
    %add3A_405 = arith.addi %mul3A_4, %add3A_404 : i32
    %dma_start3A_406 = arith.constant 7 : i32
    %dma_start3A_407 = arith.constant 7 : i32
    %dma_start3A_408 = arith.constant 0 : i32
    %dma_start3A_409 = arith.constant 0 : i32
    %dma_start3A_410 = tpu.memref_slice %arg6[%dma_start3A_406, %dma_start3A_408, %dma_start3A_409] : memref<10x128x64xf32, #tpu.memory_space<vmem>> -> memref<1x128x64xf32, #tpu.memory_space<vmem>>
    %dma_start3A_411 = tpu.memref_squeeze %dma_start3A_410 : memref<1x128x64xf32, #tpu.memory_space<vmem>> -> memref<128x64xf32, #tpu.memory_space<vmem>>
    %dma_start3A_412 = arith.constant 0 : i32
    %dma_start3A_413 = tpu.memref_slice %arg4[%add3A_405, %dma_start3A_412] : memref<819200x64xf32, #tpu.memory_space<hbm>> -> memref<128x64xf32, #tpu.memory_space<hbm>>
    %dma_start3A_414 = tpu.memref_slice %arg8[%dma_start3A_407] : memref<10x!tpu.dma_semaphore, #tpu.memory_space<semaphore_mem>> -> memref<1x!tpu.dma_semaphore, #tpu.memory_space<semaphore_mem>>
    %dma_start3A_415 = tpu.memref_squeeze %dma_start3A_414 : memref<1x!tpu.dma_semaphore, #tpu.memory_space<semaphore_mem>> -> memref<!tpu.dma_semaphore, #tpu.memory_space<semaphore_mem>>
    %dma_start3A_416 = arith.constant 0 : i32
    %dma_start3A_417 = tpu.memref_slice %arg4[%add3A_405, %dma_start3A_416] : memref<819200x64xf32, #tpu.memory_space<hbm>> -> memref<128x64xf32, #tpu.memory_space<hbm>>
    %dma_start3A_418 = arith.constant 0 : i32
    %dma_start3A_419 = arith.constant 0 : i32
    %dma_start3A_420 = tpu.memref_slice %arg6[%dma_start3A_406, %dma_start3A_418, %dma_start3A_419] : memref<10x128x64xf32, #tpu.memory_space<vmem>> -> memref<1x128x64xf32, #tpu.memory_space<vmem>>
    %dma_start3A_421 = tpu.memref_squeeze %dma_start3A_420 : memref<1x128x64xf32, #tpu.memory_space<vmem>> -> memref<128x64xf32, #tpu.memory_space<vmem>>
    tpu.enqueue_dma source(%dma_start3A_421 : memref<128x64xf32, #tpu.memory_space<vmem>>) target(%dma_start3A_417 : memref<128x64xf32, #tpu.memory_space<hbm>>) target_semaphore(%dma_start3A_415 : memref<!tpu.dma_semaphore, #tpu.memory_space<semaphore_mem>>)
    %dma_wait3A_422 = arith.constant 0 : i32
    %dma_wait3A_423 = arith.constant 8 : i32
    %dma_wait3A_424 = arith.constant 8 : i32
    %dma_wait3A_425 = arith.constant 0 : i32
    %dma_wait3A_426 = arith.constant 0 : i32
    %dma_wait3A_427 = tpu.memref_slice %arg6[%dma_wait3A_423, %dma_wait3A_425, %dma_wait3A_426] : memref<10x128x64xf32, #tpu.memory_space<vmem>> -> memref<1x128x64xf32, #tpu.memory_space<vmem>>
    %dma_wait3A_428 = tpu.memref_squeeze %dma_wait3A_427 : memref<1x128x64xf32, #tpu.memory_space<vmem>> -> memref<128x64xf32, #tpu.memory_space<vmem>>
    %dma_wait3A_429 = arith.constant 0 : i32
    %dma_wait3A_430 = tpu.memref_slice %arg5[%dma_wait3A_422, %dma_wait3A_429] : memref<200x128xi32, #tpu.memory_space<vmem>> -> memref<1x128xi32, #tpu.memory_space<vmem>>
    %dma_wait3A_431 = tpu.memref_squeeze %dma_wait3A_430 : memref<1x128xi32, #tpu.memory_space<vmem>> -> memref<128xi32, #tpu.memory_space<vmem>>
    %dma_wait3A_432 = arith.constant 0 : i32
    %dma_wait3A_433 = arith.constant 0 : i32
    %dma_wait3A_434 = tpu.memref_slice %arg2[%dma_wait3A_432, %dma_wait3A_433] : memref<1000000x64xf32, #tpu.memory_space<hbm>> -> memref<1000000x64xf32, #tpu.memory_space<hbm>>
    %dma_wait3A_435 = tpu.memref_slice %arg7[%dma_wait3A_424] : memref<10x!tpu.dma_semaphore, #tpu.memory_space<semaphore_mem>> -> memref<1x!tpu.dma_semaphore, #tpu.memory_space<semaphore_mem>>
    %dma_wait3A_436 = tpu.memref_squeeze %dma_wait3A_435 : memref<1x!tpu.dma_semaphore, #tpu.memory_space<semaphore_mem>> -> memref<!tpu.dma_semaphore, #tpu.memory_space<semaphore_mem>>
    tpu.wait_indirect_dma semaphore(%dma_wait3A_436 : memref<!tpu.dma_semaphore, #tpu.memory_space<semaphore_mem>>) src(%dma_wait3A_434 : memref<1000000x64xf32, #tpu.memory_space<hbm>>) dst(%dma_wait3A_428 : memref<128x64xf32, #tpu.memory_space<vmem>>)
    %add3A_437 = arith.constant 25344 : i32
    %add3A_438 = arith.addi %mul3A_4, %add3A_437 : i32
    %dma_start3A_439 = arith.constant 8 : i32
    %dma_start3A_440 = arith.constant 8 : i32
    %dma_start3A_441 = arith.constant 0 : i32
    %dma_start3A_442 = arith.constant 0 : i32
    %dma_start3A_443 = tpu.memref_slice %arg6[%dma_start3A_439, %dma_start3A_441, %dma_start3A_442] : memref<10x128x64xf32, #tpu.memory_space<vmem>> -> memref<1x128x64xf32, #tpu.memory_space<vmem>>
    %dma_start3A_444 = tpu.memref_squeeze %dma_start3A_443 : memref<1x128x64xf32, #tpu.memory_space<vmem>> -> memref<128x64xf32, #tpu.memory_space<vmem>>
    %dma_start3A_445 = arith.constant 0 : i32
    %dma_start3A_446 = tpu.memref_slice %arg4[%add3A_438, %dma_start3A_445] : memref<819200x64xf32, #tpu.memory_space<hbm>> -> memref<128x64xf32, #tpu.memory_space<hbm>>
    %dma_start3A_447 = tpu.memref_slice %arg8[%dma_start3A_440] : memref<10x!tpu.dma_semaphore, #tpu.memory_space<semaphore_mem>> -> memref<1x!tpu.dma_semaphore, #tpu.memory_space<semaphore_mem>>
    %dma_start3A_448 = tpu.memref_squeeze %dma_start3A_447 : memref<1x!tpu.dma_semaphore, #tpu.memory_space<semaphore_mem>> -> memref<!tpu.dma_semaphore, #tpu.memory_space<semaphore_mem>>
    %dma_start3A_449 = arith.constant 0 : i32
    %dma_start3A_450 = tpu.memref_slice %arg4[%add3A_438, %dma_start3A_449] : memref<819200x64xf32, #tpu.memory_space<hbm>> -> memref<128x64xf32, #tpu.memory_space<hbm>>
    %dma_start3A_451 = arith.constant 0 : i32
    %dma_start3A_452 = arith.constant 0 : i32
    %dma_start3A_453 = tpu.memref_slice %arg6[%dma_start3A_439, %dma_start3A_451, %dma_start3A_452] : memref<10x128x64xf32, #tpu.memory_space<vmem>> -> memref<1x128x64xf32, #tpu.memory_space<vmem>>
    %dma_start3A_454 = tpu.memref_squeeze %dma_start3A_453 : memref<1x128x64xf32, #tpu.memory_space<vmem>> -> memref<128x64xf32, #tpu.memory_space<vmem>>
    tpu.enqueue_dma source(%dma_start3A_454 : memref<128x64xf32, #tpu.memory_space<vmem>>) target(%dma_start3A_450 : memref<128x64xf32, #tpu.memory_space<hbm>>) target_semaphore(%dma_start3A_448 : memref<!tpu.dma_semaphore, #tpu.memory_space<semaphore_mem>>)
    %dma_wait3A_455 = arith.constant 0 : i32
    %dma_wait3A_456 = arith.constant 9 : i32
    %dma_wait3A_457 = arith.constant 9 : i32
    %dma_wait3A_458 = arith.constant 0 : i32
    %dma_wait3A_459 = arith.constant 0 : i32
    %dma_wait3A_460 = tpu.memref_slice %arg6[%dma_wait3A_456, %dma_wait3A_458, %dma_wait3A_459] : memref<10x128x64xf32, #tpu.memory_space<vmem>> -> memref<1x128x64xf32, #tpu.memory_space<vmem>>
    %dma_wait3A_461 = tpu.memref_squeeze %dma_wait3A_460 : memref<1x128x64xf32, #tpu.memory_space<vmem>> -> memref<128x64xf32, #tpu.memory_space<vmem>>
    %dma_wait3A_462 = arith.constant 0 : i32
    %dma_wait3A_463 = tpu.memref_slice %arg5[%dma_wait3A_455, %dma_wait3A_462] : memref<200x128xi32, #tpu.memory_space<vmem>> -> memref<1x128xi32, #tpu.memory_space<vmem>>
    %dma_wait3A_464 = tpu.memref_squeeze %dma_wait3A_463 : memref<1x128xi32, #tpu.memory_space<vmem>> -> memref<128xi32, #tpu.memory_space<vmem>>
    %dma_wait3A_465 = arith.constant 0 : i32
    %dma_wait3A_466 = arith.constant 0 : i32
    %dma_wait3A_467 = tpu.memref_slice %arg2[%dma_wait3A_465, %dma_wait3A_466] : memref<1000000x64xf32, #tpu.memory_space<hbm>> -> memref<1000000x64xf32, #tpu.memory_space<hbm>>
    %dma_wait3A_468 = tpu.memref_slice %arg7[%dma_wait3A_457] : memref<10x!tpu.dma_semaphore, #tpu.memory_space<semaphore_mem>> -> memref<1x!tpu.dma_semaphore, #tpu.memory_space<semaphore_mem>>
    %dma_wait3A_469 = tpu.memref_squeeze %dma_wait3A_468 : memref<1x!tpu.dma_semaphore, #tpu.memory_space<semaphore_mem>> -> memref<!tpu.dma_semaphore, #tpu.memory_space<semaphore_mem>>
    tpu.wait_indirect_dma semaphore(%dma_wait3A_469 : memref<!tpu.dma_semaphore, #tpu.memory_space<semaphore_mem>>) src(%dma_wait3A_467 : memref<1000000x64xf32, #tpu.memory_space<hbm>>) dst(%dma_wait3A_461 : memref<128x64xf32, #tpu.memory_space<vmem>>)
    %add3A_470 = arith.constant 25472 : i32
    %add3A_471 = arith.addi %mul3A_4, %add3A_470 : i32
    %dma_start3A_472 = arith.constant 9 : i32
    %dma_start3A_473 = arith.constant 9 : i32
    %dma_start3A_474 = arith.constant 0 : i32
    %dma_start3A_475 = arith.constant 0 : i32
    %dma_start3A_476 = tpu.memref_slice %arg6[%dma_start3A_472, %dma_start3A_474, %dma_start3A_475] : memref<10x128x64xf32, #tpu.memory_space<vmem>> -> memref<1x128x64xf32, #tpu.memory_space<vmem>>
    %dma_start3A_477 = tpu.memref_squeeze %dma_start3A_476 : memref<1x128x64xf32, #tpu.memory_space<vmem>> -> memref<128x64xf32, #tpu.memory_space<vmem>>
    %dma_start3A_478 = arith.constant 0 : i32
    %dma_start3A_479 = tpu.memref_slice %arg4[%add3A_471, %dma_start3A_478] : memref<819200x64xf32, #tpu.memory_space<hbm>> -> memref<128x64xf32, #tpu.memory_space<hbm>>
    %dma_start3A_480 = tpu.memref_slice %arg8[%dma_start3A_473] : memref<10x!tpu.dma_semaphore, #tpu.memory_space<semaphore_mem>> -> memref<1x!tpu.dma_semaphore, #tpu.memory_space<semaphore_mem>>
    %dma_start3A_481 = tpu.memref_squeeze %dma_start3A_480 : memref<1x!tpu.dma_semaphore, #tpu.memory_space<semaphore_mem>> -> memref<!tpu.dma_semaphore, #tpu.memory_space<semaphore_mem>>
    %dma_start3A_482 = arith.constant 0 : i32
    %dma_start3A_483 = tpu.memref_slice %arg4[%add3A_471, %dma_start3A_482] : memref<819200x64xf32, #tpu.memory_space<hbm>> -> memref<128x64xf32, #tpu.memory_space<hbm>>
    %dma_start3A_484 = arith.constant 0 : i32
    %dma_start3A_485 = arith.constant 0 : i32
    %dma_start3A_486 = tpu.memref_slice %arg6[%dma_start3A_472, %dma_start3A_484, %dma_start3A_485] : memref<10x128x64xf32, #tpu.memory_space<vmem>> -> memref<1x128x64xf32, #tpu.memory_space<vmem>>
    %dma_start3A_487 = tpu.memref_squeeze %dma_start3A_486 : memref<1x128x64xf32, #tpu.memory_space<vmem>> -> memref<128x64xf32, #tpu.memory_space<vmem>>
    tpu.enqueue_dma source(%dma_start3A_487 : memref<128x64xf32, #tpu.memory_space<vmem>>) target(%dma_start3A_483 : memref<128x64xf32, #tpu.memory_space<hbm>>) target_semaphore(%dma_start3A_481 : memref<!tpu.dma_semaphore, #tpu.memory_space<semaphore_mem>>)
    %dma_wait3A_488 = arith.constant 0 : i32
    %dma_wait3A_489 = arith.constant 0 : i32
    %dma_wait3A_490 = arith.constant 0 : i32
    %dma_wait3A_491 = arith.constant 0 : i32
    %dma_wait3A_492 = tpu.memref_slice %arg6[%dma_wait3A_488, %dma_wait3A_490, %dma_wait3A_491] : memref<10x128x64xf32, #tpu.memory_space<vmem>> -> memref<1x128x64xf32, #tpu.memory_space<vmem>>
    %dma_wait3A_493 = tpu.memref_squeeze %dma_wait3A_492 : memref<1x128x64xf32, #tpu.memory_space<vmem>> -> memref<128x64xf32, #tpu.memory_space<vmem>>
    %dma_wait3A_494 = arith.constant 0 : i32
    %dma_wait3A_495 = tpu.memref_slice %arg4[%mul3A_4, %dma_wait3A_494] : memref<819200x64xf32, #tpu.memory_space<hbm>> -> memref<128x64xf32, #tpu.memory_space<hbm>>
    %dma_wait3A_496 = tpu.memref_slice %arg8[%dma_wait3A_489] : memref<10x!tpu.dma_semaphore, #tpu.memory_space<semaphore_mem>> -> memref<1x!tpu.dma_semaphore, #tpu.memory_space<semaphore_mem>>
    %dma_wait3A_497 = tpu.memref_squeeze %dma_wait3A_496 : memref<1x!tpu.dma_semaphore, #tpu.memory_space<semaphore_mem>> -> memref<!tpu.dma_semaphore, #tpu.memory_space<semaphore_mem>>
    %dma_wait3A_498 = arith.constant 0 : i32
    %dma_wait3A_499 = tpu.memref_slice %arg4[%mul3A_4, %dma_wait3A_498] : memref<819200x64xf32, #tpu.memory_space<hbm>> -> memref<128x64xf32, #tpu.memory_space<hbm>>
    %dma_wait3A_500 = arith.constant 0 : i32
    %dma_wait3A_501 = arith.constant 0 : i32
    %dma_wait3A_502 = tpu.memref_slice %arg6[%dma_wait3A_488, %dma_wait3A_500, %dma_wait3A_501] : memref<10x128x64xf32, #tpu.memory_space<vmem>> -> memref<1x128x64xf32, #tpu.memory_space<vmem>>
    %dma_wait3A_503 = tpu.memref_squeeze %dma_wait3A_502 : memref<1x128x64xf32, #tpu.memory_space<vmem>> -> memref<128x64xf32, #tpu.memory_space<vmem>>
    tpu.wait_dma2 semaphore(%dma_wait3A_497 : memref<!tpu.dma_semaphore, #tpu.memory_space<semaphore_mem>>) src(%dma_wait3A_503 : memref<128x64xf32, #tpu.memory_space<vmem>>) dst(%dma_wait3A_499 : memref<128x64xf32, #tpu.memory_space<hbm>>)
    %dma_wait3A_504 = arith.constant 1 : i32
    %dma_wait3A_505 = arith.constant 1 : i32
    %dma_wait3A_506 = arith.constant 0 : i32
    %dma_wait3A_507 = arith.constant 0 : i32
    %dma_wait3A_508 = tpu.memref_slice %arg6[%dma_wait3A_504, %dma_wait3A_506, %dma_wait3A_507] : memref<10x128x64xf32, #tpu.memory_space<vmem>> -> memref<1x128x64xf32, #tpu.memory_space<vmem>>
    %dma_wait3A_509 = tpu.memref_squeeze %dma_wait3A_508 : memref<1x128x64xf32, #tpu.memory_space<vmem>> -> memref<128x64xf32, #tpu.memory_space<vmem>>
    %dma_wait3A_510 = arith.constant 0 : i32
    %dma_wait3A_511 = tpu.memref_slice %arg4[%mul3A_4, %dma_wait3A_510] : memref<819200x64xf32, #tpu.memory_space<hbm>> -> memref<128x64xf32, #tpu.memory_space<hbm>>
    %dma_wait3A_512 = tpu.memref_slice %arg8[%dma_wait3A_505] : memref<10x!tpu.dma_semaphore, #tpu.memory_space<semaphore_mem>> -> memref<1x!tpu.dma_semaphore, #tpu.memory_space<semaphore_mem>>
    %dma_wait3A_513 = tpu.memref_squeeze %dma_wait3A_512 : memref<1x!tpu.dma_semaphore, #tpu.memory_space<semaphore_mem>> -> memref<!tpu.dma_semaphore, #tpu.memory_space<semaphore_mem>>
    %dma_wait3A_514 = arith.constant 0 : i32
    %dma_wait3A_515 = tpu.memref_slice %arg4[%mul3A_4, %dma_wait3A_514] : memref<819200x64xf32, #tpu.memory_space<hbm>> -> memref<128x64xf32, #tpu.memory_space<hbm>>
    %dma_wait3A_516 = arith.constant 0 : i32
    %dma_wait3A_517 = arith.constant 0 : i32
    %dma_wait3A_518 = tpu.memref_slice %arg6[%dma_wait3A_504, %dma_wait3A_516, %dma_wait3A_517] : memref<10x128x64xf32, #tpu.memory_space<vmem>> -> memref<1x128x64xf32, #tpu.memory_space<vmem>>
    %dma_wait3A_519 = tpu.memref_squeeze %dma_wait3A_518 : memref<1x128x64xf32, #tpu.memory_space<vmem>> -> memref<128x64xf32, #tpu.memory_space<vmem>>
    tpu.wait_dma2 semaphore(%dma_wait3A_513 : memref<!tpu.dma_semaphore, #tpu.memory_space<semaphore_mem>>) src(%dma_wait3A_519 : memref<128x64xf32, #tpu.memory_space<vmem>>) dst(%dma_wait3A_515 : memref<128x64xf32, #tpu.memory_space<hbm>>)
    %dma_wait3A_520 = arith.constant 2 : i32
    %dma_wait3A_521 = arith.constant 2 : i32
    %dma_wait3A_522 = arith.constant 0 : i32
    %dma_wait3A_523 = arith.constant 0 : i32
    %dma_wait3A_524 = tpu.memref_slice %arg6[%dma_wait3A_520, %dma_wait3A_522, %dma_wait3A_523] : memref<10x128x64xf32, #tpu.memory_space<vmem>> -> memref<1x128x64xf32, #tpu.memory_space<vmem>>
    %dma_wait3A_525 = tpu.memref_squeeze %dma_wait3A_524 : memref<1x128x64xf32, #tpu.memory_space<vmem>> -> memref<128x64xf32, #tpu.memory_space<vmem>>
    %dma_wait3A_526 = arith.constant 0 : i32
    %dma_wait3A_527 = tpu.memref_slice %arg4[%mul3A_4, %dma_wait3A_526] : memref<819200x64xf32, #tpu.memory_space<hbm>> -> memref<128x64xf32, #tpu.memory_space<hbm>>
    %dma_wait3A_528 = tpu.memref_slice %arg8[%dma_wait3A_521] : memref<10x!tpu.dma_semaphore, #tpu.memory_space<semaphore_mem>> -> memref<1x!tpu.dma_semaphore, #tpu.memory_space<semaphore_mem>>
    %dma_wait3A_529 = tpu.memref_squeeze %dma_wait3A_528 : memref<1x!tpu.dma_semaphore, #tpu.memory_space<semaphore_mem>> -> memref<!tpu.dma_semaphore, #tpu.memory_space<semaphore_mem>>
    %dma_wait3A_530 = arith.constant 0 : i32
    %dma_wait3A_531 = tpu.memref_slice %arg4[%mul3A_4, %dma_wait3A_530] : memref<819200x64xf32, #tpu.memory_space<hbm>> -> memref<128x64xf32, #tpu.memory_space<hbm>>
    %dma_wait3A_532 = arith.constant 0 : i32
    %dma_wait3A_533 = arith.constant 0 : i32
    %dma_wait3A_534 = tpu.memref_slice %arg6[%dma_wait3A_520, %dma_wait3A_532, %dma_wait3A_533] : memref<10x128x64xf32, #tpu.memory_space<vmem>> -> memref<1x128x64xf32, #tpu.memory_space<vmem>>
    %dma_wait3A_535 = tpu.memref_squeeze %dma_wait3A_534 : memref<1x128x64xf32, #tpu.memory_space<vmem>> -> memref<128x64xf32, #tpu.memory_space<vmem>>
    tpu.wait_dma2 semaphore(%dma_wait3A_529 : memref<!tpu.dma_semaphore, #tpu.memory_space<semaphore_mem>>) src(%dma_wait3A_535 : memref<128x64xf32, #tpu.memory_space<vmem>>) dst(%dma_wait3A_531 : memref<128x64xf32, #tpu.memory_space<hbm>>)
    %dma_wait3A_536 = arith.constant 3 : i32
    %dma_wait3A_537 = arith.constant 3 : i32
    %dma_wait3A_538 = arith.constant 0 : i32
    %dma_wait3A_539 = arith.constant 0 : i32
    %dma_wait3A_540 = tpu.memref_slice %arg6[%dma_wait3A_536, %dma_wait3A_538, %dma_wait3A_539] : memref<10x128x64xf32, #tpu.memory_space<vmem>> -> memref<1x128x64xf32, #tpu.memory_space<vmem>>
    %dma_wait3A_541 = tpu.memref_squeeze %dma_wait3A_540 : memref<1x128x64xf32, #tpu.memory_space<vmem>> -> memref<128x64xf32, #tpu.memory_space<vmem>>
    %dma_wait3A_542 = arith.constant 0 : i32
    %dma_wait3A_543 = tpu.memref_slice %arg4[%mul3A_4, %dma_wait3A_542] : memref<819200x64xf32, #tpu.memory_space<hbm>> -> memref<128x64xf32, #tpu.memory_space<hbm>>
    %dma_wait3A_544 = tpu.memref_slice %arg8[%dma_wait3A_537] : memref<10x!tpu.dma_semaphore, #tpu.memory_space<semaphore_mem>> -> memref<1x!tpu.dma_semaphore, #tpu.memory_space<semaphore_mem>>
    %dma_wait3A_545 = tpu.memref_squeeze %dma_wait3A_544 : memref<1x!tpu.dma_semaphore, #tpu.memory_space<semaphore_mem>> -> memref<!tpu.dma_semaphore, #tpu.memory_space<semaphore_mem>>
    %dma_wait3A_546 = arith.constant 0 : i32
    %dma_wait3A_547 = tpu.memref_slice %arg4[%mul3A_4, %dma_wait3A_546] : memref<819200x64xf32, #tpu.memory_space<hbm>> -> memref<128x64xf32, #tpu.memory_space<hbm>>
    %dma_wait3A_548 = arith.constant 0 : i32
    %dma_wait3A_549 = arith.constant 0 : i32
    %dma_wait3A_550 = tpu.memref_slice %arg6[%dma_wait3A_536, %dma_wait3A_548, %dma_wait3A_549] : memref<10x128x64xf32, #tpu.memory_space<vmem>> -> memref<1x128x64xf32, #tpu.memory_space<vmem>>
    %dma_wait3A_551 = tpu.memref_squeeze %dma_wait3A_550 : memref<1x128x64xf32, #tpu.memory_space<vmem>> -> memref<128x64xf32, #tpu.memory_space<vmem>>
    tpu.wait_dma2 semaphore(%dma_wait3A_545 : memref<!tpu.dma_semaphore, #tpu.memory_space<semaphore_mem>>) src(%dma_wait3A_551 : memref<128x64xf32, #tpu.memory_space<vmem>>) dst(%dma_wait3A_547 : memref<128x64xf32, #tpu.memory_space<hbm>>)
    %dma_wait3A_552 = arith.constant 4 : i32
    %dma_wait3A_553 = arith.constant 4 : i32
    %dma_wait3A_554 = arith.constant 0 : i32
    %dma_wait3A_555 = arith.constant 0 : i32
    %dma_wait3A_556 = tpu.memref_slice %arg6[%dma_wait3A_552, %dma_wait3A_554, %dma_wait3A_555] : memref<10x128x64xf32, #tpu.memory_space<vmem>> -> memref<1x128x64xf32, #tpu.memory_space<vmem>>
    %dma_wait3A_557 = tpu.memref_squeeze %dma_wait3A_556 : memref<1x128x64xf32, #tpu.memory_space<vmem>> -> memref<128x64xf32, #tpu.memory_space<vmem>>
    %dma_wait3A_558 = arith.constant 0 : i32
    %dma_wait3A_559 = tpu.memref_slice %arg4[%mul3A_4, %dma_wait3A_558] : memref<819200x64xf32, #tpu.memory_space<hbm>> -> memref<128x64xf32, #tpu.memory_space<hbm>>
    %dma_wait3A_560 = tpu.memref_slice %arg8[%dma_wait3A_553] : memref<10x!tpu.dma_semaphore, #tpu.memory_space<semaphore_mem>> -> memref<1x!tpu.dma_semaphore, #tpu.memory_space<semaphore_mem>>
    %dma_wait3A_561 = tpu.memref_squeeze %dma_wait3A_560 : memref<1x!tpu.dma_semaphore, #tpu.memory_space<semaphore_mem>> -> memref<!tpu.dma_semaphore, #tpu.memory_space<semaphore_mem>>
    %dma_wait3A_562 = arith.constant 0 : i32
    %dma_wait3A_563 = tpu.memref_slice %arg4[%mul3A_4, %dma_wait3A_562] : memref<819200x64xf32, #tpu.memory_space<hbm>> -> memref<128x64xf32, #tpu.memory_space<hbm>>
    %dma_wait3A_564 = arith.constant 0 : i32
    %dma_wait3A_565 = arith.constant 0 : i32
    %dma_wait3A_566 = tpu.memref_slice %arg6[%dma_wait3A_552, %dma_wait3A_564, %dma_wait3A_565] : memref<10x128x64xf32, #tpu.memory_space<vmem>> -> memref<1x128x64xf32, #tpu.memory_space<vmem>>
    %dma_wait3A_567 = tpu.memref_squeeze %dma_wait3A_566 : memref<1x128x64xf32, #tpu.memory_space<vmem>> -> memref<128x64xf32, #tpu.memory_space<vmem>>
    tpu.wait_dma2 semaphore(%dma_wait3A_561 : memref<!tpu.dma_semaphore, #tpu.memory_space<semaphore_mem>>) src(%dma_wait3A_567 : memref<128x64xf32, #tpu.memory_space<vmem>>) dst(%dma_wait3A_563 : memref<128x64xf32, #tpu.memory_space<hbm>>)
    %dma_wait3A_568 = arith.constant 5 : i32
    %dma_wait3A_569 = arith.constant 5 : i32
    %dma_wait3A_570 = arith.constant 0 : i32
    %dma_wait3A_571 = arith.constant 0 : i32
    %dma_wait3A_572 = tpu.memref_slice %arg6[%dma_wait3A_568, %dma_wait3A_570, %dma_wait3A_571] : memref<10x128x64xf32, #tpu.memory_space<vmem>> -> memref<1x128x64xf32, #tpu.memory_space<vmem>>
    %dma_wait3A_573 = tpu.memref_squeeze %dma_wait3A_572 : memref<1x128x64xf32, #tpu.memory_space<vmem>> -> memref<128x64xf32, #tpu.memory_space<vmem>>
    %dma_wait3A_574 = arith.constant 0 : i32
    %dma_wait3A_575 = tpu.memref_slice %arg4[%mul3A_4, %dma_wait3A_574] : memref<819200x64xf32, #tpu.memory_space<hbm>> -> memref<128x64xf32, #tpu.memory_space<hbm>>
    %dma_wait3A_576 = tpu.memref_slice %arg8[%dma_wait3A_569] : memref<10x!tpu.dma_semaphore, #tpu.memory_space<semaphore_mem>> -> memref<1x!tpu.dma_semaphore, #tpu.memory_space<semaphore_mem>>
    %dma_wait3A_577 = tpu.memref_squeeze %dma_wait3A_576 : memref<1x!tpu.dma_semaphore, #tpu.memory_space<semaphore_mem>> -> memref<!tpu.dma_semaphore, #tpu.memory_space<semaphore_mem>>
    %dma_wait3A_578 = arith.constant 0 : i32
    %dma_wait3A_579 = tpu.memref_slice %arg4[%mul3A_4, %dma_wait3A_578] : memref<819200x64xf32, #tpu.memory_space<hbm>> -> memref<128x64xf32, #tpu.memory_space<hbm>>
    %dma_wait3A_580 = arith.constant 0 : i32
    %dma_wait3A_581 = arith.constant 0 : i32
    %dma_wait3A_582 = tpu.memref_slice %arg6[%dma_wait3A_568, %dma_wait3A_580, %dma_wait3A_581] : memref<10x128x64xf32, #tpu.memory_space<vmem>> -> memref<1x128x64xf32, #tpu.memory_space<vmem>>
    %dma_wait3A_583 = tpu.memref_squeeze %dma_wait3A_582 : memref<1x128x64xf32, #tpu.memory_space<vmem>> -> memref<128x64xf32, #tpu.memory_space<vmem>>
    tpu.wait_dma2 semaphore(%dma_wait3A_577 : memref<!tpu.dma_semaphore, #tpu.memory_space<semaphore_mem>>) src(%dma_wait3A_583 : memref<128x64xf32, #tpu.memory_space<vmem>>) dst(%dma_wait3A_579 : memref<128x64xf32, #tpu.memory_space<hbm>>)
    %dma_wait3A_584 = arith.constant 6 : i32
    %dma_wait3A_585 = arith.constant 6 : i32
    %dma_wait3A_586 = arith.constant 0 : i32
    %dma_wait3A_587 = arith.constant 0 : i32
    %dma_wait3A_588 = tpu.memref_slice %arg6[%dma_wait3A_584, %dma_wait3A_586, %dma_wait3A_587] : memref<10x128x64xf32, #tpu.memory_space<vmem>> -> memref<1x128x64xf32, #tpu.memory_space<vmem>>
    %dma_wait3A_589 = tpu.memref_squeeze %dma_wait3A_588 : memref<1x128x64xf32, #tpu.memory_space<vmem>> -> memref<128x64xf32, #tpu.memory_space<vmem>>
    %dma_wait3A_590 = arith.constant 0 : i32
    %dma_wait3A_591 = tpu.memref_slice %arg4[%mul3A_4, %dma_wait3A_590] : memref<819200x64xf32, #tpu.memory_space<hbm>> -> memref<128x64xf32, #tpu.memory_space<hbm>>
    %dma_wait3A_592 = tpu.memref_slice %arg8[%dma_wait3A_585] : memref<10x!tpu.dma_semaphore, #tpu.memory_space<semaphore_mem>> -> memref<1x!tpu.dma_semaphore, #tpu.memory_space<semaphore_mem>>
    %dma_wait3A_593 = tpu.memref_squeeze %dma_wait3A_592 : memref<1x!tpu.dma_semaphore, #tpu.memory_space<semaphore_mem>> -> memref<!tpu.dma_semaphore, #tpu.memory_space<semaphore_mem>>
    %dma_wait3A_594 = arith.constant 0 : i32
    %dma_wait3A_595 = tpu.memref_slice %arg4[%mul3A_4, %dma_wait3A_594] : memref<819200x64xf32, #tpu.memory_space<hbm>> -> memref<128x64xf32, #tpu.memory_space<hbm>>
    %dma_wait3A_596 = arith.constant 0 : i32
    %dma_wait3A_597 = arith.constant 0 : i32
    %dma_wait3A_598 = tpu.memref_slice %arg6[%dma_wait3A_584, %dma_wait3A_596, %dma_wait3A_597] : memref<10x128x64xf32, #tpu.memory_space<vmem>> -> memref<1x128x64xf32, #tpu.memory_space<vmem>>
    %dma_wait3A_599 = tpu.memref_squeeze %dma_wait3A_598 : memref<1x128x64xf32, #tpu.memory_space<vmem>> -> memref<128x64xf32, #tpu.memory_space<vmem>>
    tpu.wait_dma2 semaphore(%dma_wait3A_593 : memref<!tpu.dma_semaphore, #tpu.memory_space<semaphore_mem>>) src(%dma_wait3A_599 : memref<128x64xf32, #tpu.memory_space<vmem>>) dst(%dma_wait3A_595 : memref<128x64xf32, #tpu.memory_space<hbm>>)
    %dma_wait3A_600 = arith.constant 7 : i32
    %dma_wait3A_601 = arith.constant 7 : i32
    %dma_wait3A_602 = arith.constant 0 : i32
    %dma_wait3A_603 = arith.constant 0 : i32
    %dma_wait3A_604 = tpu.memref_slice %arg6[%dma_wait3A_600, %dma_wait3A_602, %dma_wait3A_603] : memref<10x128x64xf32, #tpu.memory_space<vmem>> -> memref<1x128x64xf32, #tpu.memory_space<vmem>>
    %dma_wait3A_605 = tpu.memref_squeeze %dma_wait3A_604 : memref<1x128x64xf32, #tpu.memory_space<vmem>> -> memref<128x64xf32, #tpu.memory_space<vmem>>
    %dma_wait3A_606 = arith.constant 0 : i32
    %dma_wait3A_607 = tpu.memref_slice %arg4[%mul3A_4, %dma_wait3A_606] : memref<819200x64xf32, #tpu.memory_space<hbm>> -> memref<128x64xf32, #tpu.memory_space<hbm>>
    %dma_wait3A_608 = tpu.memref_slice %arg8[%dma_wait3A_601] : memref<10x!tpu.dma_semaphore, #tpu.memory_space<semaphore_mem>> -> memref<1x!tpu.dma_semaphore, #tpu.memory_space<semaphore_mem>>
    %dma_wait3A_609 = tpu.memref_squeeze %dma_wait3A_608 : memref<1x!tpu.dma_semaphore, #tpu.memory_space<semaphore_mem>> -> memref<!tpu.dma_semaphore, #tpu.memory_space<semaphore_mem>>
    %dma_wait3A_610 = arith.constant 0 : i32
    %dma_wait3A_611 = tpu.memref_slice %arg4[%mul3A_4, %dma_wait3A_610] : memref<819200x64xf32, #tpu.memory_space<hbm>> -> memref<128x64xf32, #tpu.memory_space<hbm>>
    %dma_wait3A_612 = arith.constant 0 : i32
    %dma_wait3A_613 = arith.constant 0 : i32
    %dma_wait3A_614 = tpu.memref_slice %arg6[%dma_wait3A_600, %dma_wait3A_612, %dma_wait3A_613] : memref<10x128x64xf32, #tpu.memory_space<vmem>> -> memref<1x128x64xf32, #tpu.memory_space<vmem>>
    %dma_wait3A_615 = tpu.memref_squeeze %dma_wait3A_614 : memref<1x128x64xf32, #tpu.memory_space<vmem>> -> memref<128x64xf32, #tpu.memory_space<vmem>>
    tpu.wait_dma2 semaphore(%dma_wait3A_609 : memref<!tpu.dma_semaphore, #tpu.memory_space<semaphore_mem>>) src(%dma_wait3A_615 : memref<128x64xf32, #tpu.memory_space<vmem>>) dst(%dma_wait3A_611 : memref<128x64xf32, #tpu.memory_space<hbm>>)
    %dma_wait3A_616 = arith.constant 8 : i32
    %dma_wait3A_617 = arith.constant 8 : i32
    %dma_wait3A_618 = arith.constant 0 : i32
    %dma_wait3A_619 = arith.constant 0 : i32
    %dma_wait3A_620 = tpu.memref_slice %arg6[%dma_wait3A_616, %dma_wait3A_618, %dma_wait3A_619] : memref<10x128x64xf32, #tpu.memory_space<vmem>> -> memref<1x128x64xf32, #tpu.memory_space<vmem>>
    %dma_wait3A_621 = tpu.memref_squeeze %dma_wait3A_620 : memref<1x128x64xf32, #tpu.memory_space<vmem>> -> memref<128x64xf32, #tpu.memory_space<vmem>>
    %dma_wait3A_622 = arith.constant 0 : i32
    %dma_wait3A_623 = tpu.memref_slice %arg4[%mul3A_4, %dma_wait3A_622] : memref<819200x64xf32, #tpu.memory_space<hbm>> -> memref<128x64xf32, #tpu.memory_space<hbm>>
    %dma_wait3A_624 = tpu.memref_slice %arg8[%dma_wait3A_617] : memref<10x!tpu.dma_semaphore, #tpu.memory_space<semaphore_mem>> -> memref<1x!tpu.dma_semaphore, #tpu.memory_space<semaphore_mem>>
    %dma_wait3A_625 = tpu.memref_squeeze %dma_wait3A_624 : memref<1x!tpu.dma_semaphore, #tpu.memory_space<semaphore_mem>> -> memref<!tpu.dma_semaphore, #tpu.memory_space<semaphore_mem>>
    %dma_wait3A_626 = arith.constant 0 : i32
    %dma_wait3A_627 = tpu.memref_slice %arg4[%mul3A_4, %dma_wait3A_626] : memref<819200x64xf32, #tpu.memory_space<hbm>> -> memref<128x64xf32, #tpu.memory_space<hbm>>
    %dma_wait3A_628 = arith.constant 0 : i32
    %dma_wait3A_629 = arith.constant 0 : i32
    %dma_wait3A_630 = tpu.memref_slice %arg6[%dma_wait3A_616, %dma_wait3A_628, %dma_wait3A_629] : memref<10x128x64xf32, #tpu.memory_space<vmem>> -> memref<1x128x64xf32, #tpu.memory_space<vmem>>
    %dma_wait3A_631 = tpu.memref_squeeze %dma_wait3A_630 : memref<1x128x64xf32, #tpu.memory_space<vmem>> -> memref<128x64xf32, #tpu.memory_space<vmem>>
    tpu.wait_dma2 semaphore(%dma_wait3A_625 : memref<!tpu.dma_semaphore, #tpu.memory_space<semaphore_mem>>) src(%dma_wait3A_631 : memref<128x64xf32, #tpu.memory_space<vmem>>) dst(%dma_wait3A_627 : memref<128x64xf32, #tpu.memory_space<hbm>>)
    %dma_wait3A_632 = arith.constant 9 : i32
    %dma_wait3A_633 = arith.constant 9 : i32
    %dma_wait3A_634 = arith.constant 0 : i32
    %dma_wait3A_635 = arith.constant 0 : i32
    %dma_wait3A_636 = tpu.memref_slice %arg6[%dma_wait3A_632, %dma_wait3A_634, %dma_wait3A_635] : memref<10x128x64xf32, #tpu.memory_space<vmem>> -> memref<1x128x64xf32, #tpu.memory_space<vmem>>
    %dma_wait3A_637 = tpu.memref_squeeze %dma_wait3A_636 : memref<1x128x64xf32, #tpu.memory_space<vmem>> -> memref<128x64xf32, #tpu.memory_space<vmem>>
    %dma_wait3A_638 = arith.constant 0 : i32
    %dma_wait3A_639 = tpu.memref_slice %arg4[%mul3A_4, %dma_wait3A_638] : memref<819200x64xf32, #tpu.memory_space<hbm>> -> memref<128x64xf32, #tpu.memory_space<hbm>>
    %dma_wait3A_640 = tpu.memref_slice %arg8[%dma_wait3A_633] : memref<10x!tpu.dma_semaphore, #tpu.memory_space<semaphore_mem>> -> memref<1x!tpu.dma_semaphore, #tpu.memory_space<semaphore_mem>>
    %dma_wait3A_641 = tpu.memref_squeeze %dma_wait3A_640 : memref<1x!tpu.dma_semaphore, #tpu.memory_space<semaphore_mem>> -> memref<!tpu.dma_semaphore, #tpu.memory_space<semaphore_mem>>
    %dma_wait3A_642 = arith.constant 0 : i32
    %dma_wait3A_643 = tpu.memref_slice %arg4[%mul3A_4, %dma_wait3A_642] : memref<819200x64xf32, #tpu.memory_space<hbm>> -> memref<128x64xf32, #tpu.memory_space<hbm>>
    %dma_wait3A_644 = arith.constant 0 : i32
    %dma_wait3A_645 = arith.constant 0 : i32
    %dma_wait3A_646 = tpu.memref_slice %arg6[%dma_wait3A_632, %dma_wait3A_644, %dma_wait3A_645] : memref<10x128x64xf32, #tpu.memory_space<vmem>> -> memref<1x128x64xf32, #tpu.memory_space<vmem>>
    %dma_wait3A_647 = tpu.memref_squeeze %dma_wait3A_646 : memref<1x128x64xf32, #tpu.memory_space<vmem>> -> memref<128x64xf32, #tpu.memory_space<vmem>>
    tpu.wait_dma2 semaphore(%dma_wait3A_641 : memref<!tpu.dma_semaphore, #tpu.memory_space<semaphore_mem>>) src(%dma_wait3A_647 : memref<128x64xf32, #tpu.memory_space<vmem>>) dst(%dma_wait3A_643 : memref<128x64xf32, #tpu.memory_space<hbm>>)
    return
  }
}

</mosaic_0001>

<sc_bundles>
// kernel: _embed.3.cloned.1.call-start
scs
__scs_entry_jumppad:
0x0: {  	(pc) =	sbr.rel $0x88, $3  }
0x1: {  	(tag) =	ssettag $0x0;
	lr =	simm.s32 $0x1  }
0x2: {  	[smem:$0x3F9F] =	sst lr;
	_ =	strace $0xD0000000  }
0x3: {  	_ = 	snop  }
0x4: {  	_ = 	snop  }
0x5: {  	_ = 	snop  }
0x6: {  	_ = 	snop  }
0x7: {  	_ = 	snop  }
__scs_overlays_trampoline_lowered:
0x8: {  	[smem:$0x3FAE] =	sst s0  }
0x9: {  	[smem:$0x3FAF] =	sst s1  }
0xa: {  	[smem:$0x3FB0] =	sst s2  }
0xb: {  	[smem:$0x3FB1] =	sst s3  }
0xc: {  	[smem:$0x3FB2] =	sst s4  }
0xd: {  	[smem:$0x3FB3] =	sst s5  }
0xe: {  	[smem:$0x3FB4] =	sst s6  }
0xf: {  	[smem:$0x3FB5] =	sst s7  }
0x10: {  	[smem:$0x3FB6] =	sst s8  }
0x11: {  	[smem:$0x3FB7] =	sst s9;
	s0 =	simm.s32 @!p0 $0x0  }
0x12: {  	s1 =	sld [smem:$0x3F9D];
	s0 =	simm.s32 @p0 $0x1  }
0x13: {  	[smem:$0x3FB8] =	sst s0;
	s0 =	simm.s32 @!p1 $0x0  }
0x14: {  	s2 =	sld [smem:$0x3F9C];
	s0 =	simm.s32 @p1 $0x1  }
0x15: {  	[smem:$0x3FB9] =	sst s0;
	s0 =	simm.s32 @!p2 $0x0  }
0x16: {  	s3 =	sld [smem:$0x3FDB];
	s0 =	simm.s32 @p2 $0x1  }
0x17: {  	s4 =	simm.s32 $0x1BF5;
	[smem:$0x3FBB] =	sst s0  }
0x18: {  	s0 =	sld [smem:$0x3F9E];
	_ =	swait.ge [sflag:s4], $0x0  }
0x19: {  	s7 =	sld [smem:$0x3F9F]  }
0x1a: {  	s8 =	sadd.s32 $0xFFFFE003, lr  }
0x1b: {  	s9 =	sadd.s32 $0xFFFFFEF7, lr;
	s5 =	simm.s32 $0xFFFFFFFF;
	p2 =	slt.u32 s8, $0xFFFFF086  }
0x1c: {  	p1 =	slt.u32 s9, $0xF7A;
	s5 =	simm.s32 @!p2 $0x0  }
0x1d: {  	s5 =	simm.s32 @p1 $0x1;
	p0 =	seq.s32 s7, s2  }
0x1e: {  	s7 =	smul.u32 @!p0 $0xF7A, s2;
	p2 =	seq.s32 @!p0 s5, $0x0  }
0x1f: {  	s9 =	smul.u32 $0xF7A, s1;
	s8 =	simm.s32 @!p0 $0x1BF5;
	p2 =	por !p2, p0  }
0x20: {  	[sflag:s8] =	ssyncset.s32 @!p0 $0xFFFFF086;
	s6 =	sadd.s32 @!p0 s3, s7;
	s7 =	simm.s32 @!p0 $0x108  }
0x21: {  	s3 =	sadd.s32 s3, s9;
	s6 =	sadd.s32 @!p0 $0x88, s6;
	s7 =	simm.s32 @p2 $0x1082  }
0x22: {  	[simem:s7], [sflag:s8] =	dma.local @!p0 [hbm:s6], $0xF7A  }
0x23: {  	s9 =	sor.u32 $0xD0000000, s2;
	s6 =	simm.s32 $0x108;
	_ =	swait.ge @!p0 [sflag:s8], $0x0  }
0x24: {  	s3 =	sadd.s32 $0x88, s3;
	s6 =	simm.s32 @!p1 $0x1082;
	[sflag:s4] =	ssyncset.s32 $0xFFFFF086  }
0x25: {  	[simem:s6], [sflag:s4] =	dma.local [hbm:s3], $0xF7A  }
0x26: {  	[smem:$0x3F9F] =	sst s1;
	(tag) =	ssettag s2;
	_ =	strace s9  }
0x27: {  	s1 =	sld [smem:$0x3FAF]  }
0x28: {  	s2 =	sld [smem:$0x3FB0]  }
0x29: {  	s4 =	sld [smem:$0x3FB2]  }
0x2a: {  	p0 =	seq.s32 s5, $0x0;
	s5 =	sld [smem:$0x3FB3]  }
0x2b: {  	s6 =	sld [smem:$0x3FB4]  }
0x2c: {  	s7 =	sld [smem:$0x3FB5]  }
0x2d: {  	s3 =	simm.s32 $0x108;
	s8 =	sld [smem:$0x3FB6]  }
0x2e: {  	s3 =	simm.s32 @!p0 $0x1082;
	s9 =	sld [smem:$0x3FB7]  }
0x2f: {  	lr =	sadd.s32 s0, s3;
	s0 =	sld [smem:$0x3FAE]  }
0x30: {  	s3 =	sld [smem:$0x3FB1]  }
0x31: {  	[smem:$0x3FBA] =	sst s10  }
0x32: {  	s10 =	sld [smem:$0x3FB8];
	_ =	sdelay $0x3  }
0x33: {  	p0 =	seq.s32 s10, $0x1;
	s10 =	sld [smem:$0x3FBA];
	_ =	sdelay $0x3  }
0x34: {  	[smem:$0x3FBA] =	sst s10  }
0x35: {  	s10 =	sld [smem:$0x3FB9];
	_ =	sdelay $0x3  }
0x36: {  	p1 =	seq.s32 s10, $0x1;
	s10 =	sld [smem:$0x3FBA];
	_ =	sdelay $0x3  }
0x37: {  	[smem:$0x3FBA] =	sst s10  }
0x38: {  	s10 =	sld [smem:$0x3FBB]  }
0x39: {  	_ = 	snop;
	(pc) =	sbr.ind lr, $3  }
0x3a: {  	_ = 	snop  }
0x3b: {  	_ = 	snop  }
0x3c: {  	p2 =	seq.s32 s10, $0x1;
	s10 =	sld [smem:$0x3FBA]  }
0x3d: {  	_ =	shalt  }
0x3e: {  	_ =	shalt  }
0x3f: {  	_ =	shalt  }
0x40: {  	_ =	shalt  }
0x41: {  	_ =	shalt  }
0x42: {  	_ =	shalt  }
0x43: {  	_ =	shalt  }
0x44: {  	_ =	shalt  }
0x45: {  	_ =	shalt  }
0x46: {  	_ =	shalt  }
0x47: {  	_ =	shalt  }
0x48: {  	_ =	shalt  }
0x49: {  	_ =	shalt  }
0x4a: {  	_ =	shalt  }
0x4b: {  	_ =	shalt  }
0x4c: {  	_ =	shalt  }
0x4d: {  	_ =	shalt  }
0x4e: {  	_ =	shalt  }
0x4f: {  	_ =	shalt  }
0x50: {  	_ =	shalt  }
0x51: {  	_ =	shalt  }
0x52: {  	_ =	shalt  }
0x53: {  	_ =	shalt  }
0x54: {  	_ =	shalt  }
0x55: {  	_ =	shalt  }
0x56: {  	_ =	shalt  }
0x57: {  	_ =	shalt  }
0x58: {  	_ =	shalt  }
0x59: {  	_ =	shalt  }
0x5a: {  	_ =	shalt  }
0x5b: {  	_ =	shalt  }
0x5c: {  	_ =	shalt  }
0x5d: {  	_ =	shalt  }
0x5e: {  	_ =	shalt  }
0x5f: {  	_ =	shalt  }
0x60: {  	_ =	shalt  }
0x61: {  	_ =	shalt  }
0x62: {  	_ =	shalt  }
0x63: {  	_ =	shalt  }
0x64: {  	_ =	shalt  }
0x65: {  	_ =	shalt  }
0x66: {  	_ =	shalt  }
0x67: {  	_ =	shalt  }
0x68: {  	_ =	shalt  }
0x69: {  	_ =	shalt  }
0x6a: {  	_ =	shalt  }
0x6b: {  	_ =	shalt  }
0x6c: {  	_ =	shalt  }
0x6d: {  	_ =	shalt  }
0x6e: {  	_ =	shalt  }
0x6f: {  	_ =	shalt  }
0x70: {  	_ =	shalt  }
0x71: {  	_ =	shalt  }
0x72: {  	_ =	shalt  }
0x73: {  	_ =	shalt  }
0x74: {  	_ =	shalt  }
0x75: {  	_ =	shalt  }
0x76: {  	_ =	shalt  }
0x77: {  	_ =	shalt  }
0x78: {  	_ =	shalt  }
0x79: {  	_ =	shalt  }
0x7a: {  	_ =	shalt  }
0x7b: {  	_ =	shalt  }
0x7c: {  	_ =	shalt  }
0x7d: {  	_ =	shalt  }
0x7e: {  	_ =	shalt  }
0x7f: {  	_ =	shalt  }
0x80: {  	_ =	shalt  }
0x81: {  	_ =	shalt  }
0x82: {  	_ =	shalt  }
0x83: {  	_ =	shalt  }
0x84: {  	_ =	shalt  }
0x85: {  	_ =	shalt  }
0x86: {  	_ =	shalt  }
0x87: {  	_ =	shalt  }
.Lfunc_end0:
.L_simem_size_0:
called_computation.1_lowered:
.L_overlay_start_0:
0x88: {  	s2 =	sld [smem:$0x3FD9]  }
0x89: {  	s3 =	sld [smem:$0x3FFE];
	_ =	sdelay $0x1  }
0x8a: {  	s1 =	srdreg.scid  }
0x8b: {  	s0 =	sand.u32 $0x1, s1  }
0x8c: {  	s17 =	sshll.u32 s0, $0xA;
	s2 =	sadd.s32 s3, s2  }
0x8d: {  	s2 =	sadd.s32 s2, s17  }
0x8e: {  	[smem:$0x3FC6] =	sst s2  }
0x8f: {  	_ = 	snop  }
0x90: {  	s2 =	sld [smem:$0x3FD0];
	(tm) =	ssettm $0x1  }
0x91: {  	s18 =	sld [smem:$0x3FFB];
	_ =	sdelay $0x3  }
0x92: {  	_ =	strace s18  }
0x93: {  	s3 =	sld [smem:$0x3FFC];
	_ =	sdelay $0x3  }
0x94: {  	_ =	strace s3  }
0x95: {  	s3 =	sld [smem:$0x3FFD];
	_ =	sdelay $0x3  }
0x96: {  	_ =	strace s3  }
0x97: {  	_ =	strace $0x8FFFFFFF  }
0x98: {  	s19 =	sld [smem:$0x3FDB];
	_ =	sdelay $0x1  }
0x99: {  	s4 =	simm.s32 $_scs_section_size  }
0x9a: {  	s5 =	simm.s32 $_size__tile_overlayer_lowered;
	s6 =	simm.s32 $_tile_overlayer_lowered  }
0x9b: {  	s22 =	simm.s32 $0x1BFF;
	s21 =	sshll.u32 s6, $0x1;
	s3 =	sadd.s32 s4, s19  }
0x9c: {  	s7 =	simm.s32 $0x0;
	s20 =	sshll.u32 s5, $0x1;
	s5 =	sadd.s32 s21, s3  }
0x9d: {  	[timem:s7], [sflag:s22] =	dma.local [hbm:s5], s20  }
0x9e: {  	_ =	swait.ge [sflag:s22], s20  }
0x9f: {  	s4 =	ssub.s32 $0x0, s20;
	[sflag:s22] =	ssyncset.done $0x0  }
0xa0: {  	[sflag:s22] =	ssyncadd.s32 s4;
	_ =	sdelay $0x1  }
0xa1: {  	s23 =	simm.s32 $0x1B8B  }
0xa2: {  	_ =	swait.ge [sflag:s23], $0x1  }
0xa3: {  	[sflag:s23] =	ssyncset.done $0x0  }
0xa4: {  	s25 =	simm.s32 $0x1B8E;
	s24 =	sld [smem:$0x3FFE];
	[sflag:s23] =	ssyncadd.s32 $0xFFFFFFFF  }
0xa5: {  	s26 =	simm.s32 $execute0_lowered;
	[smem:$0x3FD2] =	sst s25  }
0xa6: {  	s5 =	sshll.u32 s26, $0x1;
	_ =	strace $0x80000046;
	[dreg:$0x1] =	wrdreg $0xFFFFFFFF  }
0xa7: {  	s28 =	simm.s32 $_size_execute0_lowered;
	s3 =	sadd.s32 s3, s5;
	[dreg:$0x0] =	wrdreg $0x0  }
0xa8: {  	s5 =	sshll.u32 s28, $0x1;
	[dreg:$0x2] =	wrdreg s3  }
0xa9: {  	[dreg:$0x3] =	wrdreg s5  }
0xaa: {  	[dreg:$0x4] =	wrdreg $0xC0  }
0xab: {  	_ =	task [dreg:s7], $0x5FFFF  }
0xac: {  	[dreg:$0x1] =	wrdreg $0xFFFFFFFF  }
0xad: {  	[dreg:$0x0] =	wrdreg $0x60  }
0xae: {  	[dreg:$0x2] =	wrdreg s24  }
0xaf: {  	[dreg:$0x3] =	wrdreg s2  }
0xb0: {  	[dreg:$0x4] =	wrdreg $0x9  }
0xb1: {  	_ =	task.clear_ibuf [dreg:s7], $0x5FFFF;
	_ =	strace $0x90000046  }
0xb2: {  	s29 =	simm.s32 $0x9;
	_ =	strace $0x80000048  }
0xb3: {  	_ =	swait.ge [sflag:s29], $0x1  }
0xb4: {  	[sflag:s29] =	ssyncadd.s32 $0xFFFFFFFF  }
0xb5: {  	_ =	strace $0x90000048  }
0xb6: {  	_ =	sfence  }
0xb7: {  	s30 =	sld [smem:$0x0];
	_ =	sdelay $0x2  }
0xb8: {  	s31 =	sshll.u32 s1, $0xD;
	s1 =	sshrl.u32 s1, $0x2  }
0xb9: {  	s3 =	sand.u32 $0x4000, s31;
	s1 =	sadd.s32 s1, s30  }
0xba: {  	s0 =	sor.u32 s3, s0;
	s1 =	sshll.u32 s1, $0x11  }
0xbb: {  	s0 =	sor.u32 s1, s0  }
0xbc: {  	s0 =	sadd.s32 $0x8F2B, s0  }
0xbd: {  	[sflag:s0] =	ssyncadd.remote.s32 $0x1  }
0xbe: {  	_ =	sfence.sel $0xFFFF  }
0xbf: {  	[dreg:$0x0] =	wrdreg $0xFFFFFFFF;
	(pc) =	sbr.abs _section_cstart, $3  }
0xc0: {  	[dreg:$0x1] =	wrdreg $0xFFFFFFFF  }
0xc1: {  	_ =	task.clear_ibuf [dreg:s7], $0x2FFFF;
	_ =	strace $0x9FFFFFFF  }
0xc2: {  	(tm) =	ssettm $0x7FFFFFFF  }
0xc3: {  	_ =	shalt  }
tec
execute0_lowered:
.L_overlay_start_1:
0x0: {  	(tag) =	ssettag $0x1  }
0x1: {  	s0 =	srdreg.scid  }
0x2: {  	s10 =	stileid.u32;
	s1 =	rddreg [dreg:$0x0]  }
0x3: {  	s11 =	rddreg [dreg:$0x1];
	s0 =	sand.u32 $0x1, s0;
	s28 =	smul.u32 $0x64000, s10  }
0x4: {  	s3 =	simm.s32 $0x0;
	s2 =	sshll.u32 s10, $0x1;
	s9 =	smul.u32 $0x6400, s0  }
0x5: {  	s2 =	sor.u32 s0, s2;
	s6 =	ssub.s32 $0x2, s0;
	s0 =	smul.u32 $0x32000, s0  }
0x6: {  	[smem:$0x7FF] =	sst s3;
	s4 =	sadd.s32 $0xF42E00, s1;
	s5 =	smul.u32 $0xC80, s2  }
0x7: {  	_ =	strace $0x80000047;
	s2 =	smul.u32 $0x190000, s2;
	s8 =	sshrl.u32 s6, $0x1  }
0x8: {  	s31 =	ssub.s32 s6, s8;
	s0 =	sadd.s32 s0, s28;
	s1 =	sadd.s32 s5, s1  }
0x9: {  	s2 =	sshrl.u32 s2, $0x3;
	s31 =	smax.u32 s31, $0x1;
	[dreg:$0xc] =	wrdreg s0  }
0xa: {  	s1 =	sadd.s32 $0xA00, s1;
	s8 =	sadd.s32 s11, s2;
	[dreg:$0x18] =	wrdreg s31  }
0xb: {  	[dreg:$0xd] =	wrdreg s1;
	s11 =	sadd.s32 $0x2F800, s8  }
0xc: {  	s7 =	smul.u32 $0xC800, s10;
	s12 =	sadd.s32 $0x2FC00, s8;
	[dreg:$0xe] =	wrdreg s11  }
0xd: {  	s13 =	sadd.s32 $0x30000, s8;
	[dreg:$0xf] =	wrdreg s12  }
0xe: {  	s9 =	sadd.s32 s9, s7;
	s14 =	sadd.s32 $0x30400, s8;
	[dreg:$0x10] =	wrdreg s13  }
0xf: {  	s2 =	sshll.u32 s9, $0x3;
	s16 =	sadd.s32 $0x30800, s8;
	[dreg:$0x11] =	wrdreg s14  }
0x10: {  	s15 =	sadd.s32 $0x2400, s2;
	[dreg:$0x12] =	wrdreg s16  }
0x11: {  	s18 =	sadd.s32 $0x30C00, s8;
	[dreg:$0x3] =	wrdreg s15  }
0x12: {  	s17 =	sadd.s32 $0x2000, s2;
	[dreg:$0x13] =	wrdreg s18  }
0x13: {  	s20 =	sadd.s32 $0x31000, s8;
	[dreg:$0x4] =	wrdreg s17  }
0x14: {  	s19 =	sor.u32 $0x1C00, s2;
	[dreg:$0x14] =	wrdreg s20  }
0x15: {  	s22 =	sadd.s32 $0x31400, s8;
	[dreg:$0x5] =	wrdreg s19  }
0x16: {  	s21 =	sor.u32 $0x1800, s2;
	[dreg:$0x15] =	wrdreg s22  }
0x17: {  	s24 =	sadd.s32 $0x31800, s8;
	[dreg:$0x6] =	wrdreg s21  }
0x18: {  	s23 =	sor.u32 $0x1400, s2;
	[dreg:$0x16] =	wrdreg s24  }
0x19: {  	s10 =	simm.s32 $0xA;
	s25 =	sor.u32 $0x1000, s2;
	[dreg:$0x7] =	wrdreg s23  }
0x1a: {  	s7 =	simm.s32 $0x7;
	s26 =	sor.u32 $0xC00, s2;
	[dreg:$0x8] =	wrdreg s25  }
0x1b: {  	s0 =	simm.s32 $0x0;
	s1 =	sadd.s32 $0x31C00, s8;
	[dreg:$0x9] =	wrdreg s26  }
0x1c: {  	s9 =	simm.s32 $0x9;
	s29 =	sor.u32 $0x800, s2;
	[dreg:$0x17] =	wrdreg s1  }
0x1d: {  	s30 =	sor.u32 $0x400, s2;
	s8 =	simm.s32 $0x8;
	[dreg:$0xa] =	wrdreg s29  }
0x1e: {  	s2 =	simm.s32 $0x12;
	[dreg:$0xb] =	wrdreg s30;
	s18 =	simm.s32 $0x80  }
0x1f: {  	s11 =	simm.s32 $0xB;
	s12 =	simm.s32 $0xC;
	s13 =	simm.s32 $0xD  }
0x20: {  	s14 =	simm.s32 $0xE;
	s15 =	simm.s32 $0xF;
	s16 =	simm.s32 $0x10  }
0x21: {  	s17 =	simm.s32 $0x11;
	s19 =	simm.s32 $0x13;
	s20 =	simm.s32 $0x14  }
.LBB2_1:
0x22: {  	[dreg:$0x19] =	wrdreg s0  }
0x23: {  	s22 =	rddreg [dreg:$0xd];
	s26 =	simm.s32 $0x15  }
0x24: {  	[tilespmem:s3], [sflag:$0x15] =	stream.linear.gather [hbm4b:s22+s3], $0x6400, $0x38;
	[tilespmem:$0x1A400] =	vst v63  }
0x25: {  	_ =	swait.ge [sflag:s26], $0x6400  }
0x26: {  	[sflag:s26] =	ssyncset.done $0x0  }
0x27: {  	s0 =	simm.s32 $0x6400;
	[sflag:s26] =	ssyncadd.s32 $0xFFFF9C00  }
0x28: {  	[tilespmem:s0], [sflag:$0x1] =	stream.indirect.gather [hbm4b:s4+s18], $0x40, s3, s18, $0xb8;
	[tilespmem:$0x1A400] =	vst v63  }
0x29: {  	s23 =	simm.s32 $0x8400  }
0x2a: {  	[tilespmem:s23], [sflag:$0x2] =	stream.indirect.gather [hbm4b:s4+s18], $0x40, s18, s18, $0xb8;
	[tilespmem:$0x1A400] =	vst v63  }
0x2b: {  	s28 =	simm.s32 $0x100;
	s26 =	simm.s32 $0xA400  }
0x2c: {  	[tilespmem:s26], [sflag:$0x3] =	stream.indirect.gather [hbm4b:s4+s18], $0x40, s28, s18, $0xb8;
	[tilespmem:$0x1A400] =	vst v63  }
0x2d: {  	s29 =	simm.s32 $0x180;
	s28 =	simm.s32 $0xC400  }
0x2e: {  	[tilespmem:s28], [sflag:$0x4] =	stream.indirect.gather [hbm4b:s4+s18], $0x40, s29, s18, $0xb8;
	[tilespmem:$0x1A400] =	vst v63  }
0x2f: {  	s30 =	simm.s32 $0x200;
	s1 =	simm.s32 $0xE400  }
0x30: {  	[tilespmem:s1], [sflag:$0x5] =	stream.indirect.gather [hbm4b:s4+s18], $0x40, s30, s18, $0xb8;
	[tilespmem:$0x1A400] =	vst v63  }
0x31: {  	s31 =	simm.s32 $0x280;
	s21 =	simm.s32 $0x10400  }
0x32: {  	[tilespmem:s21], [sflag:$0x6] =	stream.indirect.gather [hbm4b:s4+s18], $0x40, s31, s18, $0xb8;
	[tilespmem:$0x1A400] =	vst v63  }
0x33: {  	s5 =	simm.s32 $0x300;
	s25 =	simm.s32 $0x12400  }
0x34: {  	[tilespmem:s25], [sflag:$0x7] =	stream.indirect.gather [hbm4b:s4+s18], $0x40, s5, s18, $0xb8;
	[tilespmem:$0x1A400] =	vst v63  }
0x35: {  	s6 =	simm.s32 $0x380;
	s29 =	simm.s32 $0x14400  }
0x36: {  	[tilespmem:s29], [sflag:$0x8] =	stream.indirect.gather [hbm4b:s4+s18], $0x40, s6, s18, $0xb8;
	[tilespmem:$0x1A400] =	vst v63  }
0x37: {  	s30 =	simm.s32 $0x16400;
	s5 =	simm.s32 $0x400  }
0x38: {  	[tilespmem:s30], [sflag:$0x9] =	stream.indirect.gather [hbm4b:s4+s18], $0x40, s5, s18, $0xb8;
	[tilespmem:$0x1A400] =	vst v63  }
0x39: {  	s24 =	simm.s32 $0x1;
	s22 =	simm.s32 $0x480;
	s6 =	simm.s32 $0x18400  }
0x3a: {  	[tilespmem:s6], [sflag:$0xA] =	stream.indirect.gather [hbm4b:s4+s18], $0x40, s22, s18, $0xb8;
	[tilespmem:$0x1A400] =	vst v63  }
0x3b: {  	_ =	swait.ge [sflag:s24], $0x2000  }
0x3c: {  	[sflag:s24] =	ssyncset.done $0x0  }
0x3d: {  	s31 =	rddreg [dreg:$0xc];
	[sflag:s24] =	ssyncadd.s32 $0xFFFFE000  }
0x3e: {  	s24 =	rddreg [dreg:$0x1]  }
0x3f: {  	s22 =	sadd.s32 s24, s31  }
0x40: {  	[hbm4b:s22+s3] =	stream.linear.scatter [tilespmem:s0], [sflag:$0xB], $0x2000, $0x38;
	[tilespmem:$0x1A400] =	vst v63  }
0x41: {  	s22 =	simm.s32 $0x2  }
0x42: {  	_ =	swait.ge [sflag:s22], $0x2000  }
0x43: {  	s31 =	rddreg [dreg:$0xb];
	[sflag:s22] =	ssyncset.done $0x0  }
0x44: {  	[sflag:s22] =	ssyncadd.s32 $0xFFFFE000;
	s22 =	sadd.s32 s24, s31  }
0x45: {  	[hbm4b:s22+s3] =	stream.linear.scatter [tilespmem:s23], [sflag:$0xC], $0x2000, $0x38;
	[tilespmem:$0x1A400] =	vst v63  }
0x46: {  	s22 =	simm.s32 $0x3  }
0x47: {  	_ =	swait.ge [sflag:s22], $0x2000  }
0x48: {  	s31 =	rddreg [dreg:$0xa];
	[sflag:s22] =	ssyncset.done $0x0  }
0x49: {  	[sflag:s22] =	ssyncadd.s32 $0xFFFFE000;
	s22 =	sadd.s32 s24, s31  }
0x4a: {  	[hbm4b:s22+s3] =	stream.linear.scatter [tilespmem:s26], [sflag:$0xD], $0x2000, $0x38;
	[tilespmem:$0x1A400] =	vst v63  }
0x4b: {  	s22 =	simm.s32 $0x4  }
0x4c: {  	_ =	swait.ge [sflag:s22], $0x2000  }
0x4d: {  	s31 =	rddreg [dreg:$0x9];
	[sflag:s22] =	ssyncset.done $0x0  }
0x4e: {  	[sflag:s22] =	ssyncadd.s32 $0xFFFFE000;
	s22 =	sadd.s32 s24, s31  }
0x4f: {  	[hbm4b:s22+s3] =	stream.linear.scatter [tilespmem:s28], [sflag:$0xE], $0x2000, $0x38;
	[tilespmem:$0x1A400] =	vst v63  }
0x50: {  	s22 =	simm.s32 $0x5  }
0x51: {  	_ =	swait.ge [sflag:s22], $0x2000  }
0x52: {  	s31 =	rddreg [dreg:$0x8];
	[sflag:s22] =	ssyncset.done $0x0  }
0x53: {  	[sflag:s22] =	ssyncadd.s32 $0xFFFFE000;
	s22 =	sadd.s32 s24, s31  }
0x54: {  	[hbm4b:s22+s3] =	stream.linear.scatter [tilespmem:s1], [sflag:$0xF], $0x2000, $0x38;
	[tilespmem:$0x1A400] =	vst v63  }
0x55: {  	s22 =	simm.s32 $0x6  }
0x56: {  	_ =	swait.ge [sflag:s22], $0x2000  }
0x57: {  	s31 =	rddreg [dreg:$0x7];
	[sflag:s22] =	ssyncset.done $0x0  }
0x58: {  	[sflag:s22] =	ssyncadd.s32 $0xFFFFE000;
	s22 =	sadd.s32 s24, s31  }
0x59: {  	[hbm4b:s22+s3] =	stream.linear.scatter [tilespmem:s21], [sflag:$0x10], $0x2000, $0x38;
	[tilespmem:$0x1A400] =	vst v63  }
0x5a: {  	_ =	swait.ge [sflag:s7], $0x2000  }
0x5b: {  	s31 =	rddreg [dreg:$0x6];
	[sflag:s7] =	ssyncset.done $0x0  }
0x5c: {  	[sflag:s7] =	ssyncadd.s32 $0xFFFFE000;
	s22 =	sadd.s32 s24, s31  }
0x5d: {  	[hbm4b:s22+s3] =	stream.linear.scatter [tilespmem:s25], [sflag:$0x11], $0x2000, $0x38;
	[tilespmem:$0x1A400] =	vst v63  }
0x5e: {  	_ =	swait.ge [sflag:s8], $0x2000  }
0x5f: {  	s5 =	rddreg [dreg:$0x5];
	[sflag:s8] =	ssyncset.done $0x0  }
0x60: {  	[sflag:s8] =	ssyncadd.s32 $0xFFFFE000;
	s22 =	sadd.s32 s24, s5  }
0x61: {  	[hbm4b:s22+s3] =	stream.linear.scatter [tilespmem:s29], [sflag:$0x12], $0x2000, $0x38;
	[tilespmem:$0x1A400] =	vst v63  }
0x62: {  	_ =	swait.ge [sflag:s9], $0x2000  }
0x63: {  	s31 =	rddreg [dreg:$0x4];
	[sflag:s9] =	ssyncset.done $0x0  }
0x64: {  	[sflag:s9] =	ssyncadd.s32 $0xFFFFE000;
	s22 =	sadd.s32 s24, s31  }
0x65: {  	[hbm4b:s22+s3] =	stream.linear.scatter [tilespmem:s30], [sflag:$0x13], $0x2000, $0x38;
	[tilespmem:$0x1A400] =	vst v63  }
0x66: {  	_ =	swait.ge [sflag:s10], $0x2000  }
0x67: {  	s5 =	rddreg [dreg:$0x3];
	[sflag:s10] =	ssyncset.done $0x0  }
0x68: {  	[sflag:s10] =	ssyncadd.s32 $0xFFFFE000;
	s22 =	sadd.s32 s24, s5  }
0x69: {  	[hbm4b:s22+s3] =	stream.linear.scatter [tilespmem:s6], [sflag:$0x14], $0x2000, $0x38;
	[tilespmem:$0x1A400] =	vst v63  }
0x6a: {  	_ =	swait.ge [sflag:s11], $0x2000  }
0x6b: {  	[sflag:s11] =	ssyncset.done $0x0  }
0x6c: {  	s6 =	simm.s32 $0x500;
	[sflag:s11] =	ssyncadd.s32 $0xFFFFE000  }
0x6d: {  	[tilespmem:s0], [sflag:$0x1] =	stream.indirect.gather [hbm4b:s4+s18], $0x40, s6, s18, $0xb8;
	[tilespmem:$0x1A400] =	vst v63  }
0x6e: {  	_ =	swait.ge [sflag:s12], $0x2000  }
0x6f: {  	[sflag:s12] =	ssyncset.done $0x0  }
0x70: {  	s31 =	simm.s32 $0x580;
	[sflag:s12] =	ssyncadd.s32 $0xFFFFE000  }
0x71: {  	[tilespmem:s23], [sflag:$0x2] =	stream.indirect.gather [hbm4b:s4+s18], $0x40, s31, s18, $0xb8;
	[tilespmem:$0x1A400] =	vst v63  }
0x72: {  	_ =	swait.ge [sflag:s13], $0x2000  }
0x73: {  	[sflag:s13] =	ssyncset.done $0x0  }
0x74: {  	s0 =	simm.s32 $0x600;
	[sflag:s13] =	ssyncadd.s32 $0xFFFFE000  }
0x75: {  	[tilespmem:s26], [sflag:$0x3] =	stream.indirect.gather [hbm4b:s4+s18], $0x40, s0, s18, $0xb8;
	[tilespmem:$0x1A400] =	vst v63  }
0x76: {  	_ =	swait.ge [sflag:s14], $0x2000  }
0x77: {  	[sflag:s14] =	ssyncset.done $0x0  }
0x78: {  	s5 =	simm.s32 $0x680;
	[sflag:s14] =	ssyncadd.s32 $0xFFFFE000  }
0x79: {  	[tilespmem:s28], [sflag:$0x4] =	stream.indirect.gather [hbm4b:s4+s18], $0x40, s5, s18, $0xb8;
	[tilespmem:$0x1A400] =	vst v63  }
0x7a: {  	_ =	swait.ge [sflag:s15], $0x2000  }
0x7b: {  	[sflag:s15] =	ssyncset.done $0x0  }
0x7c: {  	s6 =	simm.s32 $0x700;
	[sflag:s15] =	ssyncadd.s32 $0xFFFFE000  }
0x7d: {  	[tilespmem:s1], [sflag:$0x5] =	stream.indirect.gather [hbm4b:s4+s18], $0x40, s6, s18, $0xb8;
	[tilespmem:$0x1A400] =	vst v63  }
0x7e: {  	_ =	swait.ge [sflag:s16], $0x2000  }
0x7f: {  	[sflag:s16] =	ssyncset.done $0x0  }
0x80: {  	s23 =	simm.s32 $0x780;
	[sflag:s16] =	ssyncadd.s32 $0xFFFFE000  }
0x81: {  	[tilespmem:s21], [sflag:$0x6] =	stream.indirect.gather [hbm4b:s4+s18], $0x40, s23, s18, $0xb8;
	[tilespmem:$0x1A400] =	vst v63  }
0x82: {  	_ =	swait.ge [sflag:s17], $0x2000  }
0x83: {  	[sflag:s17] =	ssyncset.done $0x0  }
0x84: {  	s26 =	simm.s32 $0x800;
	[sflag:s17] =	ssyncadd.s32 $0xFFFFE000  }
0x85: {  	[tilespmem:s25], [sflag:$0x7] =	stream.indirect.gather [hbm4b:s4+s18], $0x40, s26, s18, $0xb8;
	[tilespmem:$0x1A400] =	vst v63  }
0x86: {  	_ =	swait.ge [sflag:s2], $0x2000  }
0x87: {  	[sflag:s2] =	ssyncset.done $0x0  }
0x88: {  	s28 =	simm.s32 $0x880;
	[sflag:s2] =	ssyncadd.s32 $0xFFFFE000  }
0x89: {  	[tilespmem:s29], [sflag:$0x8] =	stream.indirect.gather [hbm4b:s4+s18], $0x40, s28, s18, $0xb8;
	[tilespmem:$0x1A400] =	vst v63  }
0x8a: {  	_ =	swait.ge [sflag:s19], $0x2000  }
0x8b: {  	[sflag:s19] =	ssyncset.done $0x0  }
0x8c: {  	s31 =	simm.s32 $0x900;
	[sflag:s19] =	ssyncadd.s32 $0xFFFFE000  }
0x8d: {  	[tilespmem:s30], [sflag:$0x9] =	stream.indirect.gather [hbm4b:s4+s18], $0x40, s31, s18, $0xb8;
	[tilespmem:$0x1A400] =	vst v63  }
0x8e: {  	_ =	swait.ge [sflag:s20], $0x2000  }
0x8f: {  	s24 =	sadd.s32 $0x2800, s24;
	[sflag:s20] =	ssyncset.done $0x0  }
0x90: {  	s22 =	simm.s32 $0x1400;
	s26 =	simm.s32 $0x980;
	[sflag:s20] =	ssyncadd.s32 $0xFFFFE000  }
.LBB2_2:
0x91: {  	s0 =	simm.s32 $0x18400;
	s1 =	simm.s32 $0x1  }
0x92: {  	[tilespmem:s0], [sflag:$0xA] =	stream.indirect.gather [hbm4b:s4+s18], $0x40, s26, s18, $0xb8;
	[tilespmem:$0x1A400] =	vst v63  }
0x93: {  	_ =	swait.ge [sflag:s1], $0x2000  }
0x94: {  	s31 =	simm.s32 $0x6400;
	s29 =	rddreg [dreg:$0xc];
	[sflag:s1] =	ssyncset.done $0x0  }
0x95: {  	s23 =	simm.s32 $0x2;
	[sflag:s1] =	ssyncadd.s32 $0xFFFFE000;
	s29 =	sadd.s32 s24, s29  }
0x96: {  	[hbm4b:s29+s3] =	stream.linear.scatter [tilespmem:s31], [sflag:$0xB], $0x2000, $0x38;
	[tilespmem:$0x1A400] =	vst v63  }
0x97: {  	_ =	swait.ge [sflag:s23], $0x2000  }
0x98: {  	s5 =	simm.s32 $0x3;
	s25 =	rddreg [dreg:$0xb];
	[sflag:s23] =	ssyncset.done $0x0  }
0x99: {  	[sflag:s23] =	ssyncadd.s32 $0xFFFFE000;
	s29 =	sadd.s32 s24, s25;
	s23 =	simm.s32 $0x8400  }
0x9a: {  	[hbm4b:s29+s3] =	stream.linear.scatter [tilespmem:s23], [sflag:$0xC], $0x2000, $0x38;
	[tilespmem:$0x1A400] =	vst v63  }
0x9b: {  	_ =	swait.ge [sflag:s5], $0x2000  }
0x9c: {  	s28 =	simm.s32 $0xA400;
	s6 =	rddreg [dreg:$0xa];
	[sflag:s5] =	ssyncset.done $0x0  }
0x9d: {  	s21 =	simm.s32 $0x4;
	[sflag:s5] =	ssyncadd.s32 $0xFFFFE000;
	s29 =	sadd.s32 s24, s6  }
0x9e: {  	[hbm4b:s29+s3] =	stream.linear.scatter [tilespmem:s28], [sflag:$0xD], $0x2000, $0x38;
	[tilespmem:$0x1A400] =	vst v63  }
0x9f: {  	_ =	swait.ge [sflag:s21], $0x2000  }
0xa0: {  	s30 =	simm.s32 $0xC400;
	s25 =	rddreg [dreg:$0x9];
	[sflag:s21] =	ssyncset.done $0x0  }
0xa1: {  	s5 =	simm.s32 $0x5;
	[sflag:s21] =	ssyncadd.s32 $0xFFFFE000;
	s29 =	sadd.s32 s24, s25  }
0xa2: {  	[hbm4b:s29+s3] =	stream.linear.scatter [tilespmem:s30], [sflag:$0xE], $0x2000, $0x38;
	[tilespmem:$0x1A400] =	vst v63  }
0xa3: {  	_ =	swait.ge [sflag:s5], $0x2000  }
0xa4: {  	s1 =	simm.s32 $0xE400;
	s6 =	rddreg [dreg:$0x8];
	[sflag:s5] =	ssyncset.done $0x0  }
0xa5: {  	[sflag:s5] =	ssyncadd.s32 $0xFFFFE000;
	s29 =	sadd.s32 s24, s6;
	s5 =	simm.s32 $0x6  }
0xa6: {  	[hbm4b:s29+s3] =	stream.linear.scatter [tilespmem:s1], [sflag:$0xF], $0x2000, $0x38;
	[tilespmem:$0x1A400] =	vst v63  }
0xa7: {  	_ =	swait.ge [sflag:s5], $0x2000  }
0xa8: {  	s21 =	rddreg [dreg:$0x7];
	[sflag:s5] =	ssyncset.done $0x0  }
0xa9: {  	[sflag:s5] =	ssyncadd.s32 $0xFFFFE000;
	s29 =	sadd.s32 s24, s21;
	s21 =	simm.s32 $0x10400  }
0xaa: {  	[hbm4b:s29+s3] =	stream.linear.scatter [tilespmem:s21], [sflag:$0x10], $0x2000, $0x38;
	[tilespmem:$0x1A400] =	vst v63  }
0xab: {  	_ =	swait.ge [sflag:s7], $0x2000  }
0xac: {  	s25 =	rddreg [dreg:$0x6];
	[sflag:s7] =	ssyncset.done $0x0  }
0xad: {  	[sflag:s7] =	ssyncadd.s32 $0xFFFFE000;
	s29 =	sadd.s32 s24, s25;
	s25 =	simm.s32 $0x12400  }
0xae: {  	[hbm4b:s29+s3] =	stream.linear.scatter [tilespmem:s25], [sflag:$0x11], $0x2000, $0x38;
	[tilespmem:$0x1A400] =	vst v63  }
0xaf: {  	_ =	swait.ge [sflag:s8], $0x2000  }
0xb0: {  	s5 =	rddreg [dreg:$0x5];
	[sflag:s8] =	ssyncset.done $0x0  }
0xb1: {  	[sflag:s8] =	ssyncadd.s32 $0xFFFFE000;
	s29 =	sadd.s32 s24, s5;
	s5 =	simm.s32 $0x14400  }
0xb2: {  	[hbm4b:s29+s3] =	stream.linear.scatter [tilespmem:s5], [sflag:$0x12], $0x2000, $0x38;
	[tilespmem:$0x1A400] =	vst v63  }
0xb3: {  	_ =	swait.ge [sflag:s9], $0x2000  }
0xb4: {  	s6 =	rddreg [dreg:$0x4];
	[sflag:s9] =	ssyncset.done $0x0  }
0xb5: {  	[sflag:s9] =	ssyncadd.s32 $0xFFFFE000;
	s29 =	sadd.s32 s24, s6;
	s6 =	simm.s32 $0x16400  }
0xb6: {  	[hbm4b:s29+s3] =	stream.linear.scatter [tilespmem:s6], [sflag:$0x13], $0x2000, $0x38;
	[tilespmem:$0x1A400] =	vst v63  }
0xb7: {  	_ =	swait.ge [sflag:s10], $0x2000  }
0xb8: {  	s29 =	rddreg [dreg:$0x3];
	[sflag:s10] =	ssyncset.done $0x0  }
0xb9: {  	[sflag:s10] =	ssyncadd.s32 $0xFFFFE000;
	s29 =	sadd.s32 s24, s29  }
0xba: {  	[hbm4b:s29+s3] =	stream.linear.scatter [tilespmem:s0], [sflag:$0x14], $0x2000, $0x38;
	[tilespmem:$0x1A400] =	vst v63  }
0xbb: {  	s26 =	smov.u32 s22;
	_ =	swait.ge [sflag:s11], $0x2000  }
0xbc: {  	s26 =	sshra.s32 s26, $0x2;
	[sflag:s11] =	ssyncset.done $0x0  }
0xbd: {  	s29 =	sadd.s32 $0x500, s26;
	[sflag:s11] =	ssyncadd.s32 $0xFFFFE000  }
0xbe: {  	[tilespmem:s31], [sflag:$0x1] =	stream.indirect.gather [hbm4b:s4+s18], $0x40, s29, s18, $0xb8;
	[tilespmem:$0x1A400] =	vst v63  }
0xbf: {  	_ =	swait.ge [sflag:s12], $0x2000  }
0xc0: {  	[sflag:s12] =	ssyncset.done $0x0  }
0xc1: {  	s29 =	sadd.s32 $0x580, s26;
	[sflag:s12] =	ssyncadd.s32 $0xFFFFE000  }
0xc2: {  	[tilespmem:s23], [sflag:$0x2] =	stream.indirect.gather [hbm4b:s4+s18], $0x40, s29, s18, $0xb8;
	[tilespmem:$0x1A400] =	vst v63  }
0xc3: {  	_ =	swait.ge [sflag:s13], $0x2000  }
0xc4: {  	[sflag:s13] =	ssyncset.done $0x0  }
0xc5: {  	s29 =	sadd.s32 $0x600, s26;
	[sflag:s13] =	ssyncadd.s32 $0xFFFFE000  }
0xc6: {  	[tilespmem:s28], [sflag:$0x3] =	stream.indirect.gather [hbm4b:s4+s18], $0x40, s29, s18, $0xb8;
	[tilespmem:$0x1A400] =	vst v63  }
0xc7: {  	_ =	swait.ge [sflag:s14], $0x2000  }
0xc8: {  	[sflag:s14] =	ssyncset.done $0x0  }
0xc9: {  	s29 =	sadd.s32 $0x680, s26;
	[sflag:s14] =	ssyncadd.s32 $0xFFFFE000  }
0xca: {  	[tilespmem:s30], [sflag:$0x4] =	stream.indirect.gather [hbm4b:s4+s18], $0x40, s29, s18, $0xb8;
	[tilespmem:$0x1A400] =	vst v63  }
0xcb: {  	_ =	swait.ge [sflag:s15], $0x2000  }
0xcc: {  	[sflag:s15] =	ssyncset.done $0x0  }
0xcd: {  	s29 =	sadd.s32 $0x700, s26;
	[sflag:s15] =	ssyncadd.s32 $0xFFFFE000  }
0xce: {  	[tilespmem:s1], [sflag:$0x5] =	stream.indirect.gather [hbm4b:s4+s18], $0x40, s29, s18, $0xb8;
	[tilespmem:$0x1A400] =	vst v63  }
0xcf: {  	_ =	swait.ge [sflag:s16], $0x2000  }
0xd0: {  	[sflag:s16] =	ssyncset.done $0x0  }
0xd1: {  	s29 =	sadd.s32 $0x780, s26;
	[sflag:s16] =	ssyncadd.s32 $0xFFFFE000  }
0xd2: {  	[tilespmem:s21], [sflag:$0x6] =	stream.indirect.gather [hbm4b:s4+s18], $0x40, s29, s18, $0xb8;
	[tilespmem:$0x1A400] =	vst v63  }
0xd3: {  	_ =	swait.ge [sflag:s17], $0x2000  }
0xd4: {  	[sflag:s17] =	ssyncset.done $0x0  }
0xd5: {  	s29 =	sadd.s32 $0x800, s26;
	[sflag:s17] =	ssyncadd.s32 $0xFFFFE000  }
0xd6: {  	[tilespmem:s25], [sflag:$0x7] =	stream.indirect.gather [hbm4b:s4+s18], $0x40, s29, s18, $0xb8;
	[tilespmem:$0x1A400] =	vst v63  }
0xd7: {  	_ =	swait.ge [sflag:s2], $0x2000  }
0xd8: {  	p0 =	sne.s32 s22, $0x16800;
	s22 =	sadd.s32 $0x1400, s22;
	[sflag:s2] =	ssyncset.done $0x0  }
0xd9: {  	s24 =	sadd.s32 $0x2800, s24;
	s29 =	sadd.s32 $0x880, s26;
	[sflag:s2] =	ssyncadd.s32 $0xFFFFE000  }
0xda: {  	[tilespmem:s5], [sflag:$0x8] =	stream.indirect.gather [hbm4b:s4+s18], $0x40, s29, s18, $0xb8;
	[tilespmem:$0x1A400] =	vst v63  }
0xdb: {  	s0 =	simm.s32 $0x6400;
	s31 =	simm.s32 $0x8400;
	_ =	swait.ge [sflag:s19], $0x2000  }
0xdc: {  	s23 =	simm.s32 $0xA400;
	s28 =	simm.s32 $0xC400;
	[sflag:s19] =	ssyncset.done $0x0  }
.Ltmp0:
0xdd: {  	s29 =	sadd.s32 $0x900, s26;
	[sflag:s19] =	ssyncadd.s32 $0xFFFFE000;
	(pc) =	sbr.rel @p0 .LBB2_2-.Ltmp0, $4  }
0xde: {  	[tilespmem:s6], [sflag:$0x9] =	stream.indirect.gather [hbm4b:s4+s18], $0x40, s29, s18, $0xb8;
	[tilespmem:$0x1A400] =	vst v63  }
0xdf: {  	s30 =	simm.s32 $0xE400;
	s1 =	simm.s32 $0x10400;
	_ =	swait.ge [sflag:s20], $0x2000  }
0xe0: {  	s21 =	simm.s32 $0x12400;
	s25 =	simm.s32 $0x14400;
	[sflag:s20] =	ssyncset.done $0x0  }
0xe1: {  	s5 =	simm.s32 $0x16400;
	s26 =	sadd.s32 $0x980, s26;
	[sflag:s20] =	ssyncadd.s32 $0xFFFFE000  }
0xe2: {  	s6 =	simm.s32 $0x18400;
	s22 =	simm.s32 $0x1  }
0xe3: {  	[tilespmem:s6], [sflag:$0xA] =	stream.indirect.gather [hbm4b:s4+s18], $0x40, s26, s18, $0xb8;
	[tilespmem:$0x1A400] =	vst v63  }
0xe4: {  	_ =	swait.ge [sflag:s22], $0x2000  }
0xe5: {  	[sflag:s22] =	ssyncset.done $0x0  }
0xe6: {  	s29 =	simm.s32 $0x2;
	s26 =	rddreg [dreg:$0xe];
	[sflag:s22] =	ssyncadd.s32 $0xFFFFE000  }
0xe7: {  	[hbm4b:s26+s3] =	stream.linear.scatter [tilespmem:s0], [sflag:$0xB], $0x2000, $0x38;
	[tilespmem:$0x1A400] =	vst v63  }
0xe8: {  	_ =	swait.ge [sflag:s29], $0x2000  }
0xe9: {  	[sflag:s29] =	ssyncset.done $0x0  }
0xea: {  	s22 =	simm.s32 $0x3;
	s0 =	rddreg [dreg:$0xf];
	[sflag:s29] =	ssyncadd.s32 $0xFFFFE000  }
0xeb: {  	[hbm4b:s0+s3] =	stream.linear.scatter [tilespmem:s31], [sflag:$0xC], $0x2000, $0x38;
	[tilespmem:$0x1A400] =	vst v63  }
0xec: {  	_ =	swait.ge [sflag:s22], $0x2000  }
0xed: {  	[sflag:s22] =	ssyncset.done $0x0  }
0xee: {  	s26 =	simm.s32 $0x4;
	s24 =	rddreg [dreg:$0x10];
	[sflag:s22] =	ssyncadd.s32 $0xFFFFE000  }
0xef: {  	[hbm4b:s24+s3] =	stream.linear.scatter [tilespmem:s23], [sflag:$0xD], $0x2000, $0x38;
	[tilespmem:$0x1A400] =	vst v63  }
0xf0: {  	_ =	swait.ge [sflag:s26], $0x2000  }
0xf1: {  	[sflag:s26] =	ssyncset.done $0x0  }
0xf2: {  	s31 =	simm.s32 $0x5;
	s29 =	rddreg [dreg:$0x11];
	[sflag:s26] =	ssyncadd.s32 $0xFFFFE000  }
0xf3: {  	[hbm4b:s29+s3] =	stream.linear.scatter [tilespmem:s28], [sflag:$0xE], $0x2000, $0x38;
	[tilespmem:$0x1A400] =	vst v63  }
0xf4: {  	_ =	swait.ge [sflag:s31], $0x2000  }
0xf5: {  	[sflag:s31] =	ssyncset.done $0x0  }
0xf6: {  	s22 =	simm.s32 $0x6;
	s0 =	rddreg [dreg:$0x12];
	[sflag:s31] =	ssyncadd.s32 $0xFFFFE000  }
0xf7: {  	[hbm4b:s0+s3] =	stream.linear.scatter [tilespmem:s30], [sflag:$0xF], $0x2000, $0x38;
	[tilespmem:$0x1A400] =	vst v63  }
0xf8: {  	_ =	swait.ge [sflag:s22], $0x2000  }
0xf9: {  	[sflag:s22] =	ssyncset.done $0x0  }
0xfa: {  	s23 =	rddreg [dreg:$0x13];
	[sflag:s22] =	ssyncadd.s32 $0xFFFFE000  }
0xfb: {  	[hbm4b:s23+s3] =	stream.linear.scatter [tilespmem:s1], [sflag:$0x10], $0x2000, $0x38;
	[tilespmem:$0x1A400] =	vst v63  }
0xfc: {  	_ =	swait.ge [sflag:s7], $0x2000  }
0xfd: {  	[sflag:s7] =	ssyncset.done $0x0  }
0xfe: {  	s24 =	rddreg [dreg:$0x14];
	[sflag:s7] =	ssyncadd.s32 $0xFFFFE000  }
0xff: {  	[hbm4b:s24+s3] =	stream.linear.scatter [tilespmem:s21], [sflag:$0x11], $0x2000, $0x38;
	[tilespmem:$0x1A400] =	vst v63  }
0x100: {  	_ =	swait.ge [sflag:s8], $0x2000  }
0x101: {  	[sflag:s8] =	ssyncset.done $0x0  }
0x102: {  	s26 =	rddreg [dreg:$0x15];
	[sflag:s8] =	ssyncadd.s32 $0xFFFFE000  }
0x103: {  	[hbm4b:s26+s3] =	stream.linear.scatter [tilespmem:s25], [sflag:$0x12], $0x2000, $0x38;
	[tilespmem:$0x1A400] =	vst v63  }
0x104: {  	_ =	swait.ge [sflag:s9], $0x2000  }
0x105: {  	[sflag:s9] =	ssyncset.done $0x0  }
0x106: {  	s28 =	rddreg [dreg:$0x16];
	[sflag:s9] =	ssyncadd.s32 $0xFFFFE000  }
0x107: {  	[hbm4b:s28+s3] =	stream.linear.scatter [tilespmem:s5], [sflag:$0x13], $0x2000, $0x38;
	[tilespmem:$0x1A400] =	vst v63  }
0x108: {  	_ =	swait.ge [sflag:s10], $0x2000  }
0x109: {  	[sflag:s10] =	ssyncset.done $0x0  }
0x10a: {  	s29 =	rddreg [dreg:$0x17];
	[sflag:s10] =	ssyncadd.s32 $0xFFFFE000  }
0x10b: {  	[hbm4b:s29+s3] =	stream.linear.scatter [tilespmem:s6], [sflag:$0x14], $0x2000, $0x38;
	[tilespmem:$0x1A400] =	vst v63  }
0x10c: {  	_ =	swait.ge [sflag:s11], $0x2000  }
0x10d: {  	[sflag:s11] =	ssyncset.done $0x0  }
0x10e: {  	[sflag:s11] =	ssyncadd.s32 $0xFFFFE000  }
0x10f: {  	_ =	swait.ge [sflag:s12], $0x2000  }
0x110: {  	[sflag:s12] =	ssyncset.done $0x0  }
0x111: {  	[sflag:s12] =	ssyncadd.s32 $0xFFFFE000  }
0x112: {  	_ =	swait.ge [sflag:s13], $0x2000  }
0x113: {  	[sflag:s13] =	ssyncset.done $0x0  }
0x114: {  	[sflag:s13] =	ssyncadd.s32 $0xFFFFE000  }
0x115: {  	_ =	swait.ge [sflag:s14], $0x2000  }
0x116: {  	[sflag:s14] =	ssyncset.done $0x0  }
0x117: {  	[sflag:s14] =	ssyncadd.s32 $0xFFFFE000  }
0x118: {  	_ =	swait.ge [sflag:s15], $0x2000  }
0x119: {  	[sflag:s15] =	ssyncset.done $0x0  }
0x11a: {  	[sflag:s15] =	ssyncadd.s32 $0xFFFFE000  }
0x11b: {  	_ =	swait.ge [sflag:s16], $0x2000  }
0x11c: {  	[sflag:s16] =	ssyncset.done $0x0  }
0x11d: {  	[sflag:s16] =	ssyncadd.s32 $0xFFFFE000  }
0x11e: {  	_ =	swait.ge [sflag:s17], $0x2000  }
0x11f: {  	[sflag:s17] =	ssyncset.done $0x0  }
0x120: {  	[sflag:s17] =	ssyncadd.s32 $0xFFFFE000  }
0x121: {  	_ =	swait.ge [sflag:s2], $0x2000  }
0x122: {  	[sflag:s2] =	ssyncset.done $0x0  }
0x123: {  	[sflag:s2] =	ssyncadd.s32 $0xFFFFE000  }
0x124: {  	_ =	swait.ge [sflag:s19], $0x2000  }
0x125: {  	[sflag:s19] =	ssyncset.done $0x0  }
0x126: {  	[sflag:s19] =	ssyncadd.s32 $0xFFFFE000  }
0x127: {  	_ =	swait.ge [sflag:s20], $0x2000  }
0x128: {  	s30 =	rddreg [dreg:$0x19]  }
0x129: {  	s31 =	rddreg [dreg:$0x18];
	s0 =	sadd.s32 $0x1, s30  }
0x12a: {  	p0 =	sne.s32 s0, s31  }
.Ltmp1:
0x12b: {  	_ = 	snop;
	(pc) =	sbr.rel @p0 .LBB2_1-.Ltmp1, $3  }
0x12c: {  	_ =	sdelay $0x1  }
0x12d: {  	[sflag:s20] =	ssyncset.done $0x0  }
0x12e: {  	[sflag:s20] =	ssyncadd.s32 $0xFFFFE000  }
0x12f: {  	_ =	sfence.sel $0x180000  }
0x130: {  	[bflag:$0x0] =	sbarrier.arrive $0xFFFF  }
0x131: {  	_ =	strace $0x90000047  }
0x132: {  	s0 =	stileid.u32;
	[bflag:$0x2] =	sbarrier.arrive $0xFFFF  }
0x133: {  	p0 =	sne.s32 s0, $0x0;
	s0 =	rddreg [dreg:$0x2]  }
0x134: {  	s0 =	sadd.s32 @!p0 $0x100000, s0  }
0x135: {  	[sflag:s0] =	ssyncadd.tile.s32 @!p0 $0x1;
	_ =	shalt  }
.Lfunc_end2:
_tile_overlayer_lowered:
.L_overlay_start_2:
0x136: {  	(tag) =	ssettag $0x2  }
0x137: {  	s0 =	rddreg [dreg:$0x0];
	s2 =	stileid.u32  }
0x138: {  	s1 =	rddreg [dreg:$0x1];
	p0 =	sne.s32 s2, $0x0  }
0x139: {  	s3 =	rddreg [dreg:$0x2];
	[bflag:$0x3] =	sbarrier.arrive $0xFFFF;
	s2 =	simm.s32 @!p0 $0x1C15  }
0x13a: {  	[timem:s3], [sflag:s2] =	dma.local @!p0 [hbm:s0], s1  }
0x13b: {  	s0 =	simm.s32 @!p0 $0x15  }
0x13c: {  	_ =	swait.ge @!p0 [sflag:s0], s1  }
0x13d: {  	s1 =	ssub.s32 @!p0 $0x0, s1;
	[sflag:s0] =	ssyncset.done @!p0 $0x0  }
0x13e: {  	[sflag:s0] =	ssyncadd.s32 @!p0 s1  }
0x13f: {  	[bflag:$0x3] =	sbarrier.arrive $0xFFFF  }
0x140: {  	_ =	shalt  }

// kernel: sparse-core-data-format-call.cloned.1.call-start
scs
called_computation_lowered:
.L_overlay_start_0:
0x0: {  	s2 =	sld [smem:$0x3FD9]  }
0x1: {  	s3 =	sld [smem:$0x3FFE];
	_ =	sdelay $0x1  }
0x2: {  	s1 =	srdreg.scid  }
0x3: {  	s0 =	sand.u32 $0x1, s1  }
0x4: {  	s18 =	sshll.u32 s0, $0xA;
	s2 =	sadd.s32 s3, s2  }
0x5: {  	s2 =	sadd.s32 s2, s18  }
0x6: {  	[smem:$0x3FC6] =	sst s2  }
0x7: {  	_ = 	snop  }
0x8: {  	s2 =	sld [smem:$0x3FD0];
	(tm) =	ssettm $0x1  }
0x9: {  	s19 =	sld [smem:$0x3FFB];
	_ =	sdelay $0x3  }
0xa: {  	_ =	strace s19  }
0xb: {  	s3 =	sld [smem:$0x3FFC];
	_ =	sdelay $0x3  }
0xc: {  	_ =	strace s3  }
0xd: {  	s3 =	sld [smem:$0x3FFD];
	_ =	sdelay $0x3  }
0xe: {  	_ =	strace s3  }
0xf: {  	_ =	strace $0x8FFFFFFF  }
0x10: {  	s20 =	sld [smem:$0x3FDB];
	_ =	sdelay $0x1  }
0x11: {  	s4 =	simm.s32 $_scs_section_size  }
0x12: {  	s5 =	simm.s32 $_size__tile_overlayer_lowered;
	s6 =	simm.s32 $_tile_overlayer_lowered  }
0x13: {  	s23 =	simm.s32 $0x1BFF;
	s22 =	sshll.u32 s6, $0x1;
	s3 =	sadd.s32 s4, s20  }
0x14: {  	s7 =	simm.s32 $0x0;
	s21 =	sshll.u32 s5, $0x1;
	s5 =	sadd.s32 s22, s3  }
0x15: {  	[timem:s7], [sflag:s23] =	dma.local [hbm:s5], s21  }
0x16: {  	_ =	swait.ge [sflag:s23], s21  }
0x17: {  	s4 =	ssub.s32 $0x0, s21;
	[sflag:s23] =	ssyncset.done $0x0  }
0x18: {  	[sflag:s23] =	ssyncadd.s32 s4;
	_ =	sdelay $0x1  }
0x19: {  	s24 =	simm.s32 $0x1B8B  }
0x1a: {  	_ =	swait.ge [sflag:s24], $0x1  }
0x1b: {  	[sflag:s24] =	ssyncset.done $0x0  }
0x1c: {  	s26 =	simm.s32 $0x1B8E;
	s25 =	sld [smem:$0x3FFE];
	[sflag:s24] =	ssyncadd.s32 $0xFFFFFFFF  }
0x1d: {  	s27 =	simm.s32 $execute0_lowered;
	[smem:$0x3FD2] =	sst s26  }
0x1e: {  	s5 =	sshll.u32 s27, $0x1;
	_ =	strace $0x80000049;
	[dreg:$0x1] =	wrdreg $0xFFFFFFFF  }
0x1f: {  	s28 =	simm.s32 $_size_execute0_lowered;
	s3 =	sadd.s32 s3, s5;
	[dreg:$0x0] =	wrdreg $0x0  }
0x20: {  	s5 =	sshll.u32 s28, $0x1;
	[dreg:$0x2] =	wrdreg s3  }
0x21: {  	[dreg:$0x3] =	wrdreg s5  }
0x22: {  	[dreg:$0x4] =	wrdreg $0xC0  }
0x23: {  	_ =	task [dreg:s7], $0x5FFFF  }
0x24: {  	[dreg:$0x1] =	wrdreg $0xFFFFFFFF  }
0x25: {  	[dreg:$0x0] =	wrdreg $0x60  }
0x26: {  	[dreg:$0x2] =	wrdreg s25  }
0x27: {  	[dreg:$0x3] =	wrdreg s2  }
0x28: {  	[dreg:$0x4] =	wrdreg $0x9  }
0x29: {  	_ =	task.clear_ibuf [dreg:s7], $0x5FFFF;
	_ =	strace $0x90000049  }
0x2a: {  	s29 =	simm.s32 $0x9;
	_ =	strace $0x8000004B  }
0x2b: {  	_ =	swait.ge [sflag:s29], $0x1  }
0x2c: {  	[sflag:s29] =	ssyncadd.s32 $0xFFFFFFFF  }
0x2d: {  	_ =	strace $0x9000004B  }
0x2e: {  	_ =	sfence  }
0x2f: {  	s30 =	sld [smem:$0x0];
	_ =	sdelay $0x2  }
0x30: {  	s31 =	sshll.u32 s1, $0xD;
	s1 =	sshrl.u32 s1, $0x2  }
0x31: {  	s3 =	sand.u32 $0x4000, s31;
	s1 =	sadd.s32 s1, s30  }
0x32: {  	s0 =	sor.u32 s3, s0;
	s1 =	sshll.u32 s1, $0x11  }
0x33: {  	s0 =	sor.u32 s1, s0  }
0x34: {  	s0 =	sadd.s32 $0x8F2B, s0  }
0x35: {  	[sflag:s0] =	ssyncadd.remote.s32 $0x1  }
0x36: {  	_ =	sfence.sel $0xFFFF  }
0x37: {  	[dreg:$0x0] =	wrdreg $0xFFFFFFFF;
	(pc) =	sbr.abs _section_cstart, $3  }
0x38: {  	[dreg:$0x1] =	wrdreg $0xFFFFFFFF  }
0x39: {  	_ =	task.clear_ibuf [dreg:s7], $0x2FFFF;
	_ =	strace $0x9FFFFFFF  }
0x3a: {  	(tm) =	ssettm $0x7FFFFFFF  }
0x3b: {  	_ =	shalt  }
tec
execute0_lowered:
.L_overlay_start_1:
0x0: {  	(tag) =	ssettag $0x1  }
0x1: {  	s0 =	srdreg.scid  }
0x2: {  	s1 =	sshll.u32 s0, $0x4  }
0x3: {  	s0 =	stileid.u32;
	s1 =	sand.u32 $0x10, s1  }
0x4: {  	s1 =	sor.u32 s0, s1  }
0x5: {  	s6 =	rddreg [dreg:$0x0];
	s4 =	simm.s32 $0x1;
	s2 =	sshll.u32 s1, $0x7  }
0x6: {  	s7 =	simm.s32 $0x2;
	s12 =	simm.s32 $0x0;
	s1 =	ssub.s32 $0x1000, s2  }
0x7: {  	s8 =	simm.s32 $0x8000;
	s13 =	simm.s32 $0x0;
	s3 =	sand.u32 $0xF80, s1  }
0x8: {  	s9 =	simm.s32 $0x0;
	s5 =	sshrl.u32 s1, $0xC;
	p0 =	sne.s32 s3, $0x0  }
.Ltmp0:
0x9: {  	s1 =	rddreg [dreg:$0x2];
	s4 =	simm.s32 @!p0 $0x0;
	(pc) =	sbr.rel .LBB1_1-.Ltmp0, $4  }
0xa: {  	s11 =	simm.s32 $0x0;
	s3 =	rddreg [dreg:$0x1];
	s5 =	sadd.s32 s4, s5  }
0xb: {  	_ =	strace $0x8000004A;
	s4 =	simm.s32 $0x1;
	s5 =	smul.u32 $0xC8, s5  }
0xc: {  	s6 =	sadd.s32 $0xA00, s6;
	s10 =	smov.u32 s2;
	[sflag:s4] =	ssyncpa.u1 $0x0  }
0xd: {  	p0 =	por $0x0, $0x0;
	[sflag:s7] =	ssyncpa.u1 $0x0;
	s7 =	sor.u32 $0x1, s5  }
.LBB1_4:
0xe: {  	s16 =	sshll.u32 s13, $0x3;
	s17 =	sand.u32 $0x78, s13  }
0xf: {  	s30 =	sand.u32 $0x7E00, s13;
	s12 =	sshll.u32 s12, $0xF;
	s16 =	sand.u32 $0xC00, s16  }
0x10: {  	[tilespmem:s15+$0x810 ss:$0x81] =	vst.msk $0xffff, v2;
	s31 =	sand.u32 $0x7, s13;
	s16 =	sor.u32 s17, s16;
	s17 =	sadd.s32 s3, s30  }
0x11: {  	[tilespmem:s15+$0x1020 ss:$0x81] =	vst.msk $0xffff, v0;
	s13 =	sshll.u32 s31, $0x12;
	s12 =	sadd.s32 s12, s17;
	s16 =	sshrl.u32 s16, $0x3  }
0x12: {  	[tilespmem:s15+$0x0 ss:$0x81] =	vst.msk $0xffff, v1;
	s13 =	sor.u32 $0x400, s13;
	s12 =	sadd.s32 s16, s12  }
0x13: {  	[hbm4b:s12+s13] =	stream.strided.scatter [tilespmem:s14], [sflag:$0x2], $0x2000, s8, s13, $0x20;
	[tilespmem:$0x8080] =	vst v63  }
.LBB1_5:
0x14: {  	s14 =	sadd.s32 $0x1, s9  }
0x15: {  	s12 =	sadd.s32 $0x1000, s10;
	s16 =	smov.u32 s10;
	p2 =	sgt.s32 s14, $0xC7  }
0x16: {  	s16 =	smov.u32 @p2 s12  }
0x17: {  	s14 =	simm.s32 @p2 $0x0;
	p2 =	sgt.s32 s16, $0xFFF  }
0x18: {  	s16 =	smov.u32 @p2 s2;
	p2 =	sne.s32 s11, s7  }
.Ltmp1:
0x19: {  	p1 =	slt.u32 s11, $0x2;
	(pc) =	sbr.rel @!p2 .LBB1_6-.Ltmp1, $4  }
0x1a: {  	s15 =	simm.s32 @!p1 $0x2  }
0x1b: {  	s13 =	smov.u32 s10;
	p0 =	por !p0, !p0;
	_ =	swait.ge @!p1 [sflag:s15], $0x2000  }
0x1c: {  	s12 =	smov.u32 s9;
	[sflag:s15] =	ssyncset.done @!p1 $0x0;
	s9 =	smov.u32 s14  }
0x1d: {  	s11 =	sadd.s32 $0x1, s11;
	[sflag:s15] =	ssyncadd.s32 @!p1 $0xFFFFE000;
	s10 =	smov.u32 s16  }
.LBB1_1:
0x1e: {  	p1 =	sge.u32 s11, s5  }
0x1f: {  	s14 =	sand.u32 @!p1 $0x1FFFFFF, s9  }
0x20: {  	s15 =	smulhi.u32 @!p1 $0x147AE15, s14;
	_ =	sdelay $0x1  }
0x21: {  	s15 =	smul.u32 @!p1 $0xC8, s15  }
0x22: {  	s16 =	sxor.u32 @!p1 $0xFFFFFFFF, s11;
	s17 =	smul.u32 @!p1 $0xC80, s10  }
0x23: {  	s31 =	sadd.s32 $0xFFFFFFFF, s11;
	s16 =	sshll.u32 @!p1 s16, $0xD;
	s14 =	ssub.s32 @!p1 s14, s15  }
0x24: {  	s15 =	sand.u32 @!p1 $0x2000, s16;
	s16 =	sadd.s32 @!p1 s6, s17;
	s14 =	sshll.u32 @!p1 s14, $0x4  }
0x25: {  	s17 =	simm.s32 @!p1 $0x6400;
	s14 =	sadd.s32 @!p1 s14, s16;
	s16 =	simm.s32 @!p1 $0x40  }
0x26: {  	[tilespmem:s15], [sflag:$0x1] =	stream.strided.gather @!p1 [hbm4b:s14+s16], $0x2000, s17, s16, $0x38;
	[tilespmem:$0x8080] =	vst v63  }
0x27: {  	p1 =	sge.u32 s31, s5  }
.Ltmp2:
0x28: {  	_ = 	snop;
	(pc) =	sbr.rel @p1 .LBB1_5-.Ltmp2, $1  }
0x29: {  	_ =	sdelay $0x3  }
0x2a: {  	s14 =	simm.s32 $0x1  }
0x2b: {  	_ =	swait.ge [sflag:s4], $0x2000;
	s14 =	simm.s32 @!p0 $0x0  }
0x2c: {  	[sflag:s4] =	ssyncset.done $0x0;
	s15 =	sshll.u32 s14, $0xD  }
0x2d: {  	[sflag:s4] =	ssyncadd.s32 $0xFFFFE000;
	s18 =	sor.u32 $0x20, s15  }
0x2e: {  	s14 =	smul.u32 $0x8100, s14;
	v3 =	vld [tilespmem:s18+$0x10]  }
0x2f: {  	s30 =	sand.u32 $0x1, s11;
	v2 =	vld [tilespmem:s18+$0xFFFFFFF0]  }
0x30: {  	s15 =	smul.u32 $0x8100, s30;
	s14 =	sshrl.u32 s14, $0x2;
	v0 =	vld [tilespmem:s18+$0x0]  }
0x31: {  	v1 =	vld [tilespmem:s18+$0xFFFFFFE0];
	s16 =	sor.u32 $0x4000, s14  }
0x32: {  	s31 =	sshrl.u32 s15, $0x2;
	s15 =	sadd.s32 $0x0, s16  }
0x33: {  	s17 =	simm.s32 $0x4;
	s18 =	sadd.s32 $0x40, s18;
	s14 =	sor.u32 $0x4000, s31;
	[tilespmem:s15+$0x1830 ss:$0x81] =	vst.msk $0xffff, v3  }
.LBB1_3:
0x34: {  	v3 =	vld [tilespmem:s18+$0x10];
	p1 =	sne.s32 s17, $0x1FC;
	[tilespmem:s15+$0x810 ss:$0x81] =	vst.msk $0xffff, v2;
	s19 =	smov.u32 s17;
	s17 =	sadd.s32 $0x4, s17  }
.Ltmp3:
0x35: {  	v2 =	vld [tilespmem:s18+$0xFFFFFFF0];
	[tilespmem:s15+$0x1020 ss:$0x81] =	vst.msk $0xffff, v0;
	(pc) =	sbr.rel @p1 .LBB1_3-.Ltmp3, $4  }
0x36: {  	v0 =	vld [tilespmem:s18+$0x0];
	[tilespmem:s15+$0x0 ss:$0x81] =	vst.msk $0xffff, v1  }
0x37: {  	s15 =	sshra.s32 s19, $0x2;
	v1 =	vld [tilespmem:s18+$0xFFFFFFE0]  }
0x38: {  	s15 =	sadd.s32 s15, s16  }
0x39: {  	s18 =	sadd.s32 $0x40, s18;
	[tilespmem:s15+$0x1830 ss:$0x81] =	vst.msk $0xffff, v3  }
.Ltmp4:
0x3a: {  	_ = 	snop;
	(pc) =	sbr.rel .LBB1_4-.Ltmp4, $1  }
0x3b: {  	_ =	sdelay $0x3  }
.LBB1_6:
0x3c: {  	_ =	sfence.sel $0x180000  }
0x3d: {  	s2 =	simm.s32 $0x1;
	[bflag:$0x0] =	sbarrier.arrive $0xFFFF  }
0x3e: {  	s31 =	simm.s32 $0x2;
	[sflag:s2] =	ssyncpa.u1 $0x1  }
0x3f: {  	[sflag:s31] =	ssyncpa.u1 $0x1  }
0x40: {  	p0 =	sne.s32 s0, $0x0;
	_ =	strace $0x9000004A  }
0x41: {  	s0 =	sadd.s32 @!p0 $0x100000, s1;
	[bflag:$0x2] =	sbarrier.arrive $0xFFFF  }
0x42: {  	[sflag:s0] =	ssyncadd.tile.s32 @!p0 $0x1;
	_ =	shalt  }
.Lfunc_end1:
_tile_overlayer_lowered:
.L_overlay_start_2:
0x43: {  	(tag) =	ssettag $0x2  }
0x44: {  	s0 =	rddreg [dreg:$0x0];
	s2 =	stileid.u32  }
0x45: {  	s1 =	rddreg [dreg:$0x1];
	p0 =	sne.s32 s2, $0x0  }
0x46: {  	s3 =	rddreg [dreg:$0x2];
	[bflag:$0x3] =	sbarrier.arrive $0xFFFF;
	s2 =	simm.s32 @!p0 $0x1C01  }
0x47: {  	[timem:s3], [sflag:s2] =	dma.local @!p0 [hbm:s0], s1  }
0x48: {  	s0 =	simm.s32 @!p0 $0x1  }
0x49: {  	_ =	swait.ge @!p0 [sflag:s0], s1  }
0x4a: {  	s1 =	ssub.s32 @!p0 $0x0, s1;
	[sflag:s0] =	ssyncset.done @!p0 $0x0  }
0x4b: {  	[sflag:s0] =	ssyncadd.s32 @!p0 s1  }
0x4c: {  	[bflag:$0x3] =	sbarrier.arrive $0xFFFF  }
0x4d: {  	_ =	shalt  }

</sc_bundles>
